<compile_context>
chip_gen: v7x
topology: tpu7x:2x2x1
jax: 0.10.2.dev20260603
libtpu: 0.0.44.dev20260713+nightly
codegen_flags: <defaults>
</compile_context>

<pallas_src>
import functools

import jax
import jax.numpy as jnp
from jax import lax
from jax.experimental import pallas as pl
from jax.experimental.pallas import tpu as pltpu
from jax.experimental.pallas import tpu_sc as plsc

N = 10000
M = 5000
NNZ = 320000
DIN = 128
DOUT = 128
DH = DOUT // 2
NC = 2
NS = 16
MP = 5120
NP = 10240
PT = NNZ // NS
B = 400
NK = PT // B
RC = 64
ET = MP // NS
VT = NP // NS


def _mm_body(x_ref, w_ref, b_ref, o_ref):
    o_ref[...] = lax.dot_general(
        x_ref[...], w_ref[...], (((1,), (1,)), ((), ())),
        preferred_element_type=jnp.float32) + b_ref[0]


def _project(X, W, b):
    blk = 1000
    nblk = N // blk
    return pl.pallas_call(
        _mm_body,
        grid=(NC, nblk),
        in_specs=[
            pl.BlockSpec((blk, DIN), lambda c, i: (i, 0)),
            pl.BlockSpec((DH, DIN), lambda c, i: (c, 0)),
            pl.BlockSpec((1, 1, DH), lambda c, i: (c, 0, 0)),
        ],
        out_specs=pl.BlockSpec((blk, DH), lambda c, i: (c * nblk + i, 0)),
        out_shape=jax.ShapeDtypeStruct((NC * N, DH), jnp.float32),
    )(X, W, b.reshape(NC, 1, DH))


def _sc_body(h_ref, vi_ref, ei_ref, out_ref,
             e_acc, v_acc, e_cnt, v_cnt,
             vidx0, vadj0, eidx0, rows0, vidx1, vadj1, eidx1, rows1,
             ones, zbuf, dbuf, cbuf, z1,
             sem_g, sem_s0, sem_c, sem_i, sem_i2):
    cid = lax.axis_index("c")
    sid = lax.axis_index("s")

    one16 = jnp.full((16,), 1.0, jnp.float32)
    zero16 = jnp.zeros((16,), jnp.float32)

    def init_ones(i, c):
        ones[pl.ds(i * 16, 16)] = one16
        return c
    lax.fori_loop(0, B // 16, init_ones, 0)

    def init_z(i, c):
        zbuf[i // 4, pl.ds((i % 4) * 16, 16)] = zero16
        return c
    lax.fori_loop(0, RC * 4, init_z, 0)

    def init_z1(i, c):
        z1[pl.ds(i * 16, 16)] = zero16
        return c
    lax.fori_loop(0, VT // 16, init_z1, 0)

    def zero_e(j, c):
        pltpu.sync_copy(zbuf, e_acc.at[pl.ds(sid * ET + j * RC, RC)])
        return c
    lax.fori_loop(0, ET // RC, zero_e, 0)

    def zero_v(j, c):
        pltpu.sync_copy(zbuf, v_acc.at[pl.ds(sid * VT + j * RC, RC)])
        return c
    lax.fori_loop(0, VT // RC, zero_v, 0)

    pltpu.sync_copy(z1.at[pl.ds(0, ET)], e_cnt.at[pl.ds(sid * ET, ET)])
    pltpu.sync_copy(z1, v_cnt.at[pl.ds(sid * VT, VT)])
    plsc.subcore_barrier()

    pair0 = sid * PT
    off = cid * N

    def load_adj(k, vidx, vadj, eidx):
        base = pair0 + k * B
        ca = pltpu.async_copy(vi_ref.at[pl.ds(base, B)], vidx, sem_i)
        cb = pltpu.async_copy(ei_ref.at[pl.ds(base, B)], eidx, sem_i2)
        ca.wait()
        cb.wait()

        def adj(i, cc):
            vadj[pl.ds(i * 16, 16)] = vidx[pl.ds(i * 16, 16)] + off
            return cc
        lax.fori_loop(0, B // 16, adj, 0)

    def chunk_a(k, vidx, vadj, eidx, rows, sem_gc,
                nvidx, nvadj, neidx, nrows, nsem_g):
        @pl.when(k + 1 < NK)
        def _():
            load_adj(k + 1, nvidx, nvadj, neidx)
            pltpu.async_copy(h_ref.at[nvadj], nrows, nsem_g)
        pltpu.async_copy(ones, v_cnt.at[vidx], sem_c, add=True)
        pltpu.async_copy(ones, e_cnt.at[eidx], sem_c, add=True)
        pltpu.make_async_copy(h_ref.at[vadj], rows, sem_gc).wait()
        pltpu.sync_copy(rows, e_acc.at[eidx], add=True)
        pltpu.make_async_copy(ones, v_cnt.at[vidx], sem_c).wait()
        pltpu.make_async_copy(ones, e_cnt.at[eidx], sem_c).wait()

    load_adj(0, vidx0, vadj0, eidx0)
    pltpu.async_copy(h_ref.at[vadj0], rows0, sem_g)

    def pair_a(i, c):
        chunk_a(2 * i, vidx0, vadj0, eidx0, rows0, sem_g,
                vidx1, vadj1, eidx1, rows1, sem_s0)
        chunk_a(2 * i + 1, vidx1, vadj1, eidx1, rows1, sem_s0,
                vidx0, vadj0, eidx0, rows0, sem_g)
        return c
    lax.fori_loop(0, NK // 2, pair_a, 0)
    plsc.subcore_barrier()

    def div_e(j, c):
        r0 = sid * ET + j * RC
        pltpu.sync_copy(e_acc.at[pl.ds(r0, RC)], dbuf)
        pltpu.sync_copy(e_cnt.at[pl.ds(r0, RC)], cbuf)

        def grp(g, cc):
            recv = 1.0 / jnp.maximum(cbuf[pl.ds(g * 16, 16)], 1.0)
            for r2 in range(16):
                r = g * 16 + r2
                rec = recv[r2]
                for q in range(DH // 16):
                    dbuf[r, pl.ds(q * 16, 16)] = dbuf[r, pl.ds(q * 16, 16)] * rec
            return cc
        lax.fori_loop(0, RC // 16, grp, 0)
        pltpu.sync_copy(dbuf, e_acc.at[pl.ds(r0, RC)])
        return c
    lax.fori_loop(0, ET // RC, div_e, 0)
    plsc.subcore_barrier()

    def load_b(k, vidx, eidx):
        base = pair0 + k * B
        ca = pltpu.async_copy(vi_ref.at[pl.ds(base, B)], vidx, sem_i)
        cb = pltpu.async_copy(ei_ref.at[pl.ds(base, B)], eidx, sem_i2)
        ca.wait()
        cb.wait()

    def chunk_b(k, vidx, eidx, rows, sem_gc, nvidx, neidx, nrows, nsem_g):
        @pl.when(k + 1 < NK)
        def _():
            load_b(k + 1, nvidx, neidx)
            pltpu.async_copy(e_acc.at[neidx], nrows, nsem_g)
        pltpu.make_async_copy(e_acc.at[eidx], rows, sem_gc).wait()
        pltpu.sync_copy(rows, v_acc.at[vidx], add=True)

    load_b(0, vidx0, eidx0)
    pltpu.async_copy(e_acc.at[eidx0], rows0, sem_g)

    def pair_b(i, c):
        chunk_b(2 * i, vidx0, eidx0, rows0, sem_g,
                vidx1, eidx1, rows1, sem_s0)
        chunk_b(2 * i + 1, vidx1, eidx1, rows1, sem_s0,
                vidx0, eidx0, rows0, sem_g)
        return c
    lax.fori_loop(0, NK // 2, pair_b, 0)
    plsc.subcore_barrier()

    def div_v(j, c):
        r0 = sid * VT + j * RC
        pltpu.sync_copy(v_acc.at[pl.ds(r0, RC)], dbuf)
        pltpu.sync_copy(v_cnt.at[pl.ds(r0, RC)], cbuf)

        def grp(g, cc):
            recv = 1.0 / jnp.maximum(cbuf[pl.ds(g * 16, 16)], 1.0)
            for r2 in range(16):
                r = g * 16 + r2
                rec = recv[r2]
                for q in range(DH // 16):
                    v = dbuf[r, pl.ds(q * 16, 16)] * rec
                    dbuf[r, pl.ds(q * 16, 16)] = jnp.maximum(v, 0.0)
            return cc
        lax.fori_loop(0, RC // 16, grp, 0)
        pltpu.sync_copy(dbuf, out_ref.at[pl.ds(cid * NP + r0, RC)])
        return c
    lax.fori_loop(0, VT // RC, div_v, 0)


_sc_agg = functools.partial(
    pl.kernel,
    out_type=jax.ShapeDtypeStruct((NC * NP, DH), jnp.float32),
    mesh=plsc.VectorSubcoreMesh(core_axis_name="c", subcore_axis_name="s"),
    compiler_params=pltpu.CompilerParams(use_tc_tiling_on_sc=False),
    scratch_types=[
        pltpu.VMEM_SHARED((MP, DH), jnp.float32),
        pltpu.VMEM_SHARED((NP, DH), jnp.float32),
        pltpu.VMEM_SHARED((MP,), jnp.float32),
        pltpu.VMEM_SHARED((NP,), jnp.float32),
        pltpu.VMEM((B,), jnp.int32),
        pltpu.VMEM((B,), jnp.int32),
        pltpu.VMEM((B,), jnp.int32),
        pltpu.VMEM((B, DH), jnp.float32),
        pltpu.VMEM((B,), jnp.int32),
        pltpu.VMEM((B,), jnp.int32),
        pltpu.VMEM((B,), jnp.int32),
        pltpu.VMEM((B, DH), jnp.float32),
        pltpu.VMEM((B,), jnp.float32),
        pltpu.VMEM((RC, DH), jnp.float32),
        pltpu.VMEM((RC, DH), jnp.float32),
        pltpu.VMEM((RC,), jnp.float32),
        pltpu.VMEM((VT,), jnp.float32),
        pltpu.SemaphoreType.DMA,
        pltpu.SemaphoreType.DMA,
        pltpu.SemaphoreType.DMA,
        pltpu.SemaphoreType.DMA,
        pltpu.SemaphoreType.DMA,
    ],
)(_sc_body)


def kernel(X, v_idx, e_idx, W, b):
    vi = v_idx.astype(jnp.int32)
    ei = e_idx.astype(jnp.int32)
    H2 = _project(X, W, b)
    out2 = _sc_agg(H2, vi, ei)
    return jnp.concatenate([out2[:N], out2[NP:NP + N]], axis=1)

# --- scband reference (transcript-rebuilt; emitter-appended) ---
"""Pipeline reference for scband-hypergraph-conv-10187662426196 (READ-ONLY COPY).

The authoritative reference and input builder live on the scoring server;
editing this copy changes nothing except your own understanding.
"""

import jax, jax.numpy as jnp
import numpy as np

N = 10000      # vertices
M = 5000       # hyperedges
NNZ = 320000   # incidence pairs
DIN = 128
DOUT = 128

def setup_inputs(seed: int = 0) -> dict:
    key = jax.random.key(seed)
    k1, k2, k3, k4, k5 = jax.random.split(key, 5)
    X = jax.random.normal(k1, (N, DIN), dtype=jnp.float32)
    v_idx = jax.random.randint(k2, (NNZ,), 0, N, dtype=jnp.int64) if jax.config.jax_enable_x64 else jax.random.randint(k2, (NNZ,), 0, N).astype(jnp.int32)
    e_idx = jax.random.randint(k3, (NNZ,), 0, M, dtype=jnp.int64) if jax.config.jax_enable_x64 else jax.random.randint(k3, (NNZ,), 0, M).astype(jnp.int32)
    # Linear layer params (theta): PyTorch default init scale
    bound = 1.0 / np.sqrt(DIN)
    W = jax.random.uniform(k4, (DOUT, DIN), dtype=jnp.float32, minval=-bound, maxval=bound)
    b = jax.random.uniform(k5, (DOUT,), dtype=jnp.float32, minval=-bound, maxval=bound)
    return {"X": X, "v_idx": v_idx, "e_idx": e_idx, "W": W, "b": b}

def reference(X, v_idx, e_idx, W, b):
    # theta: linear projection
    H = X @ W.T + b
    # hypergraph.v2e(H, aggr='mean'): mean of incident vertex features per hyperedge
    gathered_v = jnp.take(H, v_idx, axis=0)
    e_sum = jax.ops.segment_sum(gathered_v, e_idx, num_segments=M)
    e_cnt = jax.ops.segment_sum(jnp.ones((NNZ,), jnp.float32), e_idx, num_segments=M)
    Y = e_sum / jnp.maximum(e_cnt, 1.0)[:, None]
    # hypergraph.e2v(Y, aggr='mean'): mean of incident hyperedge features per vertex
    gathered_e = jnp.take(Y, e_idx, axis=0)
    v_sum = jax.ops.segment_sum(gathered_e, v_idx, num_segments=N)
    v_cnt = jax.ops.segment_sum(jnp.ones((NNZ,), jnp.float32), v_idx, num_segments=N)
    X_ = v_sum / jnp.maximum(v_cnt, 1.0)[:, None]
    # ReLU; Dropout is identity in eval mode
    return jax.nn.relu(X_)

if __name__ == "__main__":
    import jax
    _d = setup_inputs()
    print(jax.jit(kernel)(*tuple(_d.values())))

</pallas_src>

<mosaic_0001>
#map = affine_map<(d0, d1) -> (0, 0)>
#map1 = affine_map<(d0, d1) -> (0)>
module attributes {stable_mosaic.version = 14 : i64} {
  func.func @_sc_body(%arg0: i32, %arg1: i32, %arg2: memref<20000x64xf32, #tpu.memory_space<hbm>>, %arg3: memref<320000xi32, #tpu.memory_space<hbm>>, %arg4: memref<320000xi32, #tpu.memory_space<hbm>>, %arg5: memref<20480x64xf32, #tpu.memory_space<hbm>>, %arg6: memref<5120x64xf32, #tpu.memory_space<vmem_shared>>, %arg7: memref<10240x64xf32, #tpu.memory_space<vmem_shared>>, %arg8: memref<5120xf32, #tpu.memory_space<vmem_shared>>, %arg9: memref<10240xf32, #tpu.memory_space<vmem_shared>>, %arg10: memref<400xi32, #tpu.memory_space<vmem>>, %arg11: memref<400xi32, #tpu.memory_space<vmem>>, %arg12: memref<400xi32, #tpu.memory_space<vmem>>, %arg13: memref<400x64xf32, #tpu.memory_space<vmem>>, %arg14: memref<400xi32, #tpu.memory_space<vmem>>, %arg15: memref<400xi32, #tpu.memory_space<vmem>>, %arg16: memref<400xi32, #tpu.memory_space<vmem>>, %arg17: memref<400x64xf32, #tpu.memory_space<vmem>>, %arg18: memref<400xf32, #tpu.memory_space<vmem>>, %arg19: memref<64x64xf32, #tpu.memory_space<vmem>>, %arg20: memref<64x64xf32, #tpu.memory_space<vmem>>, %arg21: memref<64xf32, #tpu.memory_space<vmem>>, %arg22: memref<640xf32, #tpu.memory_space<vmem>>, %arg23: memref<!tpu.dma_semaphore, #tpu.memory_space<semaphore_mem>>, %arg24: memref<!tpu.dma_semaphore, #tpu.memory_space<semaphore_mem>>, %arg25: memref<!tpu.dma_semaphore, #tpu.memory_space<semaphore_mem>>, %arg26: memref<!tpu.dma_semaphore, #tpu.memory_space<semaphore_mem>>, %arg27: memref<!tpu.dma_semaphore, #tpu.memory_space<semaphore_mem>>) attributes {dimension_semantics = [#tpu.dimension_semantics<core_parallel>, #tpu.dimension_semantics<subcore_parallel>], iteration_bounds = array<i64: 2, 16>, scalar_prefetch = 0 : i64, scratch_operands = 22 : i64, tpu.core_type = #tpu.core_type<sc_vector_subcore>, window_params = [{transform_indices = #map}, {transform_indices = #map1}, {transform_indices = #map1}, {transform_indices = #map}]} {
    %broadcast_in_dim3A = arith.constant 1.000000e+00 : f32
    %broadcast_in_dim3A_0 = vector.broadcast %broadcast_in_dim3A : f32 to vector<16xf32>
    %broadcast_in_dim3A_1 = arith.constant 0.000000e+00 : f32
    %broadcast_in_dim3A_2 = vector.broadcast %broadcast_in_dim3A_1 : f32 to vector<16xf32>
    %scan3A = arith.constant 0 : i32
    %scan3A_3 = arith.constant 0 : i32
    %scan3A_4 = arith.constant 25 : i32
    %scan3A_5 = arith.addi %scan3A_3, %scan3A_4 : i32
    %scan3A_6 = arith.constant 1 : i32
    scf.for %scan3A_95 = %scan3A_3 to %scan3A_5 step %scan3A_6  : i32 {
      %mul3A_96 = arith.constant 16 : i32
      %mul3A_97 = arith.muli %scan3A_95, %mul3A_96 : i32
      %swap3A = arith.index_cast %mul3A_97 : i32 to index
      %swap3A_98 = tpu.vector_load %arg18[%swap3A] {strides = array<i32>} : memref<400xf32, #tpu.memory_space<vmem>>, vector<16xf32>,
      %swap3A_99 = vector.shape_cast %swap3A_98 : vector<16xf32> to vector<16xf32>
      %swap3A_100 = vector.shape_cast %broadcast_in_dim3A_0 : vector<16xf32> to vector<16xf32>
      tpu.vector_store %arg18[%swap3A], %swap3A_100 {strides = array<i32>} : memref<400xf32, #tpu.memory_space<vmem>>, vector<16xf32>,
    }
    %scan3A_7 = arith.constant 25 : i32
    %scan3A_8 = arith.constant 0 : i32
    %scan3A_9 = arith.constant 0 : i32
    %scan3A_10 = arith.constant 256 : i32
    %scan3A_11 = arith.addi %scan3A_9, %scan3A_10 : i32
    %scan3A_12 = arith.constant 1 : i32
    scf.for %scan3A_95 = %scan3A_9 to %scan3A_11 step %scan3A_12  : i32 {
      %jit3A = arith.constant 4 : i32
      %div3A = arith.divsi %scan3A_95, %jit3A : i32
      %sign3A = arith.constant 0 : i32
      %sign3A_96 = arith.cmpi sgt, %scan3A_95, %sign3A : i32
      %sign3A_97 = arith.extui %sign3A_96 : i1 to i32
      %sign3A_98 = arith.constant 0 : i32
      %sign3A_99 = arith.cmpi slt, %scan3A_95, %sign3A_98 : i32
      %sign3A_100 = arith.extui %sign3A_99 : i1 to i32
      %sign3A_101 = arith.subi %sign3A_97, %sign3A_100 : i32
      %sign3A_102 = arith.constant 0 : i32
      %sign3A_103 = arith.cmpi sgt, %jit3A, %sign3A_102 : i32
      %sign3A_104 = arith.extui %sign3A_103 : i1 to i32
      %sign3A_105 = arith.constant 0 : i32
      %sign3A_106 = arith.cmpi slt, %jit3A, %sign3A_105 : i32
      %sign3A_107 = arith.extui %sign3A_106 : i1 to i32
      %sign3A_108 = arith.subi %sign3A_104, %sign3A_107 : i32
      %ne3A = arith.cmpi ne, %sign3A_101, %sign3A_108 : i32
      %rem3A = arith.remsi %scan3A_95, %jit3A : i32
      %ne3A_109 = arith.constant 0 : i32
      %ne3A_110 = arith.cmpi ne, %rem3A, %ne3A_109 : i32
      %and3A = arith.andi %ne3A, %ne3A_110 : i1
      %sub3A = arith.constant 1 : i32
      %sub3A_111 = arith.subi %div3A, %sub3A : i32
      %select_n3A = arith.select %and3A, %sub3A_111, %div3A : i32
      %jit3A_112 = arith.constant 4 : i32
      %eq3A = arith.constant 0 : i32
      %eq3A_113 = arith.cmpi eq, %jit3A_112, %eq3A : i32
      %jit3A_114 = arith.constant 1 : i32
      %select_n3A_115 = arith.select %eq3A_113, %jit3A_114, %jit3A_112 : i32
      %rem3A_116 = arith.remsi %scan3A_95, %select_n3A_115 : i32
      %ne3A_117 = arith.constant 0 : i32
      %ne3A_118 = arith.cmpi ne, %rem3A_116, %ne3A_117 : i32
      %lt3A = arith.constant 0 : i32
      %lt3A_119 = arith.cmpi slt, %rem3A_116, %lt3A : i32
      %lt3A_120 = arith.constant 0 : i32
      %lt3A_121 = arith.cmpi slt, %select_n3A_115, %lt3A_120 : i32
      %ne3A_122 = arith.xori %lt3A_119, %lt3A_121 : i1
      %and3A_123 = arith.andi %ne3A_122, %ne3A_118 : i1
      %add3A_124 = arith.addi %rem3A_116, %select_n3A_115 : i32
      %select_n3A_125 = arith.select %and3A_123, %add3A_124, %rem3A_116 : i32
      %mul3A_126 = arith.constant 16 : i32
      %mul3A_127 = arith.muli %select_n3A_125, %mul3A_126 : i32
      %swap3A = arith.index_cast %select_n3A : i32 to index
      %swap3A_128 = arith.index_cast %mul3A_127 : i32 to index
      %swap3A_129 = tpu.vector_load %arg19[%swap3A, %swap3A_128] {strides = array<i32>} : memref<64x64xf32, #tpu.memory_space<vmem>>, vector<1x16xf32>,
      %swap3A_130 = vector.shape_cast %swap3A_129 : vector<1x16xf32> to vector<16xf32>
      %swap3A_131 = vector.shape_cast %broadcast_in_dim3A_2 : vector<16xf32> to vector<1x16xf32>
      tpu.vector_store %arg19[%swap3A, %swap3A_128], %swap3A_131 {strides = array<i32>} : memref<64x64xf32, #tpu.memory_space<vmem>>, vector<1x16xf32>,
    }
    %scan3A_13 = arith.constant 256 : i32
    %scan3A_14 = arith.constant 0 : i32
    %scan3A_15 = arith.constant 0 : i32
    %scan3A_16 = arith.constant 40 : i32
    %scan3A_17 = arith.addi %scan3A_15, %scan3A_16 : i32
    %scan3A_18 = arith.constant 1 : i32
    scf.for %scan3A_95 = %scan3A_15 to %scan3A_17 step %scan3A_18  : i32 {
      %mul3A_96 = arith.constant 16 : i32
      %mul3A_97 = arith.muli %scan3A_95, %mul3A_96 : i32
      %swap3A = arith.index_cast %mul3A_97 : i32 to index
      %swap3A_98 = tpu.vector_load %arg22[%swap3A] {strides = array<i32>} : memref<640xf32, #tpu.memory_space<vmem>>, vector<16xf32>,
      %swap3A_99 = vector.shape_cast %swap3A_98 : vector<16xf32> to vector<16xf32>
      %swap3A_100 = vector.shape_cast %broadcast_in_dim3A_2 : vector<16xf32> to vector<16xf32>
      tpu.vector_store %arg22[%swap3A], %swap3A_100 {strides = array<i32>} : memref<640xf32, #tpu.memory_space<vmem>>, vector<16xf32>,
    }
    %scan3A_19 = arith.constant 40 : i32
    %scan3A_20 = arith.constant 0 : i32
    %scan3A_21 = arith.constant 0 : i32
    %scan3A_22 = arith.constant 5 : i32
    %scan3A_23 = arith.addi %scan3A_21, %scan3A_22 : i32
    %scan3A_24 = arith.constant 1 : i32
    scf.for %scan3A_95 = %scan3A_21 to %scan3A_23 step %scan3A_24  : i32 {
      %mul3A_96 = arith.constant 320 : i32
      %mul3A_97 = arith.muli %arg1, %mul3A_96 : i32
      %mul3A_98 = arith.constant 64 : i32
      %mul3A_99 = arith.muli %scan3A_95, %mul3A_98 : i32
      %add3A_100 = arith.addi %mul3A_97, %mul3A_99 : i32
      "tpu.region"() ({
        %run_scoped3A = tpu.sem_alloc : memref<!tpu.dma_semaphore, #tpu.memory_space<semaphore_mem>>
        %dma_start3A_101 = arith.constant 0 : i32
        %dma_start3A_102 = tpu.memref_slice %arg6[%add3A_100, %dma_start3A_101] : memref<5120x64xf32, #tpu.memory_space<vmem_shared>> -> memref<64x64xf32, #tpu.memory_space<vmem_shared>>
        %dma_start3A_103 = arith.constant 0 : i32
        %dma_start3A_104 = tpu.memref_slice %arg6[%add3A_100, %dma_start3A_103] : memref<5120x64xf32, #tpu.memory_space<vmem_shared>> -> memref<64x64xf32, #tpu.memory_space<vmem_shared>>
        tpu.enqueue_dma source(%arg19 : memref<64x64xf32, #tpu.memory_space<vmem>>) target(%dma_start3A_104 : memref<64x64xf32, #tpu.memory_space<vmem_shared>>) target_semaphore(%run_scoped3A : memref<!tpu.dma_semaphore, #tpu.memory_space<semaphore_mem>>)
        %dma_wait3A_105 = arith.constant 0 : i32
        %dma_wait3A_106 = tpu.memref_slice %arg6[%add3A_100, %dma_wait3A_105] : memref<5120x64xf32, #tpu.memory_space<vmem_shared>> -> memref<64x64xf32, #tpu.memory_space<vmem_shared>>
        %dma_wait3A_107 = arith.constant 0 : i32
        %dma_wait3A_108 = tpu.memref_slice %arg6[%add3A_100, %dma_wait3A_107] : memref<5120x64xf32, #tpu.memory_space<vmem_shared>> -> memref<64x64xf32, #tpu.memory_space<vmem_shared>>
        tpu.wait_dma2 semaphore(%run_scoped3A : memref<!tpu.dma_semaphore, #tpu.memory_space<semaphore_mem>>) src(%arg19 : memref<64x64xf32, #tpu.memory_space<vmem>>) dst(%dma_wait3A_108 : memref<64x64xf32, #tpu.memory_space<vmem_shared>>)
        tpu.yield
      }) : () -> ()
    }
    %scan3A_25 = arith.constant 5 : i32
    %scan3A_26 = arith.constant 0 : i32
    %scan3A_27 = arith.constant 0 : i32
    %scan3A_28 = arith.constant 10 : i32
    %scan3A_29 = arith.addi %scan3A_27, %scan3A_28 : i32
    %scan3A_30 = arith.constant 1 : i32
    scf.for %scan3A_95 = %scan3A_27 to %scan3A_29 step %scan3A_30  : i32 {
      %mul3A_96 = arith.constant 640 : i32
      %mul3A_97 = arith.muli %arg1, %mul3A_96 : i32
      %mul3A_98 = arith.constant 64 : i32
      %mul3A_99 = arith.muli %scan3A_95, %mul3A_98 : i32
      %add3A_100 = arith.addi %mul3A_97, %mul3A_99 : i32
      "tpu.region"() ({
        %run_scoped3A = tpu.sem_alloc : memref<!tpu.dma_semaphore, #tpu.memory_space<semaphore_mem>>
        %dma_start3A_101 = arith.constant 0 : i32
        %dma_start3A_102 = tpu.memref_slice %arg7[%add3A_100, %dma_start3A_101] : memref<10240x64xf32, #tpu.memory_space<vmem_shared>> -> memref<64x64xf32, #tpu.memory_space<vmem_shared>>
        %dma_start3A_103 = arith.constant 0 : i32
        %dma_start3A_104 = tpu.memref_slice %arg7[%add3A_100, %dma_start3A_103] : memref<10240x64xf32, #tpu.memory_space<vmem_shared>> -> memref<64x64xf32, #tpu.memory_space<vmem_shared>>
        tpu.enqueue_dma source(%arg19 : memref<64x64xf32, #tpu.memory_space<vmem>>) target(%dma_start3A_104 : memref<64x64xf32, #tpu.memory_space<vmem_shared>>) target_semaphore(%run_scoped3A : memref<!tpu.dma_semaphore, #tpu.memory_space<semaphore_mem>>)
        %dma_wait3A_105 = arith.constant 0 : i32
        %dma_wait3A_106 = tpu.memref_slice %arg7[%add3A_100, %dma_wait3A_105] : memref<10240x64xf32, #tpu.memory_space<vmem_shared>> -> memref<64x64xf32, #tpu.memory_space<vmem_shared>>
        %dma_wait3A_107 = arith.constant 0 : i32
        %dma_wait3A_108 = tpu.memref_slice %arg7[%add3A_100, %dma_wait3A_107] : memref<10240x64xf32, #tpu.memory_space<vmem_shared>> -> memref<64x64xf32, #tpu.memory_space<vmem_shared>>
        tpu.wait_dma2 semaphore(%run_scoped3A : memref<!tpu.dma_semaphore, #tpu.memory_space<semaphore_mem>>) src(%arg19 : memref<64x64xf32, #tpu.memory_space<vmem>>) dst(%dma_wait3A_108 : memref<64x64xf32, #tpu.memory_space<vmem_shared>>)
        tpu.yield
      }) : () -> ()
    }
    %scan3A_31 = arith.constant 10 : i32
    %mul3A = arith.constant 320 : i32
    %mul3A_32 = arith.muli %arg1, %mul3A : i32
    "tpu.region"() ({
      %run_scoped3A = tpu.sem_alloc : memref<!tpu.dma_semaphore, #tpu.memory_space<semaphore_mem>>
      %dma_start3A_95 = arith.constant 0 : i32
      %dma_start3A_96 = tpu.memref_slice %arg22[%dma_start3A_95] : memref<640xf32, #tpu.memory_space<vmem>> -> memref<320xf32, #tpu.memory_space<vmem>>
      %dma_start3A_97 = tpu.memref_slice %arg8[%mul3A_32] : memref<5120xf32, #tpu.memory_space<vmem_shared>> -> memref<320xf32, #tpu.memory_space<vmem_shared>>
      %dma_start3A_98 = tpu.memref_slice %arg8[%mul3A_32] : memref<5120xf32, #tpu.memory_space<vmem_shared>> -> memref<320xf32, #tpu.memory_space<vmem_shared>>
      %dma_start3A_99 = arith.constant 0 : i32
      %dma_start3A_100 = tpu.memref_slice %arg22[%dma_start3A_99] : memref<640xf32, #tpu.memory_space<vmem>> -> memref<320xf32, #tpu.memory_space<vmem>>
      tpu.enqueue_dma source(%dma_start3A_100 : memref<320xf32, #tpu.memory_space<vmem>>) target(%dma_start3A_98 : memref<320xf32, #tpu.memory_space<vmem_shared>>) target_semaphore(%run_scoped3A : memref<!tpu.dma_semaphore, #tpu.memory_space<semaphore_mem>>)
      %dma_wait3A_101 = arith.constant 0 : i32
      %dma_wait3A_102 = tpu.memref_slice %arg22[%dma_wait3A_101] : memref<640xf32, #tpu.memory_space<vmem>> -> memref<320xf32, #tpu.memory_space<vmem>>
      %dma_wait3A_103 = tpu.memref_slice %arg8[%mul3A_32] : memref<5120xf32, #tpu.memory_space<vmem_shared>> -> memref<320xf32, #tpu.memory_space<vmem_shared>>
      %dma_wait3A_104 = tpu.memref_slice %arg8[%mul3A_32] : memref<5120xf32, #tpu.memory_space<vmem_shared>> -> memref<320xf32, #tpu.memory_space<vmem_shared>>
      %dma_wait3A_105 = arith.constant 0 : i32
      %dma_wait3A_106 = tpu.memref_slice %arg22[%dma_wait3A_105] : memref<640xf32, #tpu.memory_space<vmem>> -> memref<320xf32, #tpu.memory_space<vmem>>
      tpu.wait_dma2 semaphore(%run_scoped3A : memref<!tpu.dma_semaphore, #tpu.memory_space<semaphore_mem>>) src(%dma_wait3A_106 : memref<320xf32, #tpu.memory_space<vmem>>) dst(%dma_wait3A_104 : memref<320xf32, #tpu.memory_space<vmem_shared>>)
      tpu.yield
    }) : () -> ()
    %mul3A_33 = arith.constant 640 : i32
    %mul3A_34 = arith.muli %arg1, %mul3A_33 : i32
    "tpu.region"() ({
      %run_scoped3A = tpu.sem_alloc : memref<!tpu.dma_semaphore, #tpu.memory_space<semaphore_mem>>
      %dma_start3A_95 = tpu.memref_slice %arg9[%mul3A_34] : memref<10240xf32, #tpu.memory_space<vmem_shared>> -> memref<640xf32, #tpu.memory_space<vmem_shared>>
      %dma_start3A_96 = tpu.memref_slice %arg9[%mul3A_34] : memref<10240xf32, #tpu.memory_space<vmem_shared>> -> memref<640xf32, #tpu.memory_space<vmem_shared>>
      tpu.enqueue_dma source(%arg22 : memref<640xf32, #tpu.memory_space<vmem>>) target(%dma_start3A_96 : memref<640xf32, #tpu.memory_space<vmem_shared>>) target_semaphore(%run_scoped3A : memref<!tpu.dma_semaphore, #tpu.memory_space<semaphore_mem>>)
      %dma_wait3A_97 = tpu.memref_slice %arg9[%mul3A_34] : memref<10240xf32, #tpu.memory_space<vmem_shared>> -> memref<640xf32, #tpu.memory_space<vmem_shared>>
      %dma_wait3A_98 = tpu.memref_slice %arg9[%mul3A_34] : memref<10240xf32, #tpu.memory_space<vmem_shared>> -> memref<640xf32, #tpu.memory_space<vmem_shared>>
      tpu.wait_dma2 semaphore(%run_scoped3A : memref<!tpu.dma_semaphore, #tpu.memory_space<semaphore_mem>>) src(%arg22 : memref<640xf32, #tpu.memory_space<vmem>>) dst(%dma_wait3A_98 : memref<640xf32, #tpu.memory_space<vmem_shared>>)
      tpu.yield
    }) : () -> ()
    %barrier3A = arith.constant 0 : index
    tpu.barrier barrier_id(%barrier3A)
    %mul3A_35 = arith.constant 20000 : i32
    %mul3A_36 = arith.muli %arg1, %mul3A_35 : i32
    %mul3A_37 = arith.constant 10000 : i32
    %mul3A_38 = arith.muli %arg0, %mul3A_37 : i32
    %add3A = arith.constant 0 : i32
    %add3A_39 = arith.addi %mul3A_36, %add3A : i32
    %dma_start3A = tpu.memref_slice %arg3[%add3A_39] : memref<320000xi32, #tpu.memory_space<hbm>> -> memref<400xi32, #tpu.memory_space<hbm>>
    %dma_start3A_40 = tpu.memref_slice %arg3[%add3A_39] : memref<320000xi32, #tpu.memory_space<hbm>> -> memref<400xi32, #tpu.memory_space<hbm>>
    tpu.enqueue_dma source(%dma_start3A_40 : memref<400xi32, #tpu.memory_space<hbm>>) target(%arg10 : memref<400xi32, #tpu.memory_space<vmem>>) target_semaphore(%arg26 : memref<!tpu.dma_semaphore, #tpu.memory_space<semaphore_mem>>)
    %dma_start3A_41 = tpu.memref_slice %arg4[%add3A_39] : memref<320000xi32, #tpu.memory_space<hbm>> -> memref<400xi32, #tpu.memory_space<hbm>>
    %dma_start3A_42 = tpu.memref_slice %arg4[%add3A_39] : memref<320000xi32, #tpu.memory_space<hbm>> -> memref<400xi32, #tpu.memory_space<hbm>>
    tpu.enqueue_dma source(%dma_start3A_42 : memref<400xi32, #tpu.memory_space<hbm>>) target(%arg12 : memref<400xi32, #tpu.memory_space<vmem>>) target_semaphore(%arg27 : memref<!tpu.dma_semaphore, #tpu.memory_space<semaphore_mem>>)
    %dma_wait3A = tpu.memref_slice %arg3[%add3A_39] : memref<320000xi32, #tpu.memory_space<hbm>> -> memref<400xi32, #tpu.memory_space<hbm>>
    %dma_wait3A_43 = tpu.memref_slice %arg3[%add3A_39] : memref<320000xi32, #tpu.memory_space<hbm>> -> memref<400xi32, #tpu.memory_space<hbm>>
    tpu.wait_dma2 semaphore(%arg26 : memref<!tpu.dma_semaphore, #tpu.memory_space<semaphore_mem>>) src(%dma_wait3A_43 : memref<400xi32, #tpu.memory_space<hbm>>) dst(%arg10 : memref<400xi32, #tpu.memory_space<vmem>>)
    %dma_wait3A_44 = tpu.memref_slice %arg4[%add3A_39] : memref<320000xi32, #tpu.memory_space<hbm>> -> memref<400xi32, #tpu.memory_space<hbm>>
    %dma_wait3A_45 = tpu.memref_slice %arg4[%add3A_39] : memref<320000xi32, #tpu.memory_space<hbm>> -> memref<400xi32, #tpu.memory_space<hbm>>
    tpu.wait_dma2 semaphore(%arg27 : memref<!tpu.dma_semaphore, #tpu.memory_space<semaphore_mem>>) src(%dma_wait3A_45 : memref<400xi32, #tpu.memory_space<hbm>>) dst(%arg12 : memref<400xi32, #tpu.memory_space<vmem>>)
    %scan3A_46 = arith.constant 0 : i32
    %scan3A_47 = arith.constant 0 : i32
    %scan3A_48 = arith.constant 25 : i32
    %scan3A_49 = arith.addi %scan3A_47, %scan3A_48 : i32
    %scan3A_50 = arith.constant 1 : i32
    scf.for %scan3A_95 = %scan3A_47 to %scan3A_49 step %scan3A_50  : i32 {
      %mul3A_96 = arith.constant 16 : i32
      %mul3A_97 = arith.muli %scan3A_95, %mul3A_96 : i32
      %get3A = arith.index_cast %mul3A_97 : i32 to index
      %get3A_98 = tpu.vector_load %arg10[%get3A] {strides = array<i32>} : memref<400xi32, #tpu.memory_space<vmem>>, vector<16xi32>,
      %get3A_99 = vector.shape_cast %get3A_98 : vector<16xi32> to vector<16xi32>
      %add3A_100 = vector.broadcast %mul3A_38 : i32 to vector<16xi32>
      %add3A_101 = arith.addi %get3A_99, %add3A_100 : vector<16xi32>
      %mul3A_102 = arith.constant 16 : i32
      %mul3A_103 = arith.muli %scan3A_95, %mul3A_102 : i32
      %swap3A = arith.index_cast %mul3A_103 : i32 to index
      %swap3A_104 = tpu.vector_load %arg11[%swap3A] {strides = array<i32>} : memref<400xi32, #tpu.memory_space<vmem>>, vector<16xi32>,
      %swap3A_105 = vector.shape_cast %swap3A_104 : vector<16xi32> to vector<16xi32>
      %swap3A_106 = vector.shape_cast %add3A_101 : vector<16xi32> to vector<16xi32>
      tpu.vector_store %arg11[%swap3A], %swap3A_106 {strides = array<i32>} : memref<400xi32, #tpu.memory_space<vmem>>, vector<16xi32>,
    }
    %scan3A_51 = arith.constant 25 : i32
    %dma_start3A_52 = arith.constant 0 : i32
    %dma_start3A_53 = arith.constant 0 : i32
    %dma_start3A_54 = tpu.memref_slice %arg2[%dma_start3A_52, %dma_start3A_53] : memref<20000x64xf32, #tpu.memory_space<hbm>> -> memref<20000x64xf32, #tpu.memory_space<hbm>>
    tpu.enqueue_indirect_dma source(%dma_start3A_54 : memref<20000x64xf32, #tpu.memory_space<hbm>>) target(%arg13 : memref<400x64xf32, #tpu.memory_space<vmem>>) offsets(%arg11 : memref<400xi32, #tpu.memory_space<vmem>>) semaphore(%arg23 : memref<!tpu.dma_semaphore, #tpu.memory_space<semaphore_mem>>)
    %scan3A_55 = arith.constant 0 : i32
    %scan3A_56 = arith.constant 0 : i32
    %scan3A_57 = arith.constant 25 : i32
    %scan3A_58 = arith.addi %scan3A_56, %scan3A_57 : i32
    %scan3A_59 = arith.constant 1 : i32
    scf.for %scan3A_95 = %scan3A_56 to %scan3A_58 step %scan3A_59  : i32 {
      %mul3A_96 = arith.constant 2 : i32
      %mul3A_97 = arith.muli %mul3A_96, %scan3A_95 : i32
      %add3A_98 = arith.constant 1 : i32
      %add3A_99 = arith.addi %mul3A_97, %add3A_98 : i32
      %lt3A = arith.constant 50 : i32
      %lt3A_100 = arith.cmpi slt, %add3A_99, %lt3A : i32
      %convert_element_type3A = arith.extui %lt3A_100 : i1 to i32
      %cond3A = arith.constant 0 : i32
      %cond3A_101 = arith.cmpi ne, %convert_element_type3A, %cond3A : i32
      scf.if %cond3A_101 {
        %add3A_135 = arith.constant 1 : i32
        %add3A_136 = arith.addi %mul3A_97, %add3A_135 : i32
        %mul3A_137 = arith.constant 400 : i32
        %mul3A_138 = arith.muli %add3A_136, %mul3A_137 : i32
        %add3A_139 = arith.addi %mul3A_36, %mul3A_138 : i32
        %dma_start3A_140 = tpu.memref_slice %arg3[%add3A_139] : memref<320000xi32, #tpu.memory_space<hbm>> -> memref<400xi32, #tpu.memory_space<hbm>>
        %dma_start3A_141 = tpu.memref_slice %arg3[%add3A_139] : memref<320000xi32, #tpu.memory_space<hbm>> -> memref<400xi32, #tpu.memory_space<hbm>>
        tpu.enqueue_dma source(%dma_start3A_141 : memref<400xi32, #tpu.memory_space<hbm>>) target(%arg14 : memref<400xi32, #tpu.memory_space<vmem>>) target_semaphore(%arg26 : memref<!tpu.dma_semaphore, #tpu.memory_space<semaphore_mem>>)
        %dma_start3A_142 = tpu.memref_slice %arg4[%add3A_139] : memref<320000xi32, #tpu.memory_space<hbm>> -> memref<400xi32, #tpu.memory_space<hbm>>
        %dma_start3A_143 = tpu.memref_slice %arg4[%add3A_139] : memref<320000xi32, #tpu.memory_space<hbm>> -> memref<400xi32, #tpu.memory_space<hbm>>
        tpu.enqueue_dma source(%dma_start3A_143 : memref<400xi32, #tpu.memory_space<hbm>>) target(%arg16 : memref<400xi32, #tpu.memory_space<vmem>>) target_semaphore(%arg27 : memref<!tpu.dma_semaphore, #tpu.memory_space<semaphore_mem>>)
        %dma_wait3A_144 = tpu.memref_slice %arg3[%add3A_139] : memref<320000xi32, #tpu.memory_space<hbm>> -> memref<400xi32, #tpu.memory_space<hbm>>
        %dma_wait3A_145 = tpu.memref_slice %arg3[%add3A_139] : memref<320000xi32, #tpu.memory_space<hbm>> -> memref<400xi32, #tpu.memory_space<hbm>>
        tpu.wait_dma2 semaphore(%arg26 : memref<!tpu.dma_semaphore, #tpu.memory_space<semaphore_mem>>) src(%dma_wait3A_145 : memref<400xi32, #tpu.memory_space<hbm>>) dst(%arg14 : memref<400xi32, #tpu.memory_space<vmem>>)
        %dma_wait3A_146 = tpu.memref_slice %arg4[%add3A_139] : memref<320000xi32, #tpu.memory_space<hbm>> -> memref<400xi32, #tpu.memory_space<hbm>>
        %dma_wait3A_147 = tpu.memref_slice %arg4[%add3A_139] : memref<320000xi32, #tpu.memory_space<hbm>> -> memref<400xi32, #tpu.memory_space<hbm>>
        tpu.wait_dma2 semaphore(%arg27 : memref<!tpu.dma_semaphore, #tpu.memory_space<semaphore_mem>>) src(%dma_wait3A_147 : memref<400xi32, #tpu.memory_space<hbm>>) dst(%arg16 : memref<400xi32, #tpu.memory_space<vmem>>)
        %scan3A_148 = arith.constant 0 : i32
        %scan3A_149 = arith.constant 0 : i32
        %scan3A_150 = arith.constant 25 : i32
        %scan3A_151 = arith.addi %scan3A_149, %scan3A_150 : i32
        %scan3A_152 = arith.constant 1 : i32
        scf.for %scan3A_157 = %scan3A_149 to %scan3A_151 step %scan3A_152  : i32 {
          %mul3A_158 = arith.constant 16 : i32
          %mul3A_159 = arith.muli %scan3A_157, %mul3A_158 : i32
          %get3A = arith.index_cast %mul3A_159 : i32 to index
          %get3A_160 = tpu.vector_load %arg14[%get3A] {strides = array<i32>} : memref<400xi32, #tpu.memory_space<vmem>>, vector<16xi32>,
          %get3A_161 = vector.shape_cast %get3A_160 : vector<16xi32> to vector<16xi32>
          %add3A_162 = vector.broadcast %mul3A_38 : i32 to vector<16xi32>
          %add3A_163 = arith.addi %get3A_161, %add3A_162 : vector<16xi32>
          %mul3A_164 = arith.constant 16 : i32
          %mul3A_165 = arith.muli %scan3A_157, %mul3A_164 : i32
          %swap3A = arith.index_cast %mul3A_165 : i32 to index
          %swap3A_166 = tpu.vector_load %arg15[%swap3A] {strides = array<i32>} : memref<400xi32, #tpu.memory_space<vmem>>, vector<16xi32>,
          %swap3A_167 = vector.shape_cast %swap3A_166 : vector<16xi32> to vector<16xi32>
          %swap3A_168 = vector.shape_cast %add3A_163 : vector<16xi32> to vector<16xi32>
          tpu.vector_store %arg15[%swap3A], %swap3A_168 {strides = array<i32>} : memref<400xi32, #tpu.memory_space<vmem>>, vector<16xi32>,
        }
        %scan3A_153 = arith.constant 25 : i32
        %dma_start3A_154 = arith.constant 0 : i32
        %dma_start3A_155 = arith.constant 0 : i32
        %dma_start3A_156 = tpu.memref_slice %arg2[%dma_start3A_154, %dma_start3A_155] : memref<20000x64xf32, #tpu.memory_space<hbm>> -> memref<20000x64xf32, #tpu.memory_space<hbm>>
        tpu.enqueue_indirect_dma source(%dma_start3A_156 : memref<20000x64xf32, #tpu.memory_space<hbm>>) target(%arg17 : memref<400x64xf32, #tpu.memory_space<vmem>>) offsets(%arg15 : memref<400xi32, #tpu.memory_space<vmem>>) semaphore(%arg24 : memref<!tpu.dma_semaphore, #tpu.memory_space<semaphore_mem>>)
      } else {
      }
      %dma_start3A_102 = arith.constant 0 : i32
      %dma_start3A_103 = tpu.memref_slice %arg9[%dma_start3A_102] : memref<10240xf32, #tpu.memory_space<vmem_shared>> -> memref<10240xf32, #tpu.memory_space<vmem_shared>>
      tpu.enqueue_indirect_dma source(%arg18 : memref<400xf32, #tpu.memory_space<vmem>>) target(%dma_start3A_103 : memref<10240xf32, #tpu.memory_space<vmem_shared>>) offsets(%arg10 : memref<400xi32, #tpu.memory_space<vmem>>) semaphore(%arg25 : memref<!tpu.dma_semaphore, #tpu.memory_space<semaphore_mem>>) {add = true}
      %dma_start3A_104 = arith.constant 0 : i32
      %dma_start3A_105 = tpu.memref_slice %arg8[%dma_start3A_104] : memref<5120xf32, #tpu.memory_space<vmem_shared>> -> memref<5120xf32, #tpu.memory_space<vmem_shared>>
      tpu.enqueue_indirect_dma source(%arg18 : memref<400xf32, #tpu.memory_space<vmem>>) target(%dma_start3A_105 : memref<5120xf32, #tpu.memory_space<vmem_shared>>) offsets(%arg12 : memref<400xi32, #tpu.memory_space<vmem>>) semaphore(%arg25 : memref<!tpu.dma_semaphore, #tpu.memory_space<semaphore_mem>>) {add = true}
      %dma_wait3A_106 = arith.constant 0 : i32
      %dma_wait3A_107 = arith.constant 0 : i32
      %dma_wait3A_108 = tpu.memref_slice %arg2[%dma_wait3A_106, %dma_wait3A_107] : memref<20000x64xf32, #tpu.memory_space<hbm>> -> memref<20000x64xf32, #tpu.memory_space<hbm>>
      tpu.wait_indirect_dma semaphore(%arg23 : memref<!tpu.dma_semaphore, #tpu.memory_space<semaphore_mem>>) src(%dma_wait3A_108 : memref<20000x64xf32, #tpu.memory_space<hbm>>) dst(%arg13 : memref<400x64xf32, #tpu.memory_space<vmem>>)
      "tpu.region"() ({
        %run_scoped3A = tpu.sem_alloc : memref<!tpu.dma_semaphore, #tpu.memory_space<semaphore_mem>>
        %dma_start3A_135 = arith.constant 0 : i32
        %dma_start3A_136 = arith.constant 0 : i32
        %dma_start3A_137 = tpu.memref_slice %arg6[%dma_start3A_135, %dma_start3A_136] : memref<5120x64xf32, #tpu.memory_space<vmem_shared>> -> memref<5120x64xf32, #tpu.memory_space<vmem_shared>>
        tpu.enqueue_indirect_dma source(%arg13 : memref<400x64xf32, #tpu.memory_space<vmem>>) target(%dma_start3A_137 : memref<5120x64xf32, #tpu.memory_space<vmem_shared>>) offsets(%arg12 : memref<400xi32, #tpu.memory_space<vmem>>) semaphore(%run_scoped3A : memref<!tpu.dma_semaphore, #tpu.memory_space<semaphore_mem>>) {add = true}
        %dma_wait3A_138 = arith.constant 0 : i32
        %dma_wait3A_139 = arith.constant 0 : i32
        %dma_wait3A_140 = tpu.memref_slice %arg6[%dma_wait3A_138, %dma_wait3A_139] : memref<5120x64xf32, #tpu.memory_space<vmem_shared>> -> memref<5120x64xf32, #tpu.memory_space<vmem_shared>>
        tpu.wait_indirect_dma semaphore(%run_scoped3A : memref<!tpu.dma_semaphore, #tpu.memory_space<semaphore_mem>>) src(%arg13 : memref<400x64xf32, #tpu.memory_space<vmem>>) dst(%dma_wait3A_140 : memref<5120x64xf32, #tpu.memory_space<vmem_shared>>)
        tpu.yield
      }) : () -> ()
      %dma_wait3A_109 = arith.constant 0 : i32
      %dma_wait3A_110 = tpu.memref_slice %arg9[%dma_wait3A_109] : memref<10240xf32, #tpu.memory_space<vmem_shared>> -> memref<10240xf32, #tpu.memory_space<vmem_shared>>
      tpu.wait_indirect_dma semaphore(%arg25 : memref<!tpu.dma_semaphore, #tpu.memory_space<semaphore_mem>>) src(%arg18 : memref<400xf32, #tpu.memory_space<vmem>>) dst(%dma_wait3A_110 : memref<10240xf32, #tpu.memory_space<vmem_shared>>)
      %dma_wait3A_111 = arith.constant 0 : i32
      %dma_wait3A_112 = tpu.memref_slice %arg8[%dma_wait3A_111] : memref<5120xf32, #tpu.memory_space<vmem_shared>> -> memref<5120xf32, #tpu.memory_space<vmem_shared>>
      tpu.wait_indirect_dma semaphore(%arg25 : memref<!tpu.dma_semaphore, #tpu.memory_space<semaphore_mem>>) src(%arg18 : memref<400xf32, #tpu.memory_space<vmem>>) dst(%dma_wait3A_112 : memref<5120xf32, #tpu.memory_space<vmem_shared>>)
      %mul3A_113 = arith.constant 2 : i32
      %mul3A_114 = arith.muli %mul3A_113, %scan3A_95 : i32
      %add3A_115 = arith.constant 1 : i32
      %add3A_116 = arith.addi %mul3A_114, %add3A_115 : i32
      %add3A_117 = arith.constant 1 : i32
      %add3A_118 = arith.addi %add3A_116, %add3A_117 : i32
      %lt3A_119 = arith.constant 50 : i32
      %lt3A_120 = arith.cmpi slt, %add3A_118, %lt3A_119 : i32
      %convert_element_type3A_121 = arith.extui %lt3A_120 : i1 to i32
      %cond3A_122 = arith.constant 0 : i32
      %cond3A_123 = arith.cmpi ne, %convert_element_type3A_121, %cond3A_122 : i32
      scf.if %cond3A_123 {
        %add3A_135 = arith.constant 1 : i32
        %add3A_136 = arith.addi %add3A_116, %add3A_135 : i32
        %mul3A_137 = arith.constant 400 : i32
        %mul3A_138 = arith.muli %add3A_136, %mul3A_137 : i32
        %add3A_139 = arith.addi %mul3A_36, %mul3A_138 : i32
        %dma_start3A_140 = tpu.memref_slice %arg3[%add3A_139] : memref<320000xi32, #tpu.memory_space<hbm>> -> memref<400xi32, #tpu.memory_space<hbm>>
        %dma_start3A_141 = tpu.memref_slice %arg3[%add3A_139] : memref<320000xi32, #tpu.memory_space<hbm>> -> memref<400xi32, #tpu.memory_space<hbm>>
        tpu.enqueue_dma source(%dma_start3A_141 : memref<400xi32, #tpu.memory_space<hbm>>) target(%arg10 : memref<400xi32, #tpu.memory_space<vmem>>) target_semaphore(%arg26 : memref<!tpu.dma_semaphore, #tpu.memory_space<semaphore_mem>>)
        %dma_start3A_142 = tpu.memref_slice %arg4[%add3A_139] : memref<320000xi32, #tpu.memory_space<hbm>> -> memref<400xi32, #tpu.memory_space<hbm>>
        %dma_start3A_143 = tpu.memref_slice %arg4[%add3A_139] : memref<320000xi32, #tpu.memory_space<hbm>> -> memref<400xi32, #tpu.memory_space<hbm>>
        tpu.enqueue_dma source(%dma_start3A_143 : memref<400xi32, #tpu.memory_space<hbm>>) target(%arg12 : memref<400xi32, #tpu.memory_space<vmem>>) target_semaphore(%arg27 : memref<!tpu.dma_semaphore, #tpu.memory_space<semaphore_mem>>)
        %dma_wait3A_144 = tpu.memref_slice %arg3[%add3A_139] : memref<320000xi32, #tpu.memory_space<hbm>> -> memref<400xi32, #tpu.memory_space<hbm>>
        %dma_wait3A_145 = tpu.memref_slice %arg3[%add3A_139] : memref<320000xi32, #tpu.memory_space<hbm>> -> memref<400xi32, #tpu.memory_space<hbm>>
        tpu.wait_dma2 semaphore(%arg26 : memref<!tpu.dma_semaphore, #tpu.memory_space<semaphore_mem>>) src(%dma_wait3A_145 : memref<400xi32, #tpu.memory_space<hbm>>) dst(%arg10 : memref<400xi32, #tpu.memory_space<vmem>>)
        %dma_wait3A_146 = tpu.memref_slice %arg4[%add3A_139] : memref<320000xi32, #tpu.memory_space<hbm>> -> memref<400xi32, #tpu.memory_space<hbm>>
        %dma_wait3A_147 = tpu.memref_slice %arg4[%add3A_139] : memref<320000xi32, #tpu.memory_space<hbm>> -> memref<400xi32, #tpu.memory_space<hbm>>
        tpu.wait_dma2 semaphore(%arg27 : memref<!tpu.dma_semaphore, #tpu.memory_space<semaphore_mem>>) src(%dma_wait3A_147 : memref<400xi32, #tpu.memory_space<hbm>>) dst(%arg12 : memref<400xi32, #tpu.memory_space<vmem>>)
        %scan3A_148 = arith.constant 0 : i32
        %scan3A_149 = arith.constant 0 : i32
        %scan3A_150 = arith.constant 25 : i32
        %scan3A_151 = arith.addi %scan3A_149, %scan3A_150 : i32
        %scan3A_152 = arith.constant 1 : i32
        scf.for %scan3A_157 = %scan3A_149 to %scan3A_151 step %scan3A_152  : i32 {
          %mul3A_158 = arith.constant 16 : i32
          %mul3A_159 = arith.muli %scan3A_157, %mul3A_158 : i32
          %get3A = arith.index_cast %mul3A_159 : i32 to index
          %get3A_160 = tpu.vector_load %arg10[%get3A] {strides = array<i32>} : memref<400xi32, #tpu.memory_space<vmem>>, vector<16xi32>,
          %get3A_161 = vector.shape_cast %get3A_160 : vector<16xi32> to vector<16xi32>
          %add3A_162 = vector.broadcast %mul3A_38 : i32 to vector<16xi32>
          %add3A_163 = arith.addi %get3A_161, %add3A_162 : vector<16xi32>
          %mul3A_164 = arith.constant 16 : i32
          %mul3A_165 = arith.muli %scan3A_157, %mul3A_164 : i32
          %swap3A = arith.index_cast %mul3A_165 : i32 to index
          %swap3A_166 = tpu.vector_load %arg11[%swap3A] {strides = array<i32>} : memref<400xi32, #tpu.memory_space<vmem>>, vector<16xi32>,
          %swap3A_167 = vector.shape_cast %swap3A_166 : vector<16xi32> to vector<16xi32>
          %swap3A_168 = vector.shape_cast %add3A_163 : vector<16xi32> to vector<16xi32>
          tpu.vector_store %arg11[%swap3A], %swap3A_168 {strides = array<i32>} : memref<400xi32, #tpu.memory_space<vmem>>, vector<16xi32>,
        }
        %scan3A_153 = arith.constant 25 : i32
        %dma_start3A_154 = arith.constant 0 : i32
        %dma_start3A_155 = arith.constant 0 : i32
        %dma_start3A_156 = tpu.memref_slice %arg2[%dma_start3A_154, %dma_start3A_155] : memref<20000x64xf32, #tpu.memory_space<hbm>> -> memref<20000x64xf32, #tpu.memory_space<hbm>>
        tpu.enqueue_indirect_dma source(%dma_start3A_156 : memref<20000x64xf32, #tpu.memory_space<hbm>>) target(%arg13 : memref<400x64xf32, #tpu.memory_space<vmem>>) offsets(%arg11 : memref<400xi32, #tpu.memory_space<vmem>>) semaphore(%arg23 : memref<!tpu.dma_semaphore, #tpu.memory_space<semaphore_mem>>)
      } else {
      }
      %dma_start3A_124 = arith.constant 0 : i32
      %dma_start3A_125 = tpu.memref_slice %arg9[%dma_start3A_124] : memref<10240xf32, #tpu.memory_space<vmem_shared>> -> memref<10240xf32, #tpu.memory_space<vmem_shared>>
      tpu.enqueue_indirect_dma source(%arg18 : memref<400xf32, #tpu.memory_space<vmem>>) target(%dma_start3A_125 : memref<10240xf32, #tpu.memory_space<vmem_shared>>) offsets(%arg14 : memref<400xi32, #tpu.memory_space<vmem>>) semaphore(%arg25 : memref<!tpu.dma_semaphore, #tpu.memory_space<semaphore_mem>>) {add = true}
      %dma_start3A_126 = arith.constant 0 : i32
      %dma_start3A_127 = tpu.memref_slice %arg8[%dma_start3A_126] : memref<5120xf32, #tpu.memory_space<vmem_shared>> -> memref<5120xf32, #tpu.memory_space<vmem_shared>>
      tpu.enqueue_indirect_dma source(%arg18 : memref<400xf32, #tpu.memory_space<vmem>>) target(%dma_start3A_127 : memref<5120xf32, #tpu.memory_space<vmem_shared>>) offsets(%arg16 : memref<400xi32, #tpu.memory_space<vmem>>) semaphore(%arg25 : memref<!tpu.dma_semaphore, #tpu.memory_space<semaphore_mem>>) {add = true}
      %dma_wait3A_128 = arith.constant 0 : i32
      %dma_wait3A_129 = arith.constant 0 : i32
      %dma_wait3A_130 = tpu.memref_slice %arg2[%dma_wait3A_128, %dma_wait3A_129] : memref<20000x64xf32, #tpu.memory_space<hbm>> -> memref<20000x64xf32, #tpu.memory_space<hbm>>
      tpu.wait_indirect_dma semaphore(%arg24 : memref<!tpu.dma_semaphore, #tpu.memory_space<semaphore_mem>>) src(%dma_wait3A_130 : memref<20000x64xf32, #tpu.memory_space<hbm>>) dst(%arg17 : memref<400x64xf32, #tpu.memory_space<vmem>>)
      "tpu.region"() ({
        %run_scoped3A = tpu.sem_alloc : memref<!tpu.dma_semaphore, #tpu.memory_space<semaphore_mem>>
        %dma_start3A_135 = arith.constant 0 : i32
        %dma_start3A_136 = arith.constant 0 : i32
        %dma_start3A_137 = tpu.memref_slice %arg6[%dma_start3A_135, %dma_start3A_136] : memref<5120x64xf32, #tpu.memory_space<vmem_shared>> -> memref<5120x64xf32, #tpu.memory_space<vmem_shared>>
        tpu.enqueue_indirect_dma source(%arg17 : memref<400x64xf32, #tpu.memory_space<vmem>>) target(%dma_start3A_137 : memref<5120x64xf32, #tpu.memory_space<vmem_shared>>) offsets(%arg16 : memref<400xi32, #tpu.memory_space<vmem>>) semaphore(%run_scoped3A : memref<!tpu.dma_semaphore, #tpu.memory_space<semaphore_mem>>) {add = true}
        %dma_wait3A_138 = arith.constant 0 : i32
        %dma_wait3A_139 = arith.constant 0 : i32
        %dma_wait3A_140 = tpu.memref_slice %arg6[%dma_wait3A_138, %dma_wait3A_139] : memref<5120x64xf32, #tpu.memory_space<vmem_shared>> -> memref<5120x64xf32, #tpu.memory_space<vmem_shared>>
        tpu.wait_indirect_dma semaphore(%run_scoped3A : memref<!tpu.dma_semaphore, #tpu.memory_space<semaphore_mem>>) src(%arg17 : memref<400x64xf32, #tpu.memory_space<vmem>>) dst(%dma_wait3A_140 : memref<5120x64xf32, #tpu.memory_space<vmem_shared>>)
        tpu.yield
      }) : () -> ()
      %dma_wait3A_131 = arith.constant 0 : i32
      %dma_wait3A_132 = tpu.memref_slice %arg9[%dma_wait3A_131] : memref<10240xf32, #tpu.memory_space<vmem_shared>> -> memref<10240xf32, #tpu.memory_space<vmem_shared>>
      tpu.wait_indirect_dma semaphore(%arg25 : memref<!tpu.dma_semaphore, #tpu.memory_space<semaphore_mem>>) src(%arg18 : memref<400xf32, #tpu.memory_space<vmem>>) dst(%dma_wait3A_132 : memref<10240xf32, #tpu.memory_space<vmem_shared>>)
      %dma_wait3A_133 = arith.constant 0 : i32
      %dma_wait3A_134 = tpu.memref_slice %arg8[%dma_wait3A_133] : memref<5120xf32, #tpu.memory_space<vmem_shared>> -> memref<5120xf32, #tpu.memory_space<vmem_shared>>
      tpu.wait_indirect_dma semaphore(%arg25 : memref<!tpu.dma_semaphore, #tpu.memory_space<semaphore_mem>>) src(%arg18 : memref<400xf32, #tpu.memory_space<vmem>>) dst(%dma_wait3A_134 : memref<5120xf32, #tpu.memory_space<vmem_shared>>)
    }
    %scan3A_60 = arith.constant 25 : i32
    %barrier3A_61 = arith.constant 0 : index
    tpu.barrier barrier_id(%barrier3A_61)
    %scan3A_62 = arith.constant 0 : i32
    %scan3A_63 = arith.constant 0 : i32
    %scan3A_64 = arith.constant 5 : i32
    %scan3A_65 = arith.addi %scan3A_63, %scan3A_64 : i32
    %scan3A_66 = arith.constant 1 : i32
    scf.for %scan3A_95 = %scan3A_63 to %scan3A_65 step %scan3A_66  : i32 {
      %mul3A_96 = arith.constant 320 : i32
      %mul3A_97 = arith.muli %arg1, %mul3A_96 : i32
      %mul3A_98 = arith.constant 64 : i32
      %mul3A_99 = arith.muli %scan3A_95, %mul3A_98 : i32
      %add3A_100 = arith.addi %mul3A_97, %mul3A_99 : i32
      "tpu.region"() ({
        %run_scoped3A = tpu.sem_alloc : memref<!tpu.dma_semaphore, #tpu.memory_space<semaphore_mem>>
        %dma_start3A_107 = arith.constant 0 : i32
        %dma_start3A_108 = tpu.memref_slice %arg6[%add3A_100, %dma_start3A_107] : memref<5120x64xf32, #tpu.memory_space<vmem_shared>> -> memref<64x64xf32, #tpu.memory_space<vmem_shared>>
        %dma_start3A_109 = arith.constant 0 : i32
        %dma_start3A_110 = tpu.memref_slice %arg6[%add3A_100, %dma_start3A_109] : memref<5120x64xf32, #tpu.memory_space<vmem_shared>> -> memref<64x64xf32, #tpu.memory_space<vmem_shared>>
        tpu.enqueue_dma source(%dma_start3A_110 : memref<64x64xf32, #tpu.memory_space<vmem_shared>>) target(%arg20 : memref<64x64xf32, #tpu.memory_space<vmem>>) target_semaphore(%run_scoped3A : memref<!tpu.dma_semaphore, #tpu.memory_space<semaphore_mem>>)
        %dma_wait3A_111 = arith.constant 0 : i32
        %dma_wait3A_112 = tpu.memref_slice %arg6[%add3A_100, %dma_wait3A_111] : memref<5120x64xf32, #tpu.memory_space<vmem_shared>> -> memref<64x64xf32, #tpu.memory_space<vmem_shared>>
        %dma_wait3A_113 = arith.constant 0 : i32
        %dma_wait3A_114 = tpu.memref_slice %arg6[%add3A_100, %dma_wait3A_113] : memref<5120x64xf32, #tpu.memory_space<vmem_shared>> -> memref<64x64xf32, #tpu.memory_space<vmem_shared>>
        tpu.wait_dma2 semaphore(%run_scoped3A : memref<!tpu.dma_semaphore, #tpu.memory_space<semaphore_mem>>) src(%dma_wait3A_114 : memref<64x64xf32, #tpu.memory_space<vmem_shared>>) dst(%arg20 : memref<64x64xf32, #tpu.memory_space<vmem>>)
        tpu.yield
      }) : () -> ()
      "tpu.region"() ({
        %run_scoped3A = tpu.sem_alloc : memref<!tpu.dma_semaphore, #tpu.memory_space<semaphore_mem>>
        %dma_start3A_107 = tpu.memref_slice %arg8[%add3A_100] : memref<5120xf32, #tpu.memory_space<vmem_shared>> -> memref<64xf32, #tpu.memory_space<vmem_shared>>
        %dma_start3A_108 = tpu.memref_slice %arg8[%add3A_100] : memref<5120xf32, #tpu.memory_space<vmem_shared>> -> memref<64xf32, #tpu.memory_space<vmem_shared>>
        tpu.enqueue_dma source(%dma_start3A_108 : memref<64xf32, #tpu.memory_space<vmem_shared>>) target(%arg21 : memref<64xf32, #tpu.memory_space<vmem>>) target_semaphore(%run_scoped3A : memref<!tpu.dma_semaphore, #tpu.memory_space<semaphore_mem>>)
        %dma_wait3A_109 = tpu.memref_slice %arg8[%add3A_100] : memref<5120xf32, #tpu.memory_space<vmem_shared>> -> memref<64xf32, #tpu.memory_space<vmem_shared>>
        %dma_wait3A_110 = tpu.memref_slice %arg8[%add3A_100] : memref<5120xf32, #tpu.memory_space<vmem_shared>> -> memref<64xf32, #tpu.memory_space<vmem_shared>>
        tpu.wait_dma2 semaphore(%run_scoped3A : memref<!tpu.dma_semaphore, #tpu.memory_space<semaphore_mem>>) src(%dma_wait3A_110 : memref<64xf32, #tpu.memory_space<vmem_shared>>) dst(%arg21 : memref<64xf32, #tpu.memory_space<vmem>>)
        tpu.yield
      }) : () -> ()
      %scan3A_101 = arith.constant 0 : i32
      %scan3A_102 = arith.constant 0 : i32
      %scan3A_103 = arith.constant 4 : i32
      %scan3A_104 = arith.addi %scan3A_102, %scan3A_103 : i32
      %scan3A_105 = arith.constant 1 : i32
      scf.for %scan3A_107 = %scan3A_102 to %scan3A_104 step %scan3A_105  : i32 {
        %mul3A_108 = arith.constant 16 : i32
        %mul3A_109 = arith.muli %scan3A_107, %mul3A_108 : i32
        %get3A = arith.index_cast %mul3A_109 : i32 to index
        %get3A_110 = tpu.vector_load %arg21[%get3A] {strides = array<i32>} : memref<64xf32, #tpu.memory_space<vmem>>, vector<16xf32>,
        %get3A_111 = vector.shape_cast %get3A_110 : vector<16xf32> to vector<16xf32>
        %max3A = arith.constant 1.000000e+00 : f32
        %max3A_112 = vector.broadcast %max3A : f32 to vector<16xf32>
        %max3A_113 = arith.maximumf %get3A_111, %max3A_112 : vector<16xf32>
        %div3A = arith.constant 1.000000e+00 : f32
        %div3A_114 = vector.broadcast %div3A : f32 to vector<16xf32>
        %div3A_115 = arith.divf %div3A_114, %max3A_113 : vector<16xf32>
        %mul3A_116 = arith.constant 16 : i32
        %mul3A_117 = arith.muli %scan3A_107, %mul3A_116 : i32
        %add3A_118 = arith.constant 0 : i32
        %add3A_119 = arith.addi %mul3A_117, %add3A_118 : i32
        %slice3A = vector.extract_strided_slice %div3A_115 {offsets = [0], sizes = [1], strides = [1]} : vector<16xf32> to vector<1xf32>
        %squeeze3A = vector.extract %slice3A[0] : f32 from vector<1xf32>
        %get3A_120 = arith.index_cast %add3A_119 : i32 to index
        %get3A_121 = arith.constant 0 : index
        %get3A_122 = tpu.vector_load %arg20[%get3A_120, %get3A_121] {strides = array<i32>} : memref<64x64xf32, #tpu.memory_space<vmem>>, vector<1x16xf32>,
        %get3A_123 = vector.shape_cast %get3A_122 : vector<1x16xf32> to vector<16xf32>
        %mul3A_124 = vector.broadcast %squeeze3A : f32 to vector<16xf32>
        %mul3A_125 = arith.mulf %get3A_123, %mul3A_124 : vector<16xf32>
        %swap3A = arith.index_cast %add3A_119 : i32 to index
        %swap3A_126 = arith.constant 0 : index
        %swap3A_127 = tpu.vector_load %arg20[%swap3A, %swap3A_126] {strides = array<i32>} : memref<64x64xf32, #tpu.memory_space<vmem>>, vector<1x16xf32>,
        %swap3A_128 = vector.shape_cast %swap3A_127 : vector<1x16xf32> to vector<16xf32>
        %swap3A_129 = vector.shape_cast %mul3A_125 : vector<16xf32> to vector<1x16xf32>
        tpu.vector_store %arg20[%swap3A, %swap3A_126], %swap3A_129 {strides = array<i32>} : memref<64x64xf32, #tpu.memory_space<vmem>>, vector<1x16xf32>,
        %get3A_130 = arith.index_cast %add3A_119 : i32 to index
        %get3A_131 = arith.constant 16 : index
        %get3A_132 = tpu.vector_load %arg20[%get3A_130, %get3A_131] {strides = array<i32>} : memref<64x64xf32, #tpu.memory_space<vmem>>, vector<1x16xf32>,
        %get3A_133 = vector.shape_cast %get3A_132 : vector<1x16xf32> to vector<16xf32>
        %mul3A_134 = vector.broadcast %squeeze3A : f32 to vector<16xf32>
        %mul3A_135 = arith.mulf %get3A_133, %mul3A_134 : vector<16xf32>
        %swap3A_136 = arith.index_cast %add3A_119 : i32 to index
        %swap3A_137 = arith.constant 16 : index
        %swap3A_138 = tpu.vector_load %arg20[%swap3A_136, %swap3A_137] {strides = array<i32>} : memref<64x64xf32, #tpu.memory_space<vmem>>, vector<1x16xf32>,
        %swap3A_139 = vector.shape_cast %swap3A_138 : vector<1x16xf32> to vector<16xf32>
        %swap3A_140 = vector.shape_cast %mul3A_135 : vector<16xf32> to vector<1x16xf32>
        tpu.vector_store %arg20[%swap3A_136, %swap3A_137], %swap3A_140 {strides = array<i32>} : memref<64x64xf32, #tpu.memory_space<vmem>>, vector<1x16xf32>,
        %get3A_141 = arith.index_cast %add3A_119 : i32 to index
        %get3A_142 = arith.constant 32 : index
        %get3A_143 = tpu.vector_load %arg20[%get3A_141, %get3A_142] {strides = array<i32>} : memref<64x64xf32, #tpu.memory_space<vmem>>, vector<1x16xf32>,
        %get3A_144 = vector.shape_cast %get3A_143 : vector<1x16xf32> to vector<16xf32>
        %mul3A_145 = vector.broadcast %squeeze3A : f32 to vector<16xf32>
        %mul3A_146 = arith.mulf %get3A_144, %mul3A_145 : vector<16xf32>
        %swap3A_147 = arith.index_cast %add3A_119 : i32 to index
        %swap3A_148 = arith.constant 32 : index
        %swap3A_149 = tpu.vector_load %arg20[%swap3A_147, %swap3A_148] {strides = array<i32>} : memref<64x64xf32, #tpu.memory_space<vmem>>, vector<1x16xf32>,
        %swap3A_150 = vector.shape_cast %swap3A_149 : vector<1x16xf32> to vector<16xf32>
        %swap3A_151 = vector.shape_cast %mul3A_146 : vector<16xf32> to vector<1x16xf32>
        tpu.vector_store %arg20[%swap3A_147, %swap3A_148], %swap3A_151 {strides = array<i32>} : memref<64x64xf32, #tpu.memory_space<vmem>>, vector<1x16xf32>,
        %get3A_152 = arith.index_cast %add3A_119 : i32 to index
        %get3A_153 = arith.constant 48 : index
        %get3A_154 = tpu.vector_load %arg20[%get3A_152, %get3A_153] {strides = array<i32>} : memref<64x64xf32, #tpu.memory_space<vmem>>, vector<1x16xf32>,
        %get3A_155 = vector.shape_cast %get3A_154 : vector<1x16xf32> to vector<16xf32>
        %mul3A_156 = vector.broadcast %squeeze3A : f32 to vector<16xf32>
        %mul3A_157 = arith.mulf %get3A_155, %mul3A_156 : vector<16xf32>
        %swap3A_158 = arith.index_cast %add3A_119 : i32 to index
        %swap3A_159 = arith.constant 48 : index
        %swap3A_160 = tpu.vector_load %arg20[%swap3A_158, %swap3A_159] {strides = array<i32>} : memref<64x64xf32, #tpu.memory_space<vmem>>, vector<1x16xf32>,
        %swap3A_161 = vector.shape_cast %swap3A_160 : vector<1x16xf32> to vector<16xf32>
        %swap3A_162 = vector.shape_cast %mul3A_157 : vector<16xf32> to vector<1x16xf32>
        tpu.vector_store %arg20[%swap3A_158, %swap3A_159], %swap3A_162 {strides = array<i32>} : memref<64x64xf32, #tpu.memory_space<vmem>>, vector<1x16xf32>,
        %mul3A_163 = arith.constant 16 : i32
        %mul3A_164 = arith.muli %scan3A_107, %mul3A_163 : i32
        %add3A_165 = arith.constant 1 : i32
        %add3A_166 = arith.addi %mul3A_164, %add3A_165 : i32
        %slice3A_167 = vector.extract_strided_slice %div3A_115 {offsets = [1], sizes = [1], strides = [1]} : vector<16xf32> to vector<1xf32>
        %squeeze3A_168 = vector.extract %slice3A_167[0] : f32 from vector<1xf32>
        %get3A_169 = arith.index_cast %add3A_166 : i32 to index
        %get3A_170 = arith.constant 0 : index
        %get3A_171 = tpu.vector_load %arg20[%get3A_169, %get3A_170] {strides = array<i32>} : memref<64x64xf32, #tpu.memory_space<vmem>>, vector<1x16xf32>,
        %get3A_172 = vector.shape_cast %get3A_171 : vector<1x16xf32> to vector<16xf32>
        %mul3A_173 = vector.broadcast %squeeze3A_168 : f32 to vector<16xf32>
        %mul3A_174 = arith.mulf %get3A_172, %mul3A_173 : vector<16xf32>
        %swap3A_175 = arith.index_cast %add3A_166 : i32 to index
        %swap3A_176 = arith.constant 0 : index
        %swap3A_177 = tpu.vector_load %arg20[%swap3A_175, %swap3A_176] {strides = array<i32>} : memref<64x64xf32, #tpu.memory_space<vmem>>, vector<1x16xf32>,
        %swap3A_178 = vector.shape_cast %swap3A_177 : vector<1x16xf32> to vector<16xf32>
        %swap3A_179 = vector.shape_cast %mul3A_174 : vector<16xf32> to vector<1x16xf32>
        tpu.vector_store %arg20[%swap3A_175, %swap3A_176], %swap3A_179 {strides = array<i32>} : memref<64x64xf32, #tpu.memory_space<vmem>>, vector<1x16xf32>,
        %get3A_180 = arith.index_cast %add3A_166 : i32 to index
        %get3A_181 = arith.constant 16 : index
        %get3A_182 = tpu.vector_load %arg20[%get3A_180, %get3A_181] {strides = array<i32>} : memref<64x64xf32, #tpu.memory_space<vmem>>, vector<1x16xf32>,
        %get3A_183 = vector.shape_cast %get3A_182 : vector<1x16xf32> to vector<16xf32>
        %mul3A_184 = vector.broadcast %squeeze3A_168 : f32 to vector<16xf32>
        %mul3A_185 = arith.mulf %get3A_183, %mul3A_184 : vector<16xf32>
        %swap3A_186 = arith.index_cast %add3A_166 : i32 to index
        %swap3A_187 = arith.constant 16 : index
        %swap3A_188 = tpu.vector_load %arg20[%swap3A_186, %swap3A_187] {strides = array<i32>} : memref<64x64xf32, #tpu.memory_space<vmem>>, vector<1x16xf32>,
        %swap3A_189 = vector.shape_cast %swap3A_188 : vector<1x16xf32> to vector<16xf32>
        %swap3A_190 = vector.shape_cast %mul3A_185 : vector<16xf32> to vector<1x16xf32>
        tpu.vector_store %arg20[%swap3A_186, %swap3A_187], %swap3A_190 {strides = array<i32>} : memref<64x64xf32, #tpu.memory_space<vmem>>, vector<1x16xf32>,
        %get3A_191 = arith.index_cast %add3A_166 : i32 to index
        %get3A_192 = arith.constant 32 : index
        %get3A_193 = tpu.vector_load %arg20[%get3A_191, %get3A_192] {strides = array<i32>} : memref<64x64xf32, #tpu.memory_space<vmem>>, vector<1x16xf32>,
        %get3A_194 = vector.shape_cast %get3A_193 : vector<1x16xf32> to vector<16xf32>
        %mul3A_195 = vector.broadcast %squeeze3A_168 : f32 to vector<16xf32>
        %mul3A_196 = arith.mulf %get3A_194, %mul3A_195 : vector<16xf32>
        %swap3A_197 = arith.index_cast %add3A_166 : i32 to index
        %swap3A_198 = arith.constant 32 : index
        %swap3A_199 = tpu.vector_load %arg20[%swap3A_197, %swap3A_198] {strides = array<i32>} : memref<64x64xf32, #tpu.memory_space<vmem>>, vector<1x16xf32>,
        %swap3A_200 = vector.shape_cast %swap3A_199 : vector<1x16xf32> to vector<16xf32>
        %swap3A_201 = vector.shape_cast %mul3A_196 : vector<16xf32> to vector<1x16xf32>
        tpu.vector_store %arg20[%swap3A_197, %swap3A_198], %swap3A_201 {strides = array<i32>} : memref<64x64xf32, #tpu.memory_space<vmem>>, vector<1x16xf32>,
        %get3A_202 = arith.index_cast %add3A_166 : i32 to index
        %get3A_203 = arith.constant 48 : index
        %get3A_204 = tpu.vector_load %arg20[%get3A_202, %get3A_203] {strides = array<i32>} : memref<64x64xf32, #tpu.memory_space<vmem>>, vector<1x16xf32>,
        %get3A_205 = vector.shape_cast %get3A_204 : vector<1x16xf32> to vector<16xf32>
        %mul3A_206 = vector.broadcast %squeeze3A_168 : f32 to vector<16xf32>
        %mul3A_207 = arith.mulf %get3A_205, %mul3A_206 : vector<16xf32>
        %swap3A_208 = arith.index_cast %add3A_166 : i32 to index
        %swap3A_209 = arith.constant 48 : index
        %swap3A_210 = tpu.vector_load %arg20[%swap3A_208, %swap3A_209] {strides = array<i32>} : memref<64x64xf32, #tpu.memory_space<vmem>>, vector<1x16xf32>,
        %swap3A_211 = vector.shape_cast %swap3A_210 : vector<1x16xf32> to vector<16xf32>
        %swap3A_212 = vector.shape_cast %mul3A_207 : vector<16xf32> to vector<1x16xf32>
        tpu.vector_store %arg20[%swap3A_208, %swap3A_209], %swap3A_212 {strides = array<i32>} : memref<64x64xf32, #tpu.memory_space<vmem>>, vector<1x16xf32>,
        %mul3A_213 = arith.constant 16 : i32
        %mul3A_214 = arith.muli %scan3A_107, %mul3A_213 : i32
        %add3A_215 = arith.constant 2 : i32
        %add3A_216 = arith.addi %mul3A_214, %add3A_215 : i32
        %slice3A_217 = vector.extract_strided_slice %div3A_115 {offsets = [2], sizes = [1], strides = [1]} : vector<16xf32> to vector<1xf32>
        %squeeze3A_218 = vector.extract %slice3A_217[0] : f32 from vector<1xf32>
        %get3A_219 = arith.index_cast %add3A_216 : i32 to index
        %get3A_220 = arith.constant 0 : index
        %get3A_221 = tpu.vector_load %arg20[%get3A_219, %get3A_220] {strides = array<i32>} : memref<64x64xf32, #tpu.memory_space<vmem>>, vector<1x16xf32>,
        %get3A_222 = vector.shape_cast %get3A_221 : vector<1x16xf32> to vector<16xf32>
        %mul3A_223 = vector.broadcast %squeeze3A_218 : f32 to vector<16xf32>
        %mul3A_224 = arith.mulf %get3A_222, %mul3A_223 : vector<16xf32>
        %swap3A_225 = arith.index_cast %add3A_216 : i32 to index
        %swap3A_226 = arith.constant 0 : index
        %swap3A_227 = tpu.vector_load %arg20[%swap3A_225, %swap3A_226] {strides = array<i32>} : memref<64x64xf32, #tpu.memory_space<vmem>>, vector<1x16xf32>,
        %swap3A_228 = vector.shape_cast %swap3A_227 : vector<1x16xf32> to vector<16xf32>
        %swap3A_229 = vector.shape_cast %mul3A_224 : vector<16xf32> to vector<1x16xf32>
        tpu.vector_store %arg20[%swap3A_225, %swap3A_226], %swap3A_229 {strides = array<i32>} : memref<64x64xf32, #tpu.memory_space<vmem>>, vector<1x16xf32>,
        %get3A_230 = arith.index_cast %add3A_216 : i32 to index
        %get3A_231 = arith.constant 16 : index
        %get3A_232 = tpu.vector_load %arg20[%get3A_230, %get3A_231] {strides = array<i32>} : memref<64x64xf32, #tpu.memory_space<vmem>>, vector<1x16xf32>,
        %get3A_233 = vector.shape_cast %get3A_232 : vector<1x16xf32> to vector<16xf32>
        %mul3A_234 = vector.broadcast %squeeze3A_218 : f32 to vector<16xf32>
        %mul3A_235 = arith.mulf %get3A_233, %mul3A_234 : vector<16xf32>
        %swap3A_236 = arith.index_cast %add3A_216 : i32 to index
        %swap3A_237 = arith.constant 16 : index
        %swap3A_238 = tpu.vector_load %arg20[%swap3A_236, %swap3A_237] {strides = array<i32>} : memref<64x64xf32, #tpu.memory_space<vmem>>, vector<1x16xf32>,
        %swap3A_239 = vector.shape_cast %swap3A_238 : vector<1x16xf32> to vector<16xf32>
        %swap3A_240 = vector.shape_cast %mul3A_235 : vector<16xf32> to vector<1x16xf32>
        tpu.vector_store %arg20[%swap3A_236, %swap3A_237], %swap3A_240 {strides = array<i32>} : memref<64x64xf32, #tpu.memory_space<vmem>>, vector<1x16xf32>,
        %get3A_241 = arith.index_cast %add3A_216 : i32 to index
        %get3A_242 = arith.constant 32 : index
        %get3A_243 = tpu.vector_load %arg20[%get3A_241, %get3A_242] {strides = array<i32>} : memref<64x64xf32, #tpu.memory_space<vmem>>, vector<1x16xf32>,
        %get3A_244 = vector.shape_cast %get3A_243 : vector<1x16xf32> to vector<16xf32>
        %mul3A_245 = vector.broadcast %squeeze3A_218 : f32 to vector<16xf32>
        %mul3A_246 = arith.mulf %get3A_244, %mul3A_245 : vector<16xf32>
        %swap3A_247 = arith.index_cast %add3A_216 : i32 to index
        %swap3A_248 = arith.constant 32 : index
        %swap3A_249 = tpu.vector_load %arg20[%swap3A_247, %swap3A_248] {strides = array<i32>} : memref<64x64xf32, #tpu.memory_space<vmem>>, vector<1x16xf32>,
        %swap3A_250 = vector.shape_cast %swap3A_249 : vector<1x16xf32> to vector<16xf32>
        %swap3A_251 = vector.shape_cast %mul3A_246 : vector<16xf32> to vector<1x16xf32>
        tpu.vector_store %arg20[%swap3A_247, %swap3A_248], %swap3A_251 {strides = array<i32>} : memref<64x64xf32, #tpu.memory_space<vmem>>, vector<1x16xf32>,
        %get3A_252 = arith.index_cast %add3A_216 : i32 to index
        %get3A_253 = arith.constant 48 : index
        %get3A_254 = tpu.vector_load %arg20[%get3A_252, %get3A_253] {strides = array<i32>} : memref<64x64xf32, #tpu.memory_space<vmem>>, vector<1x16xf32>,
        %get3A_255 = vector.shape_cast %get3A_254 : vector<1x16xf32> to vector<16xf32>
        %mul3A_256 = vector.broadcast %squeeze3A_218 : f32 to vector<16xf32>
        %mul3A_257 = arith.mulf %get3A_255, %mul3A_256 : vector<16xf32>
        %swap3A_258 = arith.index_cast %add3A_216 : i32 to index
        %swap3A_259 = arith.constant 48 : index
        %swap3A_260 = tpu.vector_load %arg20[%swap3A_258, %swap3A_259] {strides = array<i32>} : memref<64x64xf32, #tpu.memory_space<vmem>>, vector<1x16xf32>,
        %swap3A_261 = vector.shape_cast %swap3A_260 : vector<1x16xf32> to vector<16xf32>
        %swap3A_262 = vector.shape_cast %mul3A_257 : vector<16xf32> to vector<1x16xf32>
        tpu.vector_store %arg20[%swap3A_258, %swap3A_259], %swap3A_262 {strides = array<i32>} : memref<64x64xf32, #tpu.memory_space<vmem>>, vector<1x16xf32>,
        %mul3A_263 = arith.constant 16 : i32
        %mul3A_264 = arith.muli %scan3A_107, %mul3A_263 : i32
        %add3A_265 = arith.constant 3 : i32
        %add3A_266 = arith.addi %mul3A_264, %add3A_265 : i32
        %slice3A_267 = vector.extract_strided_slice %div3A_115 {offsets = [3], sizes = [1], strides = [1]} : vector<16xf32> to vector<1xf32>
        %squeeze3A_268 = vector.extract %slice3A_267[0] : f32 from vector<1xf32>
        %get3A_269 = arith.index_cast %add3A_266 : i32 to index
        %get3A_270 = arith.constant 0 : index
        %get3A_271 = tpu.vector_load %arg20[%get3A_269, %get3A_270] {strides = array<i32>} : memref<64x64xf32, #tpu.memory_space<vmem>>, vector<1x16xf32>,
        %get3A_272 = vector.shape_cast %get3A_271 : vector<1x16xf32> to vector<16xf32>
        %mul3A_273 = vector.broadcast %squeeze3A_268 : f32 to vector<16xf32>
        %mul3A_274 = arith.mulf %get3A_272, %mul3A_273 : vector<16xf32>
        %swap3A_275 = arith.index_cast %add3A_266 : i32 to index
        %swap3A_276 = arith.constant 0 : index
        %swap3A_277 = tpu.vector_load %arg20[%swap3A_275, %swap3A_276] {strides = array<i32>} : memref<64x64xf32, #tpu.memory_space<vmem>>, vector<1x16xf32>,
        %swap3A_278 = vector.shape_cast %swap3A_277 : vector<1x16xf32> to vector<16xf32>
        %swap3A_279 = vector.shape_cast %mul3A_274 : vector<16xf32> to vector<1x16xf32>
        tpu.vector_store %arg20[%swap3A_275, %swap3A_276], %swap3A_279 {strides = array<i32>} : memref<64x64xf32, #tpu.memory_space<vmem>>, vector<1x16xf32>,
        %get3A_280 = arith.index_cast %add3A_266 : i32 to index
        %get3A_281 = arith.constant 16 : index
        %get3A_282 = tpu.vector_load %arg20[%get3A_280, %get3A_281] {strides = array<i32>} : memref<64x64xf32, #tpu.memory_space<vmem>>, vector<1x16xf32>,
        %get3A_283 = vector.shape_cast %get3A_282 : vector<1x16xf32> to vector<16xf32>
        %mul3A_284 = vector.broadcast %squeeze3A_268 : f32 to vector<16xf32>
        %mul3A_285 = arith.mulf %get3A_283, %mul3A_284 : vector<16xf32>
        %swap3A_286 = arith.index_cast %add3A_266 : i32 to index
        %swap3A_287 = arith.constant 16 : index
        %swap3A_288 = tpu.vector_load %arg20[%swap3A_286, %swap3A_287] {strides = array<i32>} : memref<64x64xf32, #tpu.memory_space<vmem>>, vector<1x16xf32>,
        %swap3A_289 = vector.shape_cast %swap3A_288 : vector<1x16xf32> to vector<16xf32>
        %swap3A_290 = vector.shape_cast %mul3A_285 : vector<16xf32> to vector<1x16xf32>
        tpu.vector_store %arg20[%swap3A_286, %swap3A_287], %swap3A_290 {strides = array<i32>} : memref<64x64xf32, #tpu.memory_space<vmem>>, vector<1x16xf32>,
        %get3A_291 = arith.index_cast %add3A_266 : i32 to index
        %get3A_292 = arith.constant 32 : index
        %get3A_293 = tpu.vector_load %arg20[%get3A_291, %get3A_292] {strides = array<i32>} : memref<64x64xf32, #tpu.memory_space<vmem>>, vector<1x16xf32>,
        %get3A_294 = vector.shape_cast %get3A_293 : vector<1x16xf32> to vector<16xf32>
        %mul3A_295 = vector.broadcast %squeeze3A_268 : f32 to vector<16xf32>
        %mul3A_296 = arith.mulf %get3A_294, %mul3A_295 : vector<16xf32>
        %swap3A_297 = arith.index_cast %add3A_266 : i32 to index
        %swap3A_298 = arith.constant 32 : index
        %swap3A_299 = tpu.vector_load %arg20[%swap3A_297, %swap3A_298] {strides = array<i32>} : memref<64x64xf32, #tpu.memory_space<vmem>>, vector<1x16xf32>,
        %swap3A_300 = vector.shape_cast %swap3A_299 : vector<1x16xf32> to vector<16xf32>
        %swap3A_301 = vector.shape_cast %mul3A_296 : vector<16xf32> to vector<1x16xf32>
        tpu.vector_store %arg20[%swap3A_297, %swap3A_298], %swap3A_301 {strides = array<i32>} : memref<64x64xf32, #tpu.memory_space<vmem>>, vector<1x16xf32>,
        %get3A_302 = arith.index_cast %add3A_266 : i32 to index
        %get3A_303 = arith.constant 48 : index
        %get3A_304 = tpu.vector_load %arg20[%get3A_302, %get3A_303] {strides = array<i32>} : memref<64x64xf32, #tpu.memory_space<vmem>>, vector<1x16xf32>,
        %get3A_305 = vector.shape_cast %get3A_304 : vector<1x16xf32> to vector<16xf32>
        %mul3A_306 = vector.broadcast %squeeze3A_268 : f32 to vector<16xf32>
        %mul3A_307 = arith.mulf %get3A_305, %mul3A_306 : vector<16xf32>
        %swap3A_308 = arith.index_cast %add3A_266 : i32 to index
        %swap3A_309 = arith.constant 48 : index
        %swap3A_310 = tpu.vector_load %arg20[%swap3A_308, %swap3A_309] {strides = array<i32>} : memref<64x64xf32, #tpu.memory_space<vmem>>, vector<1x16xf32>,
        %swap3A_311 = vector.shape_cast %swap3A_310 : vector<1x16xf32> to vector<16xf32>
        %swap3A_312 = vector.shape_cast %mul3A_307 : vector<16xf32> to vector<1x16xf32>
        tpu.vector_store %arg20[%swap3A_308, %swap3A_309], %swap3A_312 {strides = array<i32>} : memref<64x64xf32, #tpu.memory_space<vmem>>, vector<1x16xf32>,
        %mul3A_313 = arith.constant 16 : i32
        %mul3A_314 = arith.muli %scan3A_107, %mul3A_313 : i32
        %add3A_315 = arith.constant 4 : i32
        %add3A_316 = arith.addi %mul3A_314, %add3A_315 : i32
        %slice3A_317 = vector.extract_strided_slice %div3A_115 {offsets = [4], sizes = [1], strides = [1]} : vector<16xf32> to vector<1xf32>
        %squeeze3A_318 = vector.extract %slice3A_317[0] : f32 from vector<1xf32>
        %get3A_319 = arith.index_cast %add3A_316 : i32 to index
        %get3A_320 = arith.constant 0 : index
        %get3A_321 = tpu.vector_load %arg20[%get3A_319, %get3A_320] {strides = array<i32>} : memref<64x64xf32, #tpu.memory_space<vmem>>, vector<1x16xf32>,
        %get3A_322 = vector.shape_cast %get3A_321 : vector<1x16xf32> to vector<16xf32>
        %mul3A_323 = vector.broadcast %squeeze3A_318 : f32 to vector<16xf32>
        %mul3A_324 = arith.mulf %get3A_322, %mul3A_323 : vector<16xf32>
        %swap3A_325 = arith.index_cast %add3A_316 : i32 to index
        %swap3A_326 = arith.constant 0 : index
        %swap3A_327 = tpu.vector_load %arg20[%swap3A_325, %swap3A_326] {strides = array<i32>} : memref<64x64xf32, #tpu.memory_space<vmem>>, vector<1x16xf32>,
        %swap3A_328 = vector.shape_cast %swap3A_327 : vector<1x16xf32> to vector<16xf32>
        %swap3A_329 = vector.shape_cast %mul3A_324 : vector<16xf32> to vector<1x16xf32>
        tpu.vector_store %arg20[%swap3A_325, %swap3A_326], %swap3A_329 {strides = array<i32>} : memref<64x64xf32, #tpu.memory_space<vmem>>, vector<1x16xf32>,
        %get3A_330 = arith.index_cast %add3A_316 : i32 to index
        %get3A_331 = arith.constant 16 : index
        %get3A_332 = tpu.vector_load %arg20[%get3A_330, %get3A_331] {strides = array<i32>} : memref<64x64xf32, #tpu.memory_space<vmem>>, vector<1x16xf32>,
        %get3A_333 = vector.shape_cast %get3A_332 : vector<1x16xf32> to vector<16xf32>
        %mul3A_334 = vector.broadcast %squeeze3A_318 : f32 to vector<16xf32>
        %mul3A_335 = arith.mulf %get3A_333, %mul3A_334 : vector<16xf32>
        %swap3A_336 = arith.index_cast %add3A_316 : i32 to index
        %swap3A_337 = arith.constant 16 : index
        %swap3A_338 = tpu.vector_load %arg20[%swap3A_336, %swap3A_337] {strides = array<i32>} : memref<64x64xf32, #tpu.memory_space<vmem>>, vector<1x16xf32>,
        %swap3A_339 = vector.shape_cast %swap3A_338 : vector<1x16xf32> to vector<16xf32>
        %swap3A_340 = vector.shape_cast %mul3A_335 : vector<16xf32> to vector<1x16xf32>
        tpu.vector_store %arg20[%swap3A_336, %swap3A_337], %swap3A_340 {strides = array<i32>} : memref<64x64xf32, #tpu.memory_space<vmem>>, vector<1x16xf32>,
        %get3A_341 = arith.index_cast %add3A_316 : i32 to index
        %get3A_342 = arith.constant 32 : index
        %get3A_343 = tpu.vector_load %arg20[%get3A_341, %get3A_342] {strides = array<i32>} : memref<64x64xf32, #tpu.memory_space<vmem>>, vector<1x16xf32>,
        %get3A_344 = vector.shape_cast %get3A_343 : vector<1x16xf32> to vector<16xf32>
        %mul3A_345 = vector.broadcast %squeeze3A_318 : f32 to vector<16xf32>
        %mul3A_346 = arith.mulf %get3A_344, %mul3A_345 : vector<16xf32>
        %swap3A_347 = arith.index_cast %add3A_316 : i32 to index
        %swap3A_348 = arith.constant 32 : index
        %swap3A_349 = tpu.vector_load %arg20[%swap3A_347, %swap3A_348] {strides = array<i32>} : memref<64x64xf32, #tpu.memory_space<vmem>>, vector<1x16xf32>,
        %swap3A_350 = vector.shape_cast %swap3A_349 : vector<1x16xf32> to vector<16xf32>
        %swap3A_351 = vector.shape_cast %mul3A_346 : vector<16xf32> to vector<1x16xf32>
        tpu.vector_store %arg20[%swap3A_347, %swap3A_348], %swap3A_351 {strides = array<i32>} : memref<64x64xf32, #tpu.memory_space<vmem>>, vector<1x16xf32>,
        %get3A_352 = arith.index_cast %add3A_316 : i32 to index
        %get3A_353 = arith.constant 48 : index
        %get3A_354 = tpu.vector_load %arg20[%get3A_352, %get3A_353] {strides = array<i32>} : memref<64x64xf32, #tpu.memory_space<vmem>>, vector<1x16xf32>,
        %get3A_355 = vector.shape_cast %get3A_354 : vector<1x16xf32> to vector<16xf32>
        %mul3A_356 = vector.broadcast %squeeze3A_318 : f32 to vector<16xf32>
        %mul3A_357 = arith.mulf %get3A_355, %mul3A_356 : vector<16xf32>
        %swap3A_358 = arith.index_cast %add3A_316 : i32 to index
        %swap3A_359 = arith.constant 48 : index
        %swap3A_360 = tpu.vector_load %arg20[%swap3A_358, %swap3A_359] {strides = array<i32>} : memref<64x64xf32, #tpu.memory_space<vmem>>, vector<1x16xf32>,
        %swap3A_361 = vector.shape_cast %swap3A_360 : vector<1x16xf32> to vector<16xf32>
        %swap3A_362 = vector.shape_cast %mul3A_357 : vector<16xf32> to vector<1x16xf32>
        tpu.vector_store %arg20[%swap3A_358, %swap3A_359], %swap3A_362 {strides = array<i32>} : memref<64x64xf32, #tpu.memory_space<vmem>>, vector<1x16xf32>,
        %mul3A_363 = arith.constant 16 : i32
        %mul3A_364 = arith.muli %scan3A_107, %mul3A_363 : i32
        %add3A_365 = arith.constant 5 : i32
        %add3A_366 = arith.addi %mul3A_364, %add3A_365 : i32
        %slice3A_367 = vector.extract_strided_slice %div3A_115 {offsets = [5], sizes = [1], strides = [1]} : vector<16xf32> to vector<1xf32>
        %squeeze3A_368 = vector.extract %slice3A_367[0] : f32 from vector<1xf32>
        %get3A_369 = arith.index_cast %add3A_366 : i32 to index
        %get3A_370 = arith.constant 0 : index
        %get3A_371 = tpu.vector_load %arg20[%get3A_369, %get3A_370] {strides = array<i32>} : memref<64x64xf32, #tpu.memory_space<vmem>>, vector<1x16xf32>,
        %get3A_372 = vector.shape_cast %get3A_371 : vector<1x16xf32> to vector<16xf32>
        %mul3A_373 = vector.broadcast %squeeze3A_368 : f32 to vector<16xf32>
        %mul3A_374 = arith.mulf %get3A_372, %mul3A_373 : vector<16xf32>
        %swap3A_375 = arith.index_cast %add3A_366 : i32 to index
        %swap3A_376 = arith.constant 0 : index
        %swap3A_377 = tpu.vector_load %arg20[%swap3A_375, %swap3A_376] {strides = array<i32>} : memref<64x64xf32, #tpu.memory_space<vmem>>, vector<1x16xf32>,
        %swap3A_378 = vector.shape_cast %swap3A_377 : vector<1x16xf32> to vector<16xf32>
        %swap3A_379 = vector.shape_cast %mul3A_374 : vector<16xf32> to vector<1x16xf32>
        tpu.vector_store %arg20[%swap3A_375, %swap3A_376], %swap3A_379 {strides = array<i32>} : memref<64x64xf32, #tpu.memory_space<vmem>>, vector<1x16xf32>,
        %get3A_380 = arith.index_cast %add3A_366 : i32 to index
        %get3A_381 = arith.constant 16 : index
        %get3A_382 = tpu.vector_load %arg20[%get3A_380, %get3A_381] {strides = array<i32>} : memref<64x64xf32, #tpu.memory_space<vmem>>, vector<1x16xf32>,
        %get3A_383 = vector.shape_cast %get3A_382 : vector<1x16xf32> to vector<16xf32>
        %mul3A_384 = vector.broadcast %squeeze3A_368 : f32 to vector<16xf32>
        %mul3A_385 = arith.mulf %get3A_383, %mul3A_384 : vector<16xf32>
        %swap3A_386 = arith.index_cast %add3A_366 : i32 to index
        %swap3A_387 = arith.constant 16 : index
        %swap3A_388 = tpu.vector_load %arg20[%swap3A_386, %swap3A_387] {strides = array<i32>} : memref<64x64xf32, #tpu.memory_space<vmem>>, vector<1x16xf32>,
        %swap3A_389 = vector.shape_cast %swap3A_388 : vector<1x16xf32> to vector<16xf32>
        %swap3A_390 = vector.shape_cast %mul3A_385 : vector<16xf32> to vector<1x16xf32>
        tpu.vector_store %arg20[%swap3A_386, %swap3A_387], %swap3A_390 {strides = array<i32>} : memref<64x64xf32, #tpu.memory_space<vmem>>, vector<1x16xf32>,
        %get3A_391 = arith.index_cast %add3A_366 : i32 to index
        %get3A_392 = arith.constant 32 : index
        %get3A_393 = tpu.vector_load %arg20[%get3A_391, %get3A_392] {strides = array<i32>} : memref<64x64xf32, #tpu.memory_space<vmem>>, vector<1x16xf32>,
        %get3A_394 = vector.shape_cast %get3A_393 : vector<1x16xf32> to vector<16xf32>
        %mul3A_395 = vector.broadcast %squeeze3A_368 : f32 to vector<16xf32>
        %mul3A_396 = arith.mulf %get3A_394, %mul3A_395 : vector<16xf32>
        %swap3A_397 = arith.index_cast %add3A_366 : i32 to index
        %swap3A_398 = arith.constant 32 : index
        %swap3A_399 = tpu.vector_load %arg20[%swap3A_397, %swap3A_398] {strides = array<i32>} : memref<64x64xf32, #tpu.memory_space<vmem>>, vector<1x16xf32>,
        %swap3A_400 = vector.shape_cast %swap3A_399 : vector<1x16xf32> to vector<16xf32>
        %swap3A_401 = vector.shape_cast %mul3A_396 : vector<16xf32> to vector<1x16xf32>
        tpu.vector_store %arg20[%swap3A_397, %swap3A_398], %swap3A_401 {strides = array<i32>} : memref<64x64xf32, #tpu.memory_space<vmem>>, vector<1x16xf32>,
        %get3A_402 = arith.index_cast %add3A_366 : i32 to index
        %get3A_403 = arith.constant 48 : index
        %get3A_404 = tpu.vector_load %arg20[%get3A_402, %get3A_403] {strides = array<i32>} : memref<64x64xf32, #tpu.memory_space<vmem>>, vector<1x16xf32>,
        %get3A_405 = vector.shape_cast %get3A_404 : vector<1x16xf32> to vector<16xf32>
        %mul3A_406 = vector.broadcast %squeeze3A_368 : f32 to vector<16xf32>
        %mul3A_407 = arith.mulf %get3A_405, %mul3A_406 : vector<16xf32>
        %swap3A_408 = arith.index_cast %add3A_366 : i32 to index
        %swap3A_409 = arith.constant 48 : index
        %swap3A_410 = tpu.vector_load %arg20[%swap3A_408, %swap3A_409] {strides = array<i32>} : memref<64x64xf32, #tpu.memory_space<vmem>>, vector<1x16xf32>,
        %swap3A_411 = vector.shape_cast %swap3A_410 : vector<1x16xf32> to vector<16xf32>
        %swap3A_412 = vector.shape_cast %mul3A_407 : vector<16xf32> to vector<1x16xf32>
        tpu.vector_store %arg20[%swap3A_408, %swap3A_409], %swap3A_412 {strides = array<i32>} : memref<64x64xf32, #tpu.memory_space<vmem>>, vector<1x16xf32>,
        %mul3A_413 = arith.constant 16 : i32
        %mul3A_414 = arith.muli %scan3A_107, %mul3A_413 : i32
        %add3A_415 = arith.constant 6 : i32
        %add3A_416 = arith.addi %mul3A_414, %add3A_415 : i32
        %slice3A_417 = vector.extract_strided_slice %div3A_115 {offsets = [6], sizes = [1], strides = [1]} : vector<16xf32> to vector<1xf32>
        %squeeze3A_418 = vector.extract %slice3A_417[0] : f32 from vector<1xf32>
        %get3A_419 = arith.index_cast %add3A_416 : i32 to index
        %get3A_420 = arith.constant 0 : index
        %get3A_421 = tpu.vector_load %arg20[%get3A_419, %get3A_420] {strides = array<i32>} : memref<64x64xf32, #tpu.memory_space<vmem>>, vector<1x16xf32>,
        %get3A_422 = vector.shape_cast %get3A_421 : vector<1x16xf32> to vector<16xf32>
        %mul3A_423 = vector.broadcast %squeeze3A_418 : f32 to vector<16xf32>
        %mul3A_424 = arith.mulf %get3A_422, %mul3A_423 : vector<16xf32>
        %swap3A_425 = arith.index_cast %add3A_416 : i32 to index
        %swap3A_426 = arith.constant 0 : index
        %swap3A_427 = tpu.vector_load %arg20[%swap3A_425, %swap3A_426] {strides = array<i32>} : memref<64x64xf32, #tpu.memory_space<vmem>>, vector<1x16xf32>,
        %swap3A_428 = vector.shape_cast %swap3A_427 : vector<1x16xf32> to vector<16xf32>
        %swap3A_429 = vector.shape_cast %mul3A_424 : vector<16xf32> to vector<1x16xf32>
        tpu.vector_store %arg20[%swap3A_425, %swap3A_426], %swap3A_429 {strides = array<i32>} : memref<64x64xf32, #tpu.memory_space<vmem>>, vector<1x16xf32>,
        %get3A_430 = arith.index_cast %add3A_416 : i32 to index
        %get3A_431 = arith.constant 16 : index
        %get3A_432 = tpu.vector_load %arg20[%get3A_430, %get3A_431] {strides = array<i32>} : memref<64x64xf32, #tpu.memory_space<vmem>>, vector<1x16xf32>,
        %get3A_433 = vector.shape_cast %get3A_432 : vector<1x16xf32> to vector<16xf32>
        %mul3A_434 = vector.broadcast %squeeze3A_418 : f32 to vector<16xf32>
        %mul3A_435 = arith.mulf %get3A_433, %mul3A_434 : vector<16xf32>
        %swap3A_436 = arith.index_cast %add3A_416 : i32 to index
        %swap3A_437 = arith.constant 16 : index
        %swap3A_438 = tpu.vector_load %arg20[%swap3A_436, %swap3A_437] {strides = array<i32>} : memref<64x64xf32, #tpu.memory_space<vmem>>, vector<1x16xf32>,
        %swap3A_439 = vector.shape_cast %swap3A_438 : vector<1x16xf32> to vector<16xf32>
        %swap3A_440 = vector.shape_cast %mul3A_435 : vector<16xf32> to vector<1x16xf32>
        tpu.vector_store %arg20[%swap3A_436, %swap3A_437], %swap3A_440 {strides = array<i32>} : memref<64x64xf32, #tpu.memory_space<vmem>>, vector<1x16xf32>,
        %get3A_441 = arith.index_cast %add3A_416 : i32 to index
        %get3A_442 = arith.constant 32 : index
        %get3A_443 = tpu.vector_load %arg20[%get3A_441, %get3A_442] {strides = array<i32>} : memref<64x64xf32, #tpu.memory_space<vmem>>, vector<1x16xf32>,
        %get3A_444 = vector.shape_cast %get3A_443 : vector<1x16xf32> to vector<16xf32>
        %mul3A_445 = vector.broadcast %squeeze3A_418 : f32 to vector<16xf32>
        %mul3A_446 = arith.mulf %get3A_444, %mul3A_445 : vector<16xf32>
        %swap3A_447 = arith.index_cast %add3A_416 : i32 to index
        %swap3A_448 = arith.constant 32 : index
        %swap3A_449 = tpu.vector_load %arg20[%swap3A_447, %swap3A_448] {strides = array<i32>} : memref<64x64xf32, #tpu.memory_space<vmem>>, vector<1x16xf32>,
        %swap3A_450 = vector.shape_cast %swap3A_449 : vector<1x16xf32> to vector<16xf32>
        %swap3A_451 = vector.shape_cast %mul3A_446 : vector<16xf32> to vector<1x16xf32>
        tpu.vector_store %arg20[%swap3A_447, %swap3A_448], %swap3A_451 {strides = array<i32>} : memref<64x64xf32, #tpu.memory_space<vmem>>, vector<1x16xf32>,
        %get3A_452 = arith.index_cast %add3A_416 : i32 to index
        %get3A_453 = arith.constant 48 : index
        %get3A_454 = tpu.vector_load %arg20[%get3A_452, %get3A_453] {strides = array<i32>} : memref<64x64xf32, #tpu.memory_space<vmem>>, vector<1x16xf32>,
        %get3A_455 = vector.shape_cast %get3A_454 : vector<1x16xf32> to vector<16xf32>
        %mul3A_456 = vector.broadcast %squeeze3A_418 : f32 to vector<16xf32>
        %mul3A_457 = arith.mulf %get3A_455, %mul3A_456 : vector<16xf32>
        %swap3A_458 = arith.index_cast %add3A_416 : i32 to index
        %swap3A_459 = arith.constant 48 : index
        %swap3A_460 = tpu.vector_load %arg20[%swap3A_458, %swap3A_459] {strides = array<i32>} : memref<64x64xf32, #tpu.memory_space<vmem>>, vector<1x16xf32>,
        %swap3A_461 = vector.shape_cast %swap3A_460 : vector<1x16xf32> to vector<16xf32>
        %swap3A_462 = vector.shape_cast %mul3A_457 : vector<16xf32> to vector<1x16xf32>
        tpu.vector_store %arg20[%swap3A_458, %swap3A_459], %swap3A_462 {strides = array<i32>} : memref<64x64xf32, #tpu.memory_space<vmem>>, vector<1x16xf32>,
        %mul3A_463 = arith.constant 16 : i32
        %mul3A_464 = arith.muli %scan3A_107, %mul3A_463 : i32
        %add3A_465 = arith.constant 7 : i32
        %add3A_466 = arith.addi %mul3A_464, %add3A_465 : i32
        %slice3A_467 = vector.extract_strided_slice %div3A_115 {offsets = [7], sizes = [1], strides = [1]} : vector<16xf32> to vector<1xf32>
        %squeeze3A_468 = vector.extract %slice3A_467[0] : f32 from vector<1xf32>
        %get3A_469 = arith.index_cast %add3A_466 : i32 to index
        %get3A_470 = arith.constant 0 : index
        %get3A_471 = tpu.vector_load %arg20[%get3A_469, %get3A_470] {strides = array<i32>} : memref<64x64xf32, #tpu.memory_space<vmem>>, vector<1x16xf32>,
        %get3A_472 = vector.shape_cast %get3A_471 : vector<1x16xf32> to vector<16xf32>
        %mul3A_473 = vector.broadcast %squeeze3A_468 : f32 to vector<16xf32>
        %mul3A_474 = arith.mulf %get3A_472, %mul3A_473 : vector<16xf32>
        %swap3A_475 = arith.index_cast %add3A_466 : i32 to index
        %swap3A_476 = arith.constant 0 : index
        %swap3A_477 = tpu.vector_load %arg20[%swap3A_475, %swap3A_476] {strides = array<i32>} : memref<64x64xf32, #tpu.memory_space<vmem>>, vector<1x16xf32>,
        %swap3A_478 = vector.shape_cast %swap3A_477 : vector<1x16xf32> to vector<16xf32>
        %swap3A_479 = vector.shape_cast %mul3A_474 : vector<16xf32> to vector<1x16xf32>
        tpu.vector_store %arg20[%swap3A_475, %swap3A_476], %swap3A_479 {strides = array<i32>} : memref<64x64xf32, #tpu.memory_space<vmem>>, vector<1x16xf32>,
        %get3A_480 = arith.index_cast %add3A_466 : i32 to index
        %get3A_481 = arith.constant 16 : index
        %get3A_482 = tpu.vector_load %arg20[%get3A_480, %get3A_481] {strides = array<i32>} : memref<64x64xf32, #tpu.memory_space<vmem>>, vector<1x16xf32>,
        %get3A_483 = vector.shape_cast %get3A_482 : vector<1x16xf32> to vector<16xf32>
        %mul3A_484 = vector.broadcast %squeeze3A_468 : f32 to vector<16xf32>
        %mul3A_485 = arith.mulf %get3A_483, %mul3A_484 : vector<16xf32>
        %swap3A_486 = arith.index_cast %add3A_466 : i32 to index
        %swap3A_487 = arith.constant 16 : index
        %swap3A_488 = tpu.vector_load %arg20[%swap3A_486, %swap3A_487] {strides = array<i32>} : memref<64x64xf32, #tpu.memory_space<vmem>>, vector<1x16xf32>,
        %swap3A_489 = vector.shape_cast %swap3A_488 : vector<1x16xf32> to vector<16xf32>
        %swap3A_490 = vector.shape_cast %mul3A_485 : vector<16xf32> to vector<1x16xf32>
        tpu.vector_store %arg20[%swap3A_486, %swap3A_487], %swap3A_490 {strides = array<i32>} : memref<64x64xf32, #tpu.memory_space<vmem>>, vector<1x16xf32>,
        %get3A_491 = arith.index_cast %add3A_466 : i32 to index
        %get3A_492 = arith.constant 32 : index
        %get3A_493 = tpu.vector_load %arg20[%get3A_491, %get3A_492] {strides = array<i32>} : memref<64x64xf32, #tpu.memory_space<vmem>>, vector<1x16xf32>,
        %get3A_494 = vector.shape_cast %get3A_493 : vector<1x16xf32> to vector<16xf32>
        %mul3A_495 = vector.broadcast %squeeze3A_468 : f32 to vector<16xf32>
        %mul3A_496 = arith.mulf %get3A_494, %mul3A_495 : vector<16xf32>
        %swap3A_497 = arith.index_cast %add3A_466 : i32 to index
        %swap3A_498 = arith.constant 32 : index
        %swap3A_499 = tpu.vector_load %arg20[%swap3A_497, %swap3A_498] {strides = array<i32>} : memref<64x64xf32, #tpu.memory_space<vmem>>, vector<1x16xf32>,
        %swap3A_500 = vector.shape_cast %swap3A_499 : vector<1x16xf32> to vector<16xf32>
        %swap3A_501 = vector.shape_cast %mul3A_496 : vector<16xf32> to vector<1x16xf32>
        tpu.vector_store %arg20[%swap3A_497, %swap3A_498], %swap3A_501 {strides = array<i32>} : memref<64x64xf32, #tpu.memory_space<vmem>>, vector<1x16xf32>,
        %get3A_502 = arith.index_cast %add3A_466 : i32 to index
        %get3A_503 = arith.constant 48 : index
        %get3A_504 = tpu.vector_load %arg20[%get3A_502, %get3A_503] {strides = array<i32>} : memref<64x64xf32, #tpu.memory_space<vmem>>, vector<1x16xf32>,
        %get3A_505 = vector.shape_cast %get3A_504 : vector<1x16xf32> to vector<16xf32>
        %mul3A_506 = vector.broadcast %squeeze3A_468 : f32 to vector<16xf32>
        %mul3A_507 = arith.mulf %get3A_505, %mul3A_506 : vector<16xf32>
        %swap3A_508 = arith.index_cast %add3A_466 : i32 to index
        %swap3A_509 = arith.constant 48 : index
        %swap3A_510 = tpu.vector_load %arg20[%swap3A_508, %swap3A_509] {strides = array<i32>} : memref<64x64xf32, #tpu.memory_space<vmem>>, vector<1x16xf32>,
        %swap3A_511 = vector.shape_cast %swap3A_510 : vector<1x16xf32> to vector<16xf32>
        %swap3A_512 = vector.shape_cast %mul3A_507 : vector<16xf32> to vector<1x16xf32>
        tpu.vector_store %arg20[%swap3A_508, %swap3A_509], %swap3A_512 {strides = array<i32>} : memref<64x64xf32, #tpu.memory_space<vmem>>, vector<1x16xf32>,
        %mul3A_513 = arith.constant 16 : i32
        %mul3A_514 = arith.muli %scan3A_107, %mul3A_513 : i32
        %add3A_515 = arith.constant 8 : i32
        %add3A_516 = arith.addi %mul3A_514, %add3A_515 : i32
        %slice3A_517 = vector.extract_strided_slice %div3A_115 {offsets = [8], sizes = [1], strides = [1]} : vector<16xf32> to vector<1xf32>
        %squeeze3A_518 = vector.extract %slice3A_517[0] : f32 from vector<1xf32>
        %get3A_519 = arith.index_cast %add3A_516 : i32 to index
        %get3A_520 = arith.constant 0 : index
        %get3A_521 = tpu.vector_load %arg20[%get3A_519, %get3A_520] {strides = array<i32>} : memref<64x64xf32, #tpu.memory_space<vmem>>, vector<1x16xf32>,
        %get3A_522 = vector.shape_cast %get3A_521 : vector<1x16xf32> to vector<16xf32>
        %mul3A_523 = vector.broadcast %squeeze3A_518 : f32 to vector<16xf32>
        %mul3A_524 = arith.mulf %get3A_522, %mul3A_523 : vector<16xf32>
        %swap3A_525 = arith.index_cast %add3A_516 : i32 to index
        %swap3A_526 = arith.constant 0 : index
        %swap3A_527 = tpu.vector_load %arg20[%swap3A_525, %swap3A_526] {strides = array<i32>} : memref<64x64xf32, #tpu.memory_space<vmem>>, vector<1x16xf32>,
        %swap3A_528 = vector.shape_cast %swap3A_527 : vector<1x16xf32> to vector<16xf32>
        %swap3A_529 = vector.shape_cast %mul3A_524 : vector<16xf32> to vector<1x16xf32>
        tpu.vector_store %arg20[%swap3A_525, %swap3A_526], %swap3A_529 {strides = array<i32>} : memref<64x64xf32, #tpu.memory_space<vmem>>, vector<1x16xf32>,
        %get3A_530 = arith.index_cast %add3A_516 : i32 to index
        %get3A_531 = arith.constant 16 : index
        %get3A_532 = tpu.vector_load %arg20[%get3A_530, %get3A_531] {strides = array<i32>} : memref<64x64xf32, #tpu.memory_space<vmem>>, vector<1x16xf32>,
        %get3A_533 = vector.shape_cast %get3A_532 : vector<1x16xf32> to vector<16xf32>
        %mul3A_534 = vector.broadcast %squeeze3A_518 : f32 to vector<16xf32>
        %mul3A_535 = arith.mulf %get3A_533, %mul3A_534 : vector<16xf32>
        %swap3A_536 = arith.index_cast %add3A_516 : i32 to index
        %swap3A_537 = arith.constant 16 : index
        %swap3A_538 = tpu.vector_load %arg20[%swap3A_536, %swap3A_537] {strides = array<i32>} : memref<64x64xf32, #tpu.memory_space<vmem>>, vector<1x16xf32>,
        %swap3A_539 = vector.shape_cast %swap3A_538 : vector<1x16xf32> to vector<16xf32>
        %swap3A_540 = vector.shape_cast %mul3A_535 : vector<16xf32> to vector<1x16xf32>
        tpu.vector_store %arg20[%swap3A_536, %swap3A_537], %swap3A_540 {strides = array<i32>} : memref<64x64xf32, #tpu.memory_space<vmem>>, vector<1x16xf32>,
        %get3A_541 = arith.index_cast %add3A_516 : i32 to index
        %get3A_542 = arith.constant 32 : index
        %get3A_543 = tpu.vector_load %arg20[%get3A_541, %get3A_542] {strides = array<i32>} : memref<64x64xf32, #tpu.memory_space<vmem>>, vector<1x16xf32>,
        %get3A_544 = vector.shape_cast %get3A_543 : vector<1x16xf32> to vector<16xf32>
        %mul3A_545 = vector.broadcast %squeeze3A_518 : f32 to vector<16xf32>
        %mul3A_546 = arith.mulf %get3A_544, %mul3A_545 : vector<16xf32>
        %swap3A_547 = arith.index_cast %add3A_516 : i32 to index
        %swap3A_548 = arith.constant 32 : index
        %swap3A_549 = tpu.vector_load %arg20[%swap3A_547, %swap3A_548] {strides = array<i32>} : memref<64x64xf32, #tpu.memory_space<vmem>>, vector<1x16xf32>,
        %swap3A_550 = vector.shape_cast %swap3A_549 : vector<1x16xf32> to vector<16xf32>
        %swap3A_551 = vector.shape_cast %mul3A_546 : vector<16xf32> to vector<1x16xf32>
        tpu.vector_store %arg20[%swap3A_547, %swap3A_548], %swap3A_551 {strides = array<i32>} : memref<64x64xf32, #tpu.memory_space<vmem>>, vector<1x16xf32>,
        %get3A_552 = arith.index_cast %add3A_516 : i32 to index
        %get3A_553 = arith.constant 48 : index
        %get3A_554 = tpu.vector_load %arg20[%get3A_552, %get3A_553] {strides = array<i32>} : memref<64x64xf32, #tpu.memory_space<vmem>>, vector<1x16xf32>,
        %get3A_555 = vector.shape_cast %get3A_554 : vector<1x16xf32> to vector<16xf32>
        %mul3A_556 = vector.broadcast %squeeze3A_518 : f32 to vector<16xf32>
        %mul3A_557 = arith.mulf %get3A_555, %mul3A_556 : vector<16xf32>
        %swap3A_558 = arith.index_cast %add3A_516 : i32 to index
        %swap3A_559 = arith.constant 48 : index
        %swap3A_560 = tpu.vector_load %arg20[%swap3A_558, %swap3A_559] {strides = array<i32>} : memref<64x64xf32, #tpu.memory_space<vmem>>, vector<1x16xf32>,
        %swap3A_561 = vector.shape_cast %swap3A_560 : vector<1x16xf32> to vector<16xf32>
        %swap3A_562 = vector.shape_cast %mul3A_557 : vector<16xf32> to vector<1x16xf32>
        tpu.vector_store %arg20[%swap3A_558, %swap3A_559], %swap3A_562 {strides = array<i32>} : memref<64x64xf32, #tpu.memory_space<vmem>>, vector<1x16xf32>,
        %mul3A_563 = arith.constant 16 : i32
        %mul3A_564 = arith.muli %scan3A_107, %mul3A_563 : i32
        %add3A_565 = arith.constant 9 : i32
        %add3A_566 = arith.addi %mul3A_564, %add3A_565 : i32
        %slice3A_567 = vector.extract_strided_slice %div3A_115 {offsets = [9], sizes = [1], strides = [1]} : vector<16xf32> to vector<1xf32>
        %squeeze3A_568 = vector.extract %slice3A_567[0] : f32 from vector<1xf32>
        %get3A_569 = arith.index_cast %add3A_566 : i32 to index
        %get3A_570 = arith.constant 0 : index
        %get3A_571 = tpu.vector_load %arg20[%get3A_569, %get3A_570] {strides = array<i32>} : memref<64x64xf32, #tpu.memory_space<vmem>>, vector<1x16xf32>,
        %get3A_572 = vector.shape_cast %get3A_571 : vector<1x16xf32> to vector<16xf32>
        %mul3A_573 = vector.broadcast %squeeze3A_568 : f32 to vector<16xf32>
        %mul3A_574 = arith.mulf %get3A_572, %mul3A_573 : vector<16xf32>
        %swap3A_575 = arith.index_cast %add3A_566 : i32 to index
        %swap3A_576 = arith.constant 0 : index
        %swap3A_577 = tpu.vector_load %arg20[%swap3A_575, %swap3A_576] {strides = array<i32>} : memref<64x64xf32, #tpu.memory_space<vmem>>, vector<1x16xf32>,
        %swap3A_578 = vector.shape_cast %swap3A_577 : vector<1x16xf32> to vector<16xf32>
        %swap3A_579 = vector.shape_cast %mul3A_574 : vector<16xf32> to vector<1x16xf32>
        tpu.vector_store %arg20[%swap3A_575, %swap3A_576], %swap3A_579 {strides = array<i32>} : memref<64x64xf32, #tpu.memory_space<vmem>>, vector<1x16xf32>,
        %get3A_580 = arith.index_cast %add3A_566 : i32 to index
        %get3A_581 = arith.constant 16 : index
        %get3A_582 = tpu.vector_load %arg20[%get3A_580, %get3A_581] {strides = array<i32>} : memref<64x64xf32, #tpu.memory_space<vmem>>, vector<1x16xf32>,
        %get3A_583 = vector.shape_cast %get3A_582 : vector<1x16xf32> to vector<16xf32>
        %mul3A_584 = vector.broadcast %squeeze3A_568 : f32 to vector<16xf32>
        %mul3A_585 = arith.mulf %get3A_583, %mul3A_584 : vector<16xf32>
        %swap3A_586 = arith.index_cast %add3A_566 : i32 to index
        %swap3A_587 = arith.constant 16 : index
        %swap3A_588 = tpu.vector_load %arg20[%swap3A_586, %swap3A_587] {strides = array<i32>} : memref<64x64xf32, #tpu.memory_space<vmem>>, vector<1x16xf32>,
        %swap3A_589 = vector.shape_cast %swap3A_588 : vector<1x16xf32> to vector<16xf32>
        %swap3A_590 = vector.shape_cast %mul3A_585 : vector<16xf32> to vector<1x16xf32>
        tpu.vector_store %arg20[%swap3A_586, %swap3A_587], %swap3A_590 {strides = array<i32>} : memref<64x64xf32, #tpu.memory_space<vmem>>, vector<1x16xf32>,
        %get3A_591 = arith.index_cast %add3A_566 : i32 to index
        %get3A_592 = arith.constant 32 : index
        %get3A_593 = tpu.vector_load %arg20[%get3A_591, %get3A_592] {strides = array<i32>} : memref<64x64xf32, #tpu.memory_space<vmem>>, vector<1x16xf32>,
        %get3A_594 = vector.shape_cast %get3A_593 : vector<1x16xf32> to vector<16xf32>
        %mul3A_595 = vector.broadcast %squeeze3A_568 : f32 to vector<16xf32>
        %mul3A_596 = arith.mulf %get3A_594, %mul3A_595 : vector<16xf32>
        %swap3A_597 = arith.index_cast %add3A_566 : i32 to index
        %swap3A_598 = arith.constant 32 : index
        %swap3A_599 = tpu.vector_load %arg20[%swap3A_597, %swap3A_598] {strides = array<i32>} : memref<64x64xf32, #tpu.memory_space<vmem>>, vector<1x16xf32>,
        %swap3A_600 = vector.shape_cast %swap3A_599 : vector<1x16xf32> to vector<16xf32>
        %swap3A_601 = vector.shape_cast %mul3A_596 : vector<16xf32> to vector<1x16xf32>
        tpu.vector_store %arg20[%swap3A_597, %swap3A_598], %swap3A_601 {strides = array<i32>} : memref<64x64xf32, #tpu.memory_space<vmem>>, vector<1x16xf32>,
        %get3A_602 = arith.index_cast %add3A_566 : i32 to index
        %get3A_603 = arith.constant 48 : index
        %get3A_604 = tpu.vector_load %arg20[%get3A_602, %get3A_603] {strides = array<i32>} : memref<64x64xf32, #tpu.memory_space<vmem>>, vector<1x16xf32>,
        %get3A_605 = vector.shape_cast %get3A_604 : vector<1x16xf32> to vector<16xf32>
        %mul3A_606 = vector.broadcast %squeeze3A_568 : f32 to vector<16xf32>
        %mul3A_607 = arith.mulf %get3A_605, %mul3A_606 : vector<16xf32>
        %swap3A_608 = arith.index_cast %add3A_566 : i32 to index
        %swap3A_609 = arith.constant 48 : index
        %swap3A_610 = tpu.vector_load %arg20[%swap3A_608, %swap3A_609] {strides = array<i32>} : memref<64x64xf32, #tpu.memory_space<vmem>>, vector<1x16xf32>,
        %swap3A_611 = vector.shape_cast %swap3A_610 : vector<1x16xf32> to vector<16xf32>
        %swap3A_612 = vector.shape_cast %mul3A_607 : vector<16xf32> to vector<1x16xf32>
        tpu.vector_store %arg20[%swap3A_608, %swap3A_609], %swap3A_612 {strides = array<i32>} : memref<64x64xf32, #tpu.memory_space<vmem>>, vector<1x16xf32>,
        %mul3A_613 = arith.constant 16 : i32
        %mul3A_614 = arith.muli %scan3A_107, %mul3A_613 : i32
        %add3A_615 = arith.constant 10 : i32
        %add3A_616 = arith.addi %mul3A_614, %add3A_615 : i32
        %slice3A_617 = vector.extract_strided_slice %div3A_115 {offsets = [10], sizes = [1], strides = [1]} : vector<16xf32> to vector<1xf32>
        %squeeze3A_618 = vector.extract %slice3A_617[0] : f32 from vector<1xf32>
        %get3A_619 = arith.index_cast %add3A_616 : i32 to index
        %get3A_620 = arith.constant 0 : index
        %get3A_621 = tpu.vector_load %arg20[%get3A_619, %get3A_620] {strides = array<i32>} : memref<64x64xf32, #tpu.memory_space<vmem>>, vector<1x16xf32>,
        %get3A_622 = vector.shape_cast %get3A_621 : vector<1x16xf32> to vector<16xf32>
        %mul3A_623 = vector.broadcast %squeeze3A_618 : f32 to vector<16xf32>
        %mul3A_624 = arith.mulf %get3A_622, %mul3A_623 : vector<16xf32>
        %swap3A_625 = arith.index_cast %add3A_616 : i32 to index
        %swap3A_626 = arith.constant 0 : index
        %swap3A_627 = tpu.vector_load %arg20[%swap3A_625, %swap3A_626] {strides = array<i32>} : memref<64x64xf32, #tpu.memory_space<vmem>>, vector<1x16xf32>,
        %swap3A_628 = vector.shape_cast %swap3A_627 : vector<1x16xf32> to vector<16xf32>
        %swap3A_629 = vector.shape_cast %mul3A_624 : vector<16xf32> to vector<1x16xf32>
        tpu.vector_store %arg20[%swap3A_625, %swap3A_626], %swap3A_629 {strides = array<i32>} : memref<64x64xf32, #tpu.memory_space<vmem>>, vector<1x16xf32>,
        %get3A_630 = arith.index_cast %add3A_616 : i32 to index
        %get3A_631 = arith.constant 16 : index
        %get3A_632 = tpu.vector_load %arg20[%get3A_630, %get3A_631] {strides = array<i32>} : memref<64x64xf32, #tpu.memory_space<vmem>>, vector<1x16xf32>,
        %get3A_633 = vector.shape_cast %get3A_632 : vector<1x16xf32> to vector<16xf32>
        %mul3A_634 = vector.broadcast %squeeze3A_618 : f32 to vector<16xf32>
        %mul3A_635 = arith.mulf %get3A_633, %mul3A_634 : vector<16xf32>
        %swap3A_636 = arith.index_cast %add3A_616 : i32 to index
        %swap3A_637 = arith.constant 16 : index
        %swap3A_638 = tpu.vector_load %arg20[%swap3A_636, %swap3A_637] {strides = array<i32>} : memref<64x64xf32, #tpu.memory_space<vmem>>, vector<1x16xf32>,
        %swap3A_639 = vector.shape_cast %swap3A_638 : vector<1x16xf32> to vector<16xf32>
        %swap3A_640 = vector.shape_cast %mul3A_635 : vector<16xf32> to vector<1x16xf32>
        tpu.vector_store %arg20[%swap3A_636, %swap3A_637], %swap3A_640 {strides = array<i32>} : memref<64x64xf32, #tpu.memory_space<vmem>>, vector<1x16xf32>,
        %get3A_641 = arith.index_cast %add3A_616 : i32 to index
        %get3A_642 = arith.constant 32 : index
        %get3A_643 = tpu.vector_load %arg20[%get3A_641, %get3A_642] {strides = array<i32>} : memref<64x64xf32, #tpu.memory_space<vmem>>, vector<1x16xf32>,
        %get3A_644 = vector.shape_cast %get3A_643 : vector<1x16xf32> to vector<16xf32>
        %mul3A_645 = vector.broadcast %squeeze3A_618 : f32 to vector<16xf32>
        %mul3A_646 = arith.mulf %get3A_644, %mul3A_645 : vector<16xf32>
        %swap3A_647 = arith.index_cast %add3A_616 : i32 to index
        %swap3A_648 = arith.constant 32 : index
        %swap3A_649 = tpu.vector_load %arg20[%swap3A_647, %swap3A_648] {strides = array<i32>} : memref<64x64xf32, #tpu.memory_space<vmem>>, vector<1x16xf32>,
        %swap3A_650 = vector.shape_cast %swap3A_649 : vector<1x16xf32> to vector<16xf32>
        %swap3A_651 = vector.shape_cast %mul3A_646 : vector<16xf32> to vector<1x16xf32>
        tpu.vector_store %arg20[%swap3A_647, %swap3A_648], %swap3A_651 {strides = array<i32>} : memref<64x64xf32, #tpu.memory_space<vmem>>, vector<1x16xf32>,
        %get3A_652 = arith.index_cast %add3A_616 : i32 to index
        %get3A_653 = arith.constant 48 : index
        %get3A_654 = tpu.vector_load %arg20[%get3A_652, %get3A_653] {strides = array<i32>} : memref<64x64xf32, #tpu.memory_space<vmem>>, vector<1x16xf32>,
        %get3A_655 = vector.shape_cast %get3A_654 : vector<1x16xf32> to vector<16xf32>
        %mul3A_656 = vector.broadcast %squeeze3A_618 : f32 to vector<16xf32>
        %mul3A_657 = arith.mulf %get3A_655, %mul3A_656 : vector<16xf32>
        %swap3A_658 = arith.index_cast %add3A_616 : i32 to index
        %swap3A_659 = arith.constant 48 : index
        %swap3A_660 = tpu.vector_load %arg20[%swap3A_658, %swap3A_659] {strides = array<i32>} : memref<64x64xf32, #tpu.memory_space<vmem>>, vector<1x16xf32>,
        %swap3A_661 = vector.shape_cast %swap3A_660 : vector<1x16xf32> to vector<16xf32>
        %swap3A_662 = vector.shape_cast %mul3A_657 : vector<16xf32> to vector<1x16xf32>
        tpu.vector_store %arg20[%swap3A_658, %swap3A_659], %swap3A_662 {strides = array<i32>} : memref<64x64xf32, #tpu.memory_space<vmem>>, vector<1x16xf32>,
        %mul3A_663 = arith.constant 16 : i32
        %mul3A_664 = arith.muli %scan3A_107, %mul3A_663 : i32
        %add3A_665 = arith.constant 11 : i32
        %add3A_666 = arith.addi %mul3A_664, %add3A_665 : i32
        %slice3A_667 = vector.extract_strided_slice %div3A_115 {offsets = [11], sizes = [1], strides = [1]} : vector<16xf32> to vector<1xf32>
        %squeeze3A_668 = vector.extract %slice3A_667[0] : f32 from vector<1xf32>
        %get3A_669 = arith.index_cast %add3A_666 : i32 to index
        %get3A_670 = arith.constant 0 : index
        %get3A_671 = tpu.vector_load %arg20[%get3A_669, %get3A_670] {strides = array<i32>} : memref<64x64xf32, #tpu.memory_space<vmem>>, vector<1x16xf32>,
        %get3A_672 = vector.shape_cast %get3A_671 : vector<1x16xf32> to vector<16xf32>
        %mul3A_673 = vector.broadcast %squeeze3A_668 : f32 to vector<16xf32>
        %mul3A_674 = arith.mulf %get3A_672, %mul3A_673 : vector<16xf32>
        %swap3A_675 = arith.index_cast %add3A_666 : i32 to index
        %swap3A_676 = arith.constant 0 : index
        %swap3A_677 = tpu.vector_load %arg20[%swap3A_675, %swap3A_676] {strides = array<i32>} : memref<64x64xf32, #tpu.memory_space<vmem>>, vector<1x16xf32>,
        %swap3A_678 = vector.shape_cast %swap3A_677 : vector<1x16xf32> to vector<16xf32>
        %swap3A_679 = vector.shape_cast %mul3A_674 : vector<16xf32> to vector<1x16xf32>
        tpu.vector_store %arg20[%swap3A_675, %swap3A_676], %swap3A_679 {strides = array<i32>} : memref<64x64xf32, #tpu.memory_space<vmem>>, vector<1x16xf32>,
        %get3A_680 = arith.index_cast %add3A_666 : i32 to index
        %get3A_681 = arith.constant 16 : index
        %get3A_682 = tpu.vector_load %arg20[%get3A_680, %get3A_681] {strides = array<i32>} : memref<64x64xf32, #tpu.memory_space<vmem>>, vector<1x16xf32>,
        %get3A_683 = vector.shape_cast %get3A_682 : vector<1x16xf32> to vector<16xf32>
        %mul3A_684 = vector.broadcast %squeeze3A_668 : f32 to vector<16xf32>
        %mul3A_685 = arith.mulf %get3A_683, %mul3A_684 : vector<16xf32>
        %swap3A_686 = arith.index_cast %add3A_666 : i32 to index
        %swap3A_687 = arith.constant 16 : index
        %swap3A_688 = tpu.vector_load %arg20[%swap3A_686, %swap3A_687] {strides = array<i32>} : memref<64x64xf32, #tpu.memory_space<vmem>>, vector<1x16xf32>,
        %swap3A_689 = vector.shape_cast %swap3A_688 : vector<1x16xf32> to vector<16xf32>
        %swap3A_690 = vector.shape_cast %mul3A_685 : vector<16xf32> to vector<1x16xf32>
        tpu.vector_store %arg20[%swap3A_686, %swap3A_687], %swap3A_690 {strides = array<i32>} : memref<64x64xf32, #tpu.memory_space<vmem>>, vector<1x16xf32>,
        %get3A_691 = arith.index_cast %add3A_666 : i32 to index
        %get3A_692 = arith.constant 32 : index
        %get3A_693 = tpu.vector_load %arg20[%get3A_691, %get3A_692] {strides = array<i32>} : memref<64x64xf32, #tpu.memory_space<vmem>>, vector<1x16xf32>,
        %get3A_694 = vector.shape_cast %get3A_693 : vector<1x16xf32> to vector<16xf32>
        %mul3A_695 = vector.broadcast %squeeze3A_668 : f32 to vector<16xf32>
        %mul3A_696 = arith.mulf %get3A_694, %mul3A_695 : vector<16xf32>
        %swap3A_697 = arith.index_cast %add3A_666 : i32 to index
        %swap3A_698 = arith.constant 32 : index
        %swap3A_699 = tpu.vector_load %arg20[%swap3A_697, %swap3A_698] {strides = array<i32>} : memref<64x64xf32, #tpu.memory_space<vmem>>, vector<1x16xf32>,
        %swap3A_700 = vector.shape_cast %swap3A_699 : vector<1x16xf32> to vector<16xf32>
        %swap3A_701 = vector.shape_cast %mul3A_696 : vector<16xf32> to vector<1x16xf32>
        tpu.vector_store %arg20[%swap3A_697, %swap3A_698], %swap3A_701 {strides = array<i32>} : memref<64x64xf32, #tpu.memory_space<vmem>>, vector<1x16xf32>,
        %get3A_702 = arith.index_cast %add3A_666 : i32 to index
        %get3A_703 = arith.constant 48 : index
        %get3A_704 = tpu.vector_load %arg20[%get3A_702, %get3A_703] {strides = array<i32>} : memref<64x64xf32, #tpu.memory_space<vmem>>, vector<1x16xf32>,
        %get3A_705 = vector.shape_cast %get3A_704 : vector<1x16xf32> to vector<16xf32>
        %mul3A_706 = vector.broadcast %squeeze3A_668 : f32 to vector<16xf32>
        %mul3A_707 = arith.mulf %get3A_705, %mul3A_706 : vector<16xf32>
        %swap3A_708 = arith.index_cast %add3A_666 : i32 to index
        %swap3A_709 = arith.constant 48 : index
        %swap3A_710 = tpu.vector_load %arg20[%swap3A_708, %swap3A_709] {strides = array<i32>} : memref<64x64xf32, #tpu.memory_space<vmem>>, vector<1x16xf32>,
        %swap3A_711 = vector.shape_cast %swap3A_710 : vector<1x16xf32> to vector<16xf32>
        %swap3A_712 = vector.shape_cast %mul3A_707 : vector<16xf32> to vector<1x16xf32>
        tpu.vector_store %arg20[%swap3A_708, %swap3A_709], %swap3A_712 {strides = array<i32>} : memref<64x64xf32, #tpu.memory_space<vmem>>, vector<1x16xf32>,
        %mul3A_713 = arith.constant 16 : i32
        %mul3A_714 = arith.muli %scan3A_107, %mul3A_713 : i32
        %add3A_715 = arith.constant 12 : i32
        %add3A_716 = arith.addi %mul3A_714, %add3A_715 : i32
        %slice3A_717 = vector.extract_strided_slice %div3A_115 {offsets = [12], sizes = [1], strides = [1]} : vector<16xf32> to vector<1xf32>
        %squeeze3A_718 = vector.extract %slice3A_717[0] : f32 from vector<1xf32>
        %get3A_719 = arith.index_cast %add3A_716 : i32 to index
        %get3A_720 = arith.constant 0 : index
        %get3A_721 = tpu.vector_load %arg20[%get3A_719, %get3A_720] {strides = array<i32>} : memref<64x64xf32, #tpu.memory_space<vmem>>, vector<1x16xf32>,
        %get3A_722 = vector.shape_cast %get3A_721 : vector<1x16xf32> to vector<16xf32>
        %mul3A_723 = vector.broadcast %squeeze3A_718 : f32 to vector<16xf32>
        %mul3A_724 = arith.mulf %get3A_722, %mul3A_723 : vector<16xf32>
        %swap3A_725 = arith.index_cast %add3A_716 : i32 to index
        %swap3A_726 = arith.constant 0 : index
        %swap3A_727 = tpu.vector_load %arg20[%swap3A_725, %swap3A_726] {strides = array<i32>} : memref<64x64xf32, #tpu.memory_space<vmem>>, vector<1x16xf32>,
        %swap3A_728 = vector.shape_cast %swap3A_727 : vector<1x16xf32> to vector<16xf32>
        %swap3A_729 = vector.shape_cast %mul3A_724 : vector<16xf32> to vector<1x16xf32>
        tpu.vector_store %arg20[%swap3A_725, %swap3A_726], %swap3A_729 {strides = array<i32>} : memref<64x64xf32, #tpu.memory_space<vmem>>, vector<1x16xf32>,
        %get3A_730 = arith.index_cast %add3A_716 : i32 to index
        %get3A_731 = arith.constant 16 : index
        %get3A_732 = tpu.vector_load %arg20[%get3A_730, %get3A_731] {strides = array<i32>} : memref<64x64xf32, #tpu.memory_space<vmem>>, vector<1x16xf32>,
        %get3A_733 = vector.shape_cast %get3A_732 : vector<1x16xf32> to vector<16xf32>
        %mul3A_734 = vector.broadcast %squeeze3A_718 : f32 to vector<16xf32>
        %mul3A_735 = arith.mulf %get3A_733, %mul3A_734 : vector<16xf32>
        %swap3A_736 = arith.index_cast %add3A_716 : i32 to index
        %swap3A_737 = arith.constant 16 : index
        %swap3A_738 = tpu.vector_load %arg20[%swap3A_736, %swap3A_737] {strides = array<i32>} : memref<64x64xf32, #tpu.memory_space<vmem>>, vector<1x16xf32>,
        %swap3A_739 = vector.shape_cast %swap3A_738 : vector<1x16xf32> to vector<16xf32>
        %swap3A_740 = vector.shape_cast %mul3A_735 : vector<16xf32> to vector<1x16xf32>
        tpu.vector_store %arg20[%swap3A_736, %swap3A_737], %swap3A_740 {strides = array<i32>} : memref<64x64xf32, #tpu.memory_space<vmem>>, vector<1x16xf32>,
        %get3A_741 = arith.index_cast %add3A_716 : i32 to index
        %get3A_742 = arith.constant 32 : index
        %get3A_743 = tpu.vector_load %arg20[%get3A_741, %get3A_742] {strides = array<i32>} : memref<64x64xf32, #tpu.memory_space<vmem>>, vector<1x16xf32>,
        %get3A_744 = vector.shape_cast %get3A_743 : vector<1x16xf32> to vector<16xf32>
        %mul3A_745 = vector.broadcast %squeeze3A_718 : f32 to vector<16xf32>
        %mul3A_746 = arith.mulf %get3A_744, %mul3A_745 : vector<16xf32>
        %swap3A_747 = arith.index_cast %add3A_716 : i32 to index
        %swap3A_748 = arith.constant 32 : index
        %swap3A_749 = tpu.vector_load %arg20[%swap3A_747, %swap3A_748] {strides = array<i32>} : memref<64x64xf32, #tpu.memory_space<vmem>>, vector<1x16xf32>,
        %swap3A_750 = vector.shape_cast %swap3A_749 : vector<1x16xf32> to vector<16xf32>
        %swap3A_751 = vector.shape_cast %mul3A_746 : vector<16xf32> to vector<1x16xf32>
        tpu.vector_store %arg20[%swap3A_747, %swap3A_748], %swap3A_751 {strides = array<i32>} : memref<64x64xf32, #tpu.memory_space<vmem>>, vector<1x16xf32>,
        %get3A_752 = arith.index_cast %add3A_716 : i32 to index
        %get3A_753 = arith.constant 48 : index
        %get3A_754 = tpu.vector_load %arg20[%get3A_752, %get3A_753] {strides = array<i32>} : memref<64x64xf32, #tpu.memory_space<vmem>>, vector<1x16xf32>,
        %get3A_755 = vector.shape_cast %get3A_754 : vector<1x16xf32> to vector<16xf32>
        %mul3A_756 = vector.broadcast %squeeze3A_718 : f32 to vector<16xf32>
        %mul3A_757 = arith.mulf %get3A_755, %mul3A_756 : vector<16xf32>
        %swap3A_758 = arith.index_cast %add3A_716 : i32 to index
        %swap3A_759 = arith.constant 48 : index
        %swap3A_760 = tpu.vector_load %arg20[%swap3A_758, %swap3A_759] {strides = array<i32>} : memref<64x64xf32, #tpu.memory_space<vmem>>, vector<1x16xf32>,
        %swap3A_761 = vector.shape_cast %swap3A_760 : vector<1x16xf32> to vector<16xf32>
        %swap3A_762 = vector.shape_cast %mul3A_757 : vector<16xf32> to vector<1x16xf32>
        tpu.vector_store %arg20[%swap3A_758, %swap3A_759], %swap3A_762 {strides = array<i32>} : memref<64x64xf32, #tpu.memory_space<vmem>>, vector<1x16xf32>,
        %mul3A_763 = arith.constant 16 : i32
        %mul3A_764 = arith.muli %scan3A_107, %mul3A_763 : i32
        %add3A_765 = arith.constant 13 : i32
        %add3A_766 = arith.addi %mul3A_764, %add3A_765 : i32
        %slice3A_767 = vector.extract_strided_slice %div3A_115 {offsets = [13], sizes = [1], strides = [1]} : vector<16xf32> to vector<1xf32>
        %squeeze3A_768 = vector.extract %slice3A_767[0] : f32 from vector<1xf32>
        %get3A_769 = arith.index_cast %add3A_766 : i32 to index
        %get3A_770 = arith.constant 0 : index
        %get3A_771 = tpu.vector_load %arg20[%get3A_769, %get3A_770] {strides = array<i32>} : memref<64x64xf32, #tpu.memory_space<vmem>>, vector<1x16xf32>,
        %get3A_772 = vector.shape_cast %get3A_771 : vector<1x16xf32> to vector<16xf32>
        %mul3A_773 = vector.broadcast %squeeze3A_768 : f32 to vector<16xf32>
        %mul3A_774 = arith.mulf %get3A_772, %mul3A_773 : vector<16xf32>
        %swap3A_775 = arith.index_cast %add3A_766 : i32 to index
        %swap3A_776 = arith.constant 0 : index
        %swap3A_777 = tpu.vector_load %arg20[%swap3A_775, %swap3A_776] {strides = array<i32>} : memref<64x64xf32, #tpu.memory_space<vmem>>, vector<1x16xf32>,
        %swap3A_778 = vector.shape_cast %swap3A_777 : vector<1x16xf32> to vector<16xf32>
        %swap3A_779 = vector.shape_cast %mul3A_774 : vector<16xf32> to vector<1x16xf32>
        tpu.vector_store %arg20[%swap3A_775, %swap3A_776], %swap3A_779 {strides = array<i32>} : memref<64x64xf32, #tpu.memory_space<vmem>>, vector<1x16xf32>,
        %get3A_780 = arith.index_cast %add3A_766 : i32 to index
        %get3A_781 = arith.constant 16 : index
        %get3A_782 = tpu.vector_load %arg20[%get3A_780, %get3A_781] {strides = array<i32>} : memref<64x64xf32, #tpu.memory_space<vmem>>, vector<1x16xf32>,
        %get3A_783 = vector.shape_cast %get3A_782 : vector<1x16xf32> to vector<16xf32>
        %mul3A_784 = vector.broadcast %squeeze3A_768 : f32 to vector<16xf32>
        %mul3A_785 = arith.mulf %get3A_783, %mul3A_784 : vector<16xf32>
        %swap3A_786 = arith.index_cast %add3A_766 : i32 to index
        %swap3A_787 = arith.constant 16 : index
        %swap3A_788 = tpu.vector_load %arg20[%swap3A_786, %swap3A_787] {strides = array<i32>} : memref<64x64xf32, #tpu.memory_space<vmem>>, vector<1x16xf32>,
        %swap3A_789 = vector.shape_cast %swap3A_788 : vector<1x16xf32> to vector<16xf32>
        %swap3A_790 = vector.shape_cast %mul3A_785 : vector<16xf32> to vector<1x16xf32>
        tpu.vector_store %arg20[%swap3A_786, %swap3A_787], %swap3A_790 {strides = array<i32>} : memref<64x64xf32, #tpu.memory_space<vmem>>, vector<1x16xf32>,
        %get3A_791 = arith.index_cast %add3A_766 : i32 to index
        %get3A_792 = arith.constant 32 : index
        %get3A_793 = tpu.vector_load %arg20[%get3A_791, %get3A_792] {strides = array<i32>} : memref<64x64xf32, #tpu.memory_space<vmem>>, vector<1x16xf32>,
        %get3A_794 = vector.shape_cast %get3A_793 : vector<1x16xf32> to vector<16xf32>
        %mul3A_795 = vector.broadcast %squeeze3A_768 : f32 to vector<16xf32>
        %mul3A_796 = arith.mulf %get3A_794, %mul3A_795 : vector<16xf32>
        %swap3A_797 = arith.index_cast %add3A_766 : i32 to index
        %swap3A_798 = arith.constant 32 : index
        %swap3A_799 = tpu.vector_load %arg20[%swap3A_797, %swap3A_798] {strides = array<i32>} : memref<64x64xf32, #tpu.memory_space<vmem>>, vector<1x16xf32>,
        %swap3A_800 = vector.shape_cast %swap3A_799 : vector<1x16xf32> to vector<16xf32>
        %swap3A_801 = vector.shape_cast %mul3A_796 : vector<16xf32> to vector<1x16xf32>
        tpu.vector_store %arg20[%swap3A_797, %swap3A_798], %swap3A_801 {strides = array<i32>} : memref<64x64xf32, #tpu.memory_space<vmem>>, vector<1x16xf32>,
        %get3A_802 = arith.index_cast %add3A_766 : i32 to index
        %get3A_803 = arith.constant 48 : index
        %get3A_804 = tpu.vector_load %arg20[%get3A_802, %get3A_803] {strides = array<i32>} : memref<64x64xf32, #tpu.memory_space<vmem>>, vector<1x16xf32>,
        %get3A_805 = vector.shape_cast %get3A_804 : vector<1x16xf32> to vector<16xf32>
        %mul3A_806 = vector.broadcast %squeeze3A_768 : f32 to vector<16xf32>
        %mul3A_807 = arith.mulf %get3A_805, %mul3A_806 : vector<16xf32>
        %swap3A_808 = arith.index_cast %add3A_766 : i32 to index
        %swap3A_809 = arith.constant 48 : index
        %swap3A_810 = tpu.vector_load %arg20[%swap3A_808, %swap3A_809] {strides = array<i32>} : memref<64x64xf32, #tpu.memory_space<vmem>>, vector<1x16xf32>,
        %swap3A_811 = vector.shape_cast %swap3A_810 : vector<1x16xf32> to vector<16xf32>
        %swap3A_812 = vector.shape_cast %mul3A_807 : vector<16xf32> to vector<1x16xf32>
        tpu.vector_store %arg20[%swap3A_808, %swap3A_809], %swap3A_812 {strides = array<i32>} : memref<64x64xf32, #tpu.memory_space<vmem>>, vector<1x16xf32>,
        %mul3A_813 = arith.constant 16 : i32
        %mul3A_814 = arith.muli %scan3A_107, %mul3A_813 : i32
        %add3A_815 = arith.constant 14 : i32
        %add3A_816 = arith.addi %mul3A_814, %add3A_815 : i32
        %slice3A_817 = vector.extract_strided_slice %div3A_115 {offsets = [14], sizes = [1], strides = [1]} : vector<16xf32> to vector<1xf32>
        %squeeze3A_818 = vector.extract %slice3A_817[0] : f32 from vector<1xf32>
        %get3A_819 = arith.index_cast %add3A_816 : i32 to index
        %get3A_820 = arith.constant 0 : index
        %get3A_821 = tpu.vector_load %arg20[%get3A_819, %get3A_820] {strides = array<i32>} : memref<64x64xf32, #tpu.memory_space<vmem>>, vector<1x16xf32>,
        %get3A_822 = vector.shape_cast %get3A_821 : vector<1x16xf32> to vector<16xf32>
        %mul3A_823 = vector.broadcast %squeeze3A_818 : f32 to vector<16xf32>
        %mul3A_824 = arith.mulf %get3A_822, %mul3A_823 : vector<16xf32>
        %swap3A_825 = arith.index_cast %add3A_816 : i32 to index
        %swap3A_826 = arith.constant 0 : index
        %swap3A_827 = tpu.vector_load %arg20[%swap3A_825, %swap3A_826] {strides = array<i32>} : memref<64x64xf32, #tpu.memory_space<vmem>>, vector<1x16xf32>,
        %swap3A_828 = vector.shape_cast %swap3A_827 : vector<1x16xf32> to vector<16xf32>
        %swap3A_829 = vector.shape_cast %mul3A_824 : vector<16xf32> to vector<1x16xf32>
        tpu.vector_store %arg20[%swap3A_825, %swap3A_826], %swap3A_829 {strides = array<i32>} : memref<64x64xf32, #tpu.memory_space<vmem>>, vector<1x16xf32>,
        %get3A_830 = arith.index_cast %add3A_816 : i32 to index
        %get3A_831 = arith.constant 16 : index
        %get3A_832 = tpu.vector_load %arg20[%get3A_830, %get3A_831] {strides = array<i32>} : memref<64x64xf32, #tpu.memory_space<vmem>>, vector<1x16xf32>,
        %get3A_833 = vector.shape_cast %get3A_832 : vector<1x16xf32> to vector<16xf32>
        %mul3A_834 = vector.broadcast %squeeze3A_818 : f32 to vector<16xf32>
        %mul3A_835 = arith.mulf %get3A_833, %mul3A_834 : vector<16xf32>
        %swap3A_836 = arith.index_cast %add3A_816 : i32 to index
        %swap3A_837 = arith.constant 16 : index
        %swap3A_838 = tpu.vector_load %arg20[%swap3A_836, %swap3A_837] {strides = array<i32>} : memref<64x64xf32, #tpu.memory_space<vmem>>, vector<1x16xf32>,
        %swap3A_839 = vector.shape_cast %swap3A_838 : vector<1x16xf32> to vector<16xf32>
        %swap3A_840 = vector.shape_cast %mul3A_835 : vector<16xf32> to vector<1x16xf32>
        tpu.vector_store %arg20[%swap3A_836, %swap3A_837], %swap3A_840 {strides = array<i32>} : memref<64x64xf32, #tpu.memory_space<vmem>>, vector<1x16xf32>,
        %get3A_841 = arith.index_cast %add3A_816 : i32 to index
        %get3A_842 = arith.constant 32 : index
        %get3A_843 = tpu.vector_load %arg20[%get3A_841, %get3A_842] {strides = array<i32>} : memref<64x64xf32, #tpu.memory_space<vmem>>, vector<1x16xf32>,
        %get3A_844 = vector.shape_cast %get3A_843 : vector<1x16xf32> to vector<16xf32>
        %mul3A_845 = vector.broadcast %squeeze3A_818 : f32 to vector<16xf32>
        %mul3A_846 = arith.mulf %get3A_844, %mul3A_845 : vector<16xf32>
        %swap3A_847 = arith.index_cast %add3A_816 : i32 to index
        %swap3A_848 = arith.constant 32 : index
        %swap3A_849 = tpu.vector_load %arg20[%swap3A_847, %swap3A_848] {strides = array<i32>} : memref<64x64xf32, #tpu.memory_space<vmem>>, vector<1x16xf32>,
        %swap3A_850 = vector.shape_cast %swap3A_849 : vector<1x16xf32> to vector<16xf32>
        %swap3A_851 = vector.shape_cast %mul3A_846 : vector<16xf32> to vector<1x16xf32>
        tpu.vector_store %arg20[%swap3A_847, %swap3A_848], %swap3A_851 {strides = array<i32>} : memref<64x64xf32, #tpu.memory_space<vmem>>, vector<1x16xf32>,
        %get3A_852 = arith.index_cast %add3A_816 : i32 to index
        %get3A_853 = arith.constant 48 : index
        %get3A_854 = tpu.vector_load %arg20[%get3A_852, %get3A_853] {strides = array<i32>} : memref<64x64xf32, #tpu.memory_space<vmem>>, vector<1x16xf32>,
        %get3A_855 = vector.shape_cast %get3A_854 : vector<1x16xf32> to vector<16xf32>
        %mul3A_856 = vector.broadcast %squeeze3A_818 : f32 to vector<16xf32>
        %mul3A_857 = arith.mulf %get3A_855, %mul3A_856 : vector<16xf32>
        %swap3A_858 = arith.index_cast %add3A_816 : i32 to index
        %swap3A_859 = arith.constant 48 : index
        %swap3A_860 = tpu.vector_load %arg20[%swap3A_858, %swap3A_859] {strides = array<i32>} : memref<64x64xf32, #tpu.memory_space<vmem>>, vector<1x16xf32>,
        %swap3A_861 = vector.shape_cast %swap3A_860 : vector<1x16xf32> to vector<16xf32>
        %swap3A_862 = vector.shape_cast %mul3A_857 : vector<16xf32> to vector<1x16xf32>
        tpu.vector_store %arg20[%swap3A_858, %swap3A_859], %swap3A_862 {strides = array<i32>} : memref<64x64xf32, #tpu.memory_space<vmem>>, vector<1x16xf32>,
        %mul3A_863 = arith.constant 16 : i32
        %mul3A_864 = arith.muli %scan3A_107, %mul3A_863 : i32
        %add3A_865 = arith.constant 15 : i32
        %add3A_866 = arith.addi %mul3A_864, %add3A_865 : i32
        %slice3A_867 = vector.extract_strided_slice %div3A_115 {offsets = [15], sizes = [1], strides = [1]} : vector<16xf32> to vector<1xf32>
        %squeeze3A_868 = vector.extract %slice3A_867[0] : f32 from vector<1xf32>
        %get3A_869 = arith.index_cast %add3A_866 : i32 to index
        %get3A_870 = arith.constant 0 : index
        %get3A_871 = tpu.vector_load %arg20[%get3A_869, %get3A_870] {strides = array<i32>} : memref<64x64xf32, #tpu.memory_space<vmem>>, vector<1x16xf32>,
        %get3A_872 = vector.shape_cast %get3A_871 : vector<1x16xf32> to vector<16xf32>
        %mul3A_873 = vector.broadcast %squeeze3A_868 : f32 to vector<16xf32>
        %mul3A_874 = arith.mulf %get3A_872, %mul3A_873 : vector<16xf32>
        %swap3A_875 = arith.index_cast %add3A_866 : i32 to index
        %swap3A_876 = arith.constant 0 : index
        %swap3A_877 = tpu.vector_load %arg20[%swap3A_875, %swap3A_876] {strides = array<i32>} : memref<64x64xf32, #tpu.memory_space<vmem>>, vector<1x16xf32>,
        %swap3A_878 = vector.shape_cast %swap3A_877 : vector<1x16xf32> to vector<16xf32>
        %swap3A_879 = vector.shape_cast %mul3A_874 : vector<16xf32> to vector<1x16xf32>
        tpu.vector_store %arg20[%swap3A_875, %swap3A_876], %swap3A_879 {strides = array<i32>} : memref<64x64xf32, #tpu.memory_space<vmem>>, vector<1x16xf32>,
        %get3A_880 = arith.index_cast %add3A_866 : i32 to index
        %get3A_881 = arith.constant 16 : index
        %get3A_882 = tpu.vector_load %arg20[%get3A_880, %get3A_881] {strides = array<i32>} : memref<64x64xf32, #tpu.memory_space<vmem>>, vector<1x16xf32>,
        %get3A_883 = vector.shape_cast %get3A_882 : vector<1x16xf32> to vector<16xf32>
        %mul3A_884 = vector.broadcast %squeeze3A_868 : f32 to vector<16xf32>
        %mul3A_885 = arith.mulf %get3A_883, %mul3A_884 : vector<16xf32>
        %swap3A_886 = arith.index_cast %add3A_866 : i32 to index
        %swap3A_887 = arith.constant 16 : index
        %swap3A_888 = tpu.vector_load %arg20[%swap3A_886, %swap3A_887] {strides = array<i32>} : memref<64x64xf32, #tpu.memory_space<vmem>>, vector<1x16xf32>,
        %swap3A_889 = vector.shape_cast %swap3A_888 : vector<1x16xf32> to vector<16xf32>
        %swap3A_890 = vector.shape_cast %mul3A_885 : vector<16xf32> to vector<1x16xf32>
        tpu.vector_store %arg20[%swap3A_886, %swap3A_887], %swap3A_890 {strides = array<i32>} : memref<64x64xf32, #tpu.memory_space<vmem>>, vector<1x16xf32>,
        %get3A_891 = arith.index_cast %add3A_866 : i32 to index
        %get3A_892 = arith.constant 32 : index
        %get3A_893 = tpu.vector_load %arg20[%get3A_891, %get3A_892] {strides = array<i32>} : memref<64x64xf32, #tpu.memory_space<vmem>>, vector<1x16xf32>,
        %get3A_894 = vector.shape_cast %get3A_893 : vector<1x16xf32> to vector<16xf32>
        %mul3A_895 = vector.broadcast %squeeze3A_868 : f32 to vector<16xf32>
        %mul3A_896 = arith.mulf %get3A_894, %mul3A_895 : vector<16xf32>
        %swap3A_897 = arith.index_cast %add3A_866 : i32 to index
        %swap3A_898 = arith.constant 32 : index
        %swap3A_899 = tpu.vector_load %arg20[%swap3A_897, %swap3A_898] {strides = array<i32>} : memref<64x64xf32, #tpu.memory_space<vmem>>, vector<1x16xf32>,
        %swap3A_900 = vector.shape_cast %swap3A_899 : vector<1x16xf32> to vector<16xf32>
        %swap3A_901 = vector.shape_cast %mul3A_896 : vector<16xf32> to vector<1x16xf32>
        tpu.vector_store %arg20[%swap3A_897, %swap3A_898], %swap3A_901 {strides = array<i32>} : memref<64x64xf32, #tpu.memory_space<vmem>>, vector<1x16xf32>,
        %get3A_902 = arith.index_cast %add3A_866 : i32 to index
        %get3A_903 = arith.constant 48 : index
        %get3A_904 = tpu.vector_load %arg20[%get3A_902, %get3A_903] {strides = array<i32>} : memref<64x64xf32, #tpu.memory_space<vmem>>, vector<1x16xf32>,
        %get3A_905 = vector.shape_cast %get3A_904 : vector<1x16xf32> to vector<16xf32>
        %mul3A_906 = vector.broadcast %squeeze3A_868 : f32 to vector<16xf32>
        %mul3A_907 = arith.mulf %get3A_905, %mul3A_906 : vector<16xf32>
        %swap3A_908 = arith.index_cast %add3A_866 : i32 to index
        %swap3A_909 = arith.constant 48 : index
        %swap3A_910 = tpu.vector_load %arg20[%swap3A_908, %swap3A_909] {strides = array<i32>} : memref<64x64xf32, #tpu.memory_space<vmem>>, vector<1x16xf32>,
        %swap3A_911 = vector.shape_cast %swap3A_910 : vector<1x16xf32> to vector<16xf32>
        %swap3A_912 = vector.shape_cast %mul3A_907 : vector<16xf32> to vector<1x16xf32>
        tpu.vector_store %arg20[%swap3A_908, %swap3A_909], %swap3A_912 {strides = array<i32>} : memref<64x64xf32, #tpu.memory_space<vmem>>, vector<1x16xf32>,
      }
      %scan3A_106 = arith.constant 4 : i32
      "tpu.region"() ({
        %run_scoped3A = tpu.sem_alloc : memref<!tpu.dma_semaphore, #tpu.memory_space<semaphore_mem>>
        %dma_start3A_107 = arith.constant 0 : i32
        %dma_start3A_108 = tpu.memref_slice %arg6[%add3A_100, %dma_start3A_107] : memref<5120x64xf32, #tpu.memory_space<vmem_shared>> -> memref<64x64xf32, #tpu.memory_space<vmem_shared>>
        %dma_start3A_109 = arith.constant 0 : i32
        %dma_start3A_110 = tpu.memref_slice %arg6[%add3A_100, %dma_start3A_109] : memref<5120x64xf32, #tpu.memory_space<vmem_shared>> -> memref<64x64xf32, #tpu.memory_space<vmem_shared>>
        tpu.enqueue_dma source(%arg20 : memref<64x64xf32, #tpu.memory_space<vmem>>) target(%dma_start3A_110 : memref<64x64xf32, #tpu.memory_space<vmem_shared>>) target_semaphore(%run_scoped3A : memref<!tpu.dma_semaphore, #tpu.memory_space<semaphore_mem>>)
        %dma_wait3A_111 = arith.constant 0 : i32
        %dma_wait3A_112 = tpu.memref_slice %arg6[%add3A_100, %dma_wait3A_111] : memref<5120x64xf32, #tpu.memory_space<vmem_shared>> -> memref<64x64xf32, #tpu.memory_space<vmem_shared>>
        %dma_wait3A_113 = arith.constant 0 : i32
        %dma_wait3A_114 = tpu.memref_slice %arg6[%add3A_100, %dma_wait3A_113] : memref<5120x64xf32, #tpu.memory_space<vmem_shared>> -> memref<64x64xf32, #tpu.memory_space<vmem_shared>>
        tpu.wait_dma2 semaphore(%run_scoped3A : memref<!tpu.dma_semaphore, #tpu.memory_space<semaphore_mem>>) src(%arg20 : memref<64x64xf32, #tpu.memory_space<vmem>>) dst(%dma_wait3A_114 : memref<64x64xf32, #tpu.memory_space<vmem_shared>>)
        tpu.yield
      }) : () -> ()
    }
    %scan3A_67 = arith.constant 5 : i32
    %barrier3A_68 = arith.constant 0 : index
    tpu.barrier barrier_id(%barrier3A_68)
    %add3A_69 = arith.constant 0 : i32
    %add3A_70 = arith.addi %mul3A_36, %add3A_69 : i32
    %dma_start3A_71 = tpu.memref_slice %arg3[%add3A_70] : memref<320000xi32, #tpu.memory_space<hbm>> -> memref<400xi32, #tpu.memory_space<hbm>>
    %dma_start3A_72 = tpu.memref_slice %arg3[%add3A_70] : memref<320000xi32, #tpu.memory_space<hbm>> -> memref<400xi32, #tpu.memory_space<hbm>>
    tpu.enqueue_dma source(%dma_start3A_72 : memref<400xi32, #tpu.memory_space<hbm>>) target(%arg10 : memref<400xi32, #tpu.memory_space<vmem>>) target_semaphore(%arg26 : memref<!tpu.dma_semaphore, #tpu.memory_space<semaphore_mem>>)
    %dma_start3A_73 = tpu.memref_slice %arg4[%add3A_70] : memref<320000xi32, #tpu.memory_space<hbm>> -> memref<400xi32, #tpu.memory_space<hbm>>
    %dma_start3A_74 = tpu.memref_slice %arg4[%add3A_70] : memref<320000xi32, #tpu.memory_space<hbm>> -> memref<400xi32, #tpu.memory_space<hbm>>
    tpu.enqueue_dma source(%dma_start3A_74 : memref<400xi32, #tpu.memory_space<hbm>>) target(%arg12 : memref<400xi32, #tpu.memory_space<vmem>>) target_semaphore(%arg27 : memref<!tpu.dma_semaphore, #tpu.memory_space<semaphore_mem>>)
    %dma_wait3A_75 = tpu.memref_slice %arg3[%add3A_70] : memref<320000xi32, #tpu.memory_space<hbm>> -> memref<400xi32, #tpu.memory_space<hbm>>
    %dma_wait3A_76 = tpu.memref_slice %arg3[%add3A_70] : memref<320000xi32, #tpu.memory_space<hbm>> -> memref<400xi32, #tpu.memory_space<hbm>>
    tpu.wait_dma2 semaphore(%arg26 : memref<!tpu.dma_semaphore, #tpu.memory_space<semaphore_mem>>) src(%dma_wait3A_76 : memref<400xi32, #tpu.memory_space<hbm>>) dst(%arg10 : memref<400xi32, #tpu.memory_space<vmem>>)
    %dma_wait3A_77 = tpu.memref_slice %arg4[%add3A_70] : memref<320000xi32, #tpu.memory_space<hbm>> -> memref<400xi32, #tpu.memory_space<hbm>>
    %dma_wait3A_78 = tpu.memref_slice %arg4[%add3A_70] : memref<320000xi32, #tpu.memory_space<hbm>> -> memref<400xi32, #tpu.memory_space<hbm>>
    tpu.wait_dma2 semaphore(%arg27 : memref<!tpu.dma_semaphore, #tpu.memory_space<semaphore_mem>>) src(%dma_wait3A_78 : memref<400xi32, #tpu.memory_space<hbm>>) dst(%arg12 : memref<400xi32, #tpu.memory_space<vmem>>)
    %dma_start3A_79 = arith.constant 0 : i32
    %dma_start3A_80 = arith.constant 0 : i32
    %dma_start3A_81 = tpu.memref_slice %arg6[%dma_start3A_79, %dma_start3A_80] : memref<5120x64xf32, #tpu.memory_space<vmem_shared>> -> memref<5120x64xf32, #tpu.memory_space<vmem_shared>>
    tpu.enqueue_indirect_dma source(%dma_start3A_81 : memref<5120x64xf32, #tpu.memory_space<vmem_shared>>) target(%arg13 : memref<400x64xf32, #tpu.memory_space<vmem>>) offsets(%arg12 : memref<400xi32, #tpu.memory_space<vmem>>) semaphore(%arg23 : memref<!tpu.dma_semaphore, #tpu.memory_space<semaphore_mem>>)
    %scan3A_82 = arith.constant 0 : i32
    %scan3A_83 = arith.constant 0 : i32
    %scan3A_84 = arith.constant 25 : i32
    %scan3A_85 = arith.addi %scan3A_83, %scan3A_84 : i32
    %scan3A_86 = arith.constant 1 : i32
    scf.for %scan3A_95 = %scan3A_83 to %scan3A_85 step %scan3A_86  : i32 {
      %mul3A_96 = arith.constant 2 : i32
      %mul3A_97 = arith.muli %mul3A_96, %scan3A_95 : i32
      %add3A_98 = arith.constant 1 : i32
      %add3A_99 = arith.addi %mul3A_97, %add3A_98 : i32
      %lt3A = arith.constant 50 : i32
      %lt3A_100 = arith.cmpi slt, %add3A_99, %lt3A : i32
      %convert_element_type3A = arith.extui %lt3A_100 : i1 to i32
      %cond3A = arith.constant 0 : i32
      %cond3A_101 = arith.cmpi ne, %convert_element_type3A, %cond3A : i32
      scf.if %cond3A_101 {
        %add3A_119 = arith.constant 1 : i32
        %add3A_120 = arith.addi %mul3A_97, %add3A_119 : i32
        %mul3A_121 = arith.constant 400 : i32
        %mul3A_122 = arith.muli %add3A_120, %mul3A_121 : i32
        %add3A_123 = arith.addi %mul3A_36, %mul3A_122 : i32
        %dma_start3A_124 = tpu.memref_slice %arg3[%add3A_123] : memref<320000xi32, #tpu.memory_space<hbm>> -> memref<400xi32, #tpu.memory_space<hbm>>
        %dma_start3A_125 = tpu.memref_slice %arg3[%add3A_123] : memref<320000xi32, #tpu.memory_space<hbm>> -> memref<400xi32, #tpu.memory_space<hbm>>
        tpu.enqueue_dma source(%dma_start3A_125 : memref<400xi32, #tpu.memory_space<hbm>>) target(%arg14 : memref<400xi32, #tpu.memory_space<vmem>>) target_semaphore(%arg26 : memref<!tpu.dma_semaphore, #tpu.memory_space<semaphore_mem>>)
        %dma_start3A_126 = tpu.memref_slice %arg4[%add3A_123] : memref<320000xi32, #tpu.memory_space<hbm>> -> memref<400xi32, #tpu.memory_space<hbm>>
        %dma_start3A_127 = tpu.memref_slice %arg4[%add3A_123] : memref<320000xi32, #tpu.memory_space<hbm>> -> memref<400xi32, #tpu.memory_space<hbm>>
        tpu.enqueue_dma source(%dma_start3A_127 : memref<400xi32, #tpu.memory_space<hbm>>) target(%arg16 : memref<400xi32, #tpu.memory_space<vmem>>) target_semaphore(%arg27 : memref<!tpu.dma_semaphore, #tpu.memory_space<semaphore_mem>>)
        %dma_wait3A_128 = tpu.memref_slice %arg3[%add3A_123] : memref<320000xi32, #tpu.memory_space<hbm>> -> memref<400xi32, #tpu.memory_space<hbm>>
        %dma_wait3A_129 = tpu.memref_slice %arg3[%add3A_123] : memref<320000xi32, #tpu.memory_space<hbm>> -> memref<400xi32, #tpu.memory_space<hbm>>
        tpu.wait_dma2 semaphore(%arg26 : memref<!tpu.dma_semaphore, #tpu.memory_space<semaphore_mem>>) src(%dma_wait3A_129 : memref<400xi32, #tpu.memory_space<hbm>>) dst(%arg14 : memref<400xi32, #tpu.memory_space<vmem>>)
        %dma_wait3A_130 = tpu.memref_slice %arg4[%add3A_123] : memref<320000xi32, #tpu.memory_space<hbm>> -> memref<400xi32, #tpu.memory_space<hbm>>
        %dma_wait3A_131 = tpu.memref_slice %arg4[%add3A_123] : memref<320000xi32, #tpu.memory_space<hbm>> -> memref<400xi32, #tpu.memory_space<hbm>>
        tpu.wait_dma2 semaphore(%arg27 : memref<!tpu.dma_semaphore, #tpu.memory_space<semaphore_mem>>) src(%dma_wait3A_131 : memref<400xi32, #tpu.memory_space<hbm>>) dst(%arg16 : memref<400xi32, #tpu.memory_space<vmem>>)
        %dma_start3A_132 = arith.constant 0 : i32
        %dma_start3A_133 = arith.constant 0 : i32
        %dma_start3A_134 = tpu.memref_slice %arg6[%dma_start3A_132, %dma_start3A_133] : memref<5120x64xf32, #tpu.memory_space<vmem_shared>> -> memref<5120x64xf32, #tpu.memory_space<vmem_shared>>
        tpu.enqueue_indirect_dma source(%dma_start3A_134 : memref<5120x64xf32, #tpu.memory_space<vmem_shared>>) target(%arg17 : memref<400x64xf32, #tpu.memory_space<vmem>>) offsets(%arg16 : memref<400xi32, #tpu.memory_space<vmem>>) semaphore(%arg24 : memref<!tpu.dma_semaphore, #tpu.memory_space<semaphore_mem>>)
      } else {
      }
      %dma_wait3A_102 = arith.constant 0 : i32
      %dma_wait3A_103 = arith.constant 0 : i32
      %dma_wait3A_104 = tpu.memref_slice %arg6[%dma_wait3A_102, %dma_wait3A_103] : memref<5120x64xf32, #tpu.memory_space<vmem_shared>> -> memref<5120x64xf32, #tpu.memory_space<vmem_shared>>
      tpu.wait_indirect_dma semaphore(%arg23 : memref<!tpu.dma_semaphore, #tpu.memory_space<semaphore_mem>>) src(%dma_wait3A_104 : memref<5120x64xf32, #tpu.memory_space<vmem_shared>>) dst(%arg13 : memref<400x64xf32, #tpu.memory_space<vmem>>)
      "tpu.region"() ({
        %run_scoped3A = tpu.sem_alloc : memref<!tpu.dma_semaphore, #tpu.memory_space<semaphore_mem>>
        %dma_start3A_119 = arith.constant 0 : i32
        %dma_start3A_120 = arith.constant 0 : i32
        %dma_start3A_121 = tpu.memref_slice %arg7[%dma_start3A_119, %dma_start3A_120] : memref<10240x64xf32, #tpu.memory_space<vmem_shared>> -> memref<10240x64xf32, #tpu.memory_space<vmem_shared>>
        tpu.enqueue_indirect_dma source(%arg13 : memref<400x64xf32, #tpu.memory_space<vmem>>) target(%dma_start3A_121 : memref<10240x64xf32, #tpu.memory_space<vmem_shared>>) offsets(%arg10 : memref<400xi32, #tpu.memory_space<vmem>>) semaphore(%run_scoped3A : memref<!tpu.dma_semaphore, #tpu.memory_space<semaphore_mem>>) {add = true}
        %dma_wait3A_122 = arith.constant 0 : i32
        %dma_wait3A_123 = arith.constant 0 : i32
        %dma_wait3A_124 = tpu.memref_slice %arg7[%dma_wait3A_122, %dma_wait3A_123] : memref<10240x64xf32, #tpu.memory_space<vmem_shared>> -> memref<10240x64xf32, #tpu.memory_space<vmem_shared>>
        tpu.wait_indirect_dma semaphore(%run_scoped3A : memref<!tpu.dma_semaphore, #tpu.memory_space<semaphore_mem>>) src(%arg13 : memref<400x64xf32, #tpu.memory_space<vmem>>) dst(%dma_wait3A_124 : memref<10240x64xf32, #tpu.memory_space<vmem_shared>>)
        tpu.yield
      }) : () -> ()
      %mul3A_105 = arith.constant 2 : i32
      %mul3A_106 = arith.muli %mul3A_105, %scan3A_95 : i32
      %add3A_107 = arith.constant 1 : i32
      %add3A_108 = arith.addi %mul3A_106, %add3A_107 : i32
      %add3A_109 = arith.constant 1 : i32
      %add3A_110 = arith.addi %add3A_108, %add3A_109 : i32
      %lt3A_111 = arith.constant 50 : i32
      %lt3A_112 = arith.cmpi slt, %add3A_110, %lt3A_111 : i32
      %convert_element_type3A_113 = arith.extui %lt3A_112 : i1 to i32
      %cond3A_114 = arith.constant 0 : i32
      %cond3A_115 = arith.cmpi ne, %convert_element_type3A_113, %cond3A_114 : i32
      scf.if %cond3A_115 {
        %add3A_119 = arith.constant 1 : i32
        %add3A_120 = arith.addi %add3A_108, %add3A_119 : i32
        %mul3A_121 = arith.constant 400 : i32
        %mul3A_122 = arith.muli %add3A_120, %mul3A_121 : i32
        %add3A_123 = arith.addi %mul3A_36, %mul3A_122 : i32
        %dma_start3A_124 = tpu.memref_slice %arg3[%add3A_123] : memref<320000xi32, #tpu.memory_space<hbm>> -> memref<400xi32, #tpu.memory_space<hbm>>
        %dma_start3A_125 = tpu.memref_slice %arg3[%add3A_123] : memref<320000xi32, #tpu.memory_space<hbm>> -> memref<400xi32, #tpu.memory_space<hbm>>
        tpu.enqueue_dma source(%dma_start3A_125 : memref<400xi32, #tpu.memory_space<hbm>>) target(%arg10 : memref<400xi32, #tpu.memory_space<vmem>>) target_semaphore(%arg26 : memref<!tpu.dma_semaphore, #tpu.memory_space<semaphore_mem>>)
        %dma_start3A_126 = tpu.memref_slice %arg4[%add3A_123] : memref<320000xi32, #tpu.memory_space<hbm>> -> memref<400xi32, #tpu.memory_space<hbm>>
        %dma_start3A_127 = tpu.memref_slice %arg4[%add3A_123] : memref<320000xi32, #tpu.memory_space<hbm>> -> memref<400xi32, #tpu.memory_space<hbm>>
        tpu.enqueue_dma source(%dma_start3A_127 : memref<400xi32, #tpu.memory_space<hbm>>) target(%arg12 : memref<400xi32, #tpu.memory_space<vmem>>) target_semaphore(%arg27 : memref<!tpu.dma_semaphore, #tpu.memory_space<semaphore_mem>>)
        %dma_wait3A_128 = tpu.memref_slice %arg3[%add3A_123] : memref<320000xi32, #tpu.memory_space<hbm>> -> memref<400xi32, #tpu.memory_space<hbm>>
        %dma_wait3A_129 = tpu.memref_slice %arg3[%add3A_123] : memref<320000xi32, #tpu.memory_space<hbm>> -> memref<400xi32, #tpu.memory_space<hbm>>
        tpu.wait_dma2 semaphore(%arg26 : memref<!tpu.dma_semaphore, #tpu.memory_space<semaphore_mem>>) src(%dma_wait3A_129 : memref<400xi32, #tpu.memory_space<hbm>>) dst(%arg10 : memref<400xi32, #tpu.memory_space<vmem>>)
        %dma_wait3A_130 = tpu.memref_slice %arg4[%add3A_123] : memref<320000xi32, #tpu.memory_space<hbm>> -> memref<400xi32, #tpu.memory_space<hbm>>
        %dma_wait3A_131 = tpu.memref_slice %arg4[%add3A_123] : memref<320000xi32, #tpu.memory_space<hbm>> -> memref<400xi32, #tpu.memory_space<hbm>>
        tpu.wait_dma2 semaphore(%arg27 : memref<!tpu.dma_semaphore, #tpu.memory_space<semaphore_mem>>) src(%dma_wait3A_131 : memref<400xi32, #tpu.memory_space<hbm>>) dst(%arg12 : memref<400xi32, #tpu.memory_space<vmem>>)
        %dma_start3A_132 = arith.constant 0 : i32
        %dma_start3A_133 = arith.constant 0 : i32
        %dma_start3A_134 = tpu.memref_slice %arg6[%dma_start3A_132, %dma_start3A_133] : memref<5120x64xf32, #tpu.memory_space<vmem_shared>> -> memref<5120x64xf32, #tpu.memory_space<vmem_shared>>
        tpu.enqueue_indirect_dma source(%dma_start3A_134 : memref<5120x64xf32, #tpu.memory_space<vmem_shared>>) target(%arg13 : memref<400x64xf32, #tpu.memory_space<vmem>>) offsets(%arg12 : memref<400xi32, #tpu.memory_space<vmem>>) semaphore(%arg23 : memref<!tpu.dma_semaphore, #tpu.memory_space<semaphore_mem>>)
      } else {
      }
      %dma_wait3A_116 = arith.constant 0 : i32
      %dma_wait3A_117 = arith.constant 0 : i32
      %dma_wait3A_118 = tpu.memref_slice %arg6[%dma_wait3A_116, %dma_wait3A_117] : memref<5120x64xf32, #tpu.memory_space<vmem_shared>> -> memref<5120x64xf32, #tpu.memory_space<vmem_shared>>
      tpu.wait_indirect_dma semaphore(%arg24 : memref<!tpu.dma_semaphore, #tpu.memory_space<semaphore_mem>>) src(%dma_wait3A_118 : memref<5120x64xf32, #tpu.memory_space<vmem_shared>>) dst(%arg17 : memref<400x64xf32, #tpu.memory_space<vmem>>)
      "tpu.region"() ({
        %run_scoped3A = tpu.sem_alloc : memref<!tpu.dma_semaphore, #tpu.memory_space<semaphore_mem>>
        %dma_start3A_119 = arith.constant 0 : i32
        %dma_start3A_120 = arith.constant 0 : i32
        %dma_start3A_121 = tpu.memref_slice %arg7[%dma_start3A_119, %dma_start3A_120] : memref<10240x64xf32, #tpu.memory_space<vmem_shared>> -> memref<10240x64xf32, #tpu.memory_space<vmem_shared>>
        tpu.enqueue_indirect_dma source(%arg17 : memref<400x64xf32, #tpu.memory_space<vmem>>) target(%dma_start3A_121 : memref<10240x64xf32, #tpu.memory_space<vmem_shared>>) offsets(%arg14 : memref<400xi32, #tpu.memory_space<vmem>>) semaphore(%run_scoped3A : memref<!tpu.dma_semaphore, #tpu.memory_space<semaphore_mem>>) {add = true}
        %dma_wait3A_122 = arith.constant 0 : i32
        %dma_wait3A_123 = arith.constant 0 : i32
        %dma_wait3A_124 = tpu.memref_slice %arg7[%dma_wait3A_122, %dma_wait3A_123] : memref<10240x64xf32, #tpu.memory_space<vmem_shared>> -> memref<10240x64xf32, #tpu.memory_space<vmem_shared>>
        tpu.wait_indirect_dma semaphore(%run_scoped3A : memref<!tpu.dma_semaphore, #tpu.memory_space<semaphore_mem>>) src(%arg17 : memref<400x64xf32, #tpu.memory_space<vmem>>) dst(%dma_wait3A_124 : memref<10240x64xf32, #tpu.memory_space<vmem_shared>>)
        tpu.yield
      }) : () -> ()
    }
    %scan3A_87 = arith.constant 25 : i32
    %barrier3A_88 = arith.constant 0 : index
    tpu.barrier barrier_id(%barrier3A_88)
    %scan3A_89 = arith.constant 0 : i32
    %scan3A_90 = arith.constant 0 : i32
    %scan3A_91 = arith.constant 10 : i32
    %scan3A_92 = arith.addi %scan3A_90, %scan3A_91 : i32
    %scan3A_93 = arith.constant 1 : i32
    scf.for %scan3A_95 = %scan3A_90 to %scan3A_92 step %scan3A_93  : i32 {
      %mul3A_96 = arith.constant 640 : i32
      %mul3A_97 = arith.muli %arg1, %mul3A_96 : i32
      %mul3A_98 = arith.constant 64 : i32
      %mul3A_99 = arith.muli %scan3A_95, %mul3A_98 : i32
      %add3A_100 = arith.addi %mul3A_97, %mul3A_99 : i32
      "tpu.region"() ({
        %run_scoped3A = tpu.sem_alloc : memref<!tpu.dma_semaphore, #tpu.memory_space<semaphore_mem>>
        %dma_start3A_110 = arith.constant 0 : i32
        %dma_start3A_111 = tpu.memref_slice %arg7[%add3A_100, %dma_start3A_110] : memref<10240x64xf32, #tpu.memory_space<vmem_shared>> -> memref<64x64xf32, #tpu.memory_space<vmem_shared>>
        %dma_start3A_112 = arith.constant 0 : i32
        %dma_start3A_113 = tpu.memref_slice %arg7[%add3A_100, %dma_start3A_112] : memref<10240x64xf32, #tpu.memory_space<vmem_shared>> -> memref<64x64xf32, #tpu.memory_space<vmem_shared>>
        tpu.enqueue_dma source(%dma_start3A_113 : memref<64x64xf32, #tpu.memory_space<vmem_shared>>) target(%arg20 : memref<64x64xf32, #tpu.memory_space<vmem>>) target_semaphore(%run_scoped3A : memref<!tpu.dma_semaphore, #tpu.memory_space<semaphore_mem>>)
        %dma_wait3A_114 = arith.constant 0 : i32
        %dma_wait3A_115 = tpu.memref_slice %arg7[%add3A_100, %dma_wait3A_114] : memref<10240x64xf32, #tpu.memory_space<vmem_shared>> -> memref<64x64xf32, #tpu.memory_space<vmem_shared>>
        %dma_wait3A_116 = arith.constant 0 : i32
        %dma_wait3A_117 = tpu.memref_slice %arg7[%add3A_100, %dma_wait3A_116] : memref<10240x64xf32, #tpu.memory_space<vmem_shared>> -> memref<64x64xf32, #tpu.memory_space<vmem_shared>>
        tpu.wait_dma2 semaphore(%run_scoped3A : memref<!tpu.dma_semaphore, #tpu.memory_space<semaphore_mem>>) src(%dma_wait3A_117 : memref<64x64xf32, #tpu.memory_space<vmem_shared>>) dst(%arg20 : memref<64x64xf32, #tpu.memory_space<vmem>>)
        tpu.yield
      }) : () -> ()
      "tpu.region"() ({
        %run_scoped3A = tpu.sem_alloc : memref<!tpu.dma_semaphore, #tpu.memory_space<semaphore_mem>>
        %dma_start3A_110 = tpu.memref_slice %arg9[%add3A_100] : memref<10240xf32, #tpu.memory_space<vmem_shared>> -> memref<64xf32, #tpu.memory_space<vmem_shared>>
        %dma_start3A_111 = tpu.memref_slice %arg9[%add3A_100] : memref<10240xf32, #tpu.memory_space<vmem_shared>> -> memref<64xf32, #tpu.memory_space<vmem_shared>>
        tpu.enqueue_dma source(%dma_start3A_111 : memref<64xf32, #tpu.memory_space<vmem_shared>>) target(%arg21 : memref<64xf32, #tpu.memory_space<vmem>>) target_semaphore(%run_scoped3A : memref<!tpu.dma_semaphore, #tpu.memory_space<semaphore_mem>>)
        %dma_wait3A_112 = tpu.memref_slice %arg9[%add3A_100] : memref<10240xf32, #tpu.memory_space<vmem_shared>> -> memref<64xf32, #tpu.memory_space<vmem_shared>>
        %dma_wait3A_113 = tpu.memref_slice %arg9[%add3A_100] : memref<10240xf32, #tpu.memory_space<vmem_shared>> -> memref<64xf32, #tpu.memory_space<vmem_shared>>
        tpu.wait_dma2 semaphore(%run_scoped3A : memref<!tpu.dma_semaphore, #tpu.memory_space<semaphore_mem>>) src(%dma_wait3A_113 : memref<64xf32, #tpu.memory_space<vmem_shared>>) dst(%arg21 : memref<64xf32, #tpu.memory_space<vmem>>)
        tpu.yield
      }) : () -> ()
      %scan3A_101 = arith.constant 0 : i32
      %scan3A_102 = arith.constant 0 : i32
      %scan3A_103 = arith.constant 4 : i32
      %scan3A_104 = arith.addi %scan3A_102, %scan3A_103 : i32
      %scan3A_105 = arith.constant 1 : i32
      scf.for %scan3A_110 = %scan3A_102 to %scan3A_104 step %scan3A_105  : i32 {
        %mul3A_111 = arith.constant 16 : i32
        %mul3A_112 = arith.muli %scan3A_110, %mul3A_111 : i32
        %get3A = arith.index_cast %mul3A_112 : i32 to index
        %get3A_113 = tpu.vector_load %arg21[%get3A] {strides = array<i32>} : memref<64xf32, #tpu.memory_space<vmem>>, vector<16xf32>,
        %get3A_114 = vector.shape_cast %get3A_113 : vector<16xf32> to vector<16xf32>
        %max3A = arith.constant 1.000000e+00 : f32
        %max3A_115 = vector.broadcast %max3A : f32 to vector<16xf32>
        %max3A_116 = arith.maximumf %get3A_114, %max3A_115 : vector<16xf32>
        %div3A = arith.constant 1.000000e+00 : f32
        %div3A_117 = vector.broadcast %div3A : f32 to vector<16xf32>
        %div3A_118 = arith.divf %div3A_117, %max3A_116 : vector<16xf32>
        %mul3A_119 = arith.constant 16 : i32
        %mul3A_120 = arith.muli %scan3A_110, %mul3A_119 : i32
        %add3A_121 = arith.constant 0 : i32
        %add3A_122 = arith.addi %mul3A_120, %add3A_121 : i32
        %slice3A = vector.extract_strided_slice %div3A_118 {offsets = [0], sizes = [1], strides = [1]} : vector<16xf32> to vector<1xf32>
        %squeeze3A = vector.extract %slice3A[0] : f32 from vector<1xf32>
        %get3A_123 = arith.index_cast %add3A_122 : i32 to index
        %get3A_124 = arith.constant 0 : index
        %get3A_125 = tpu.vector_load %arg20[%get3A_123, %get3A_124] {strides = array<i32>} : memref<64x64xf32, #tpu.memory_space<vmem>>, vector<1x16xf32>,
        %get3A_126 = vector.shape_cast %get3A_125 : vector<1x16xf32> to vector<16xf32>
        %mul3A_127 = vector.broadcast %squeeze3A : f32 to vector<16xf32>
        %mul3A_128 = arith.mulf %get3A_126, %mul3A_127 : vector<16xf32>
        %max3A_129 = arith.constant 0.000000e+00 : f32
        %max3A_130 = vector.broadcast %max3A_129 : f32 to vector<16xf32>
        %max3A_131 = arith.maximumf %mul3A_128, %max3A_130 : vector<16xf32>
        %swap3A = arith.index_cast %add3A_122 : i32 to index
        %swap3A_132 = arith.constant 0 : index
        %swap3A_133 = tpu.vector_load %arg20[%swap3A, %swap3A_132] {strides = array<i32>} : memref<64x64xf32, #tpu.memory_space<vmem>>, vector<1x16xf32>,
        %swap3A_134 = vector.shape_cast %swap3A_133 : vector<1x16xf32> to vector<16xf32>
        %swap3A_135 = vector.shape_cast %max3A_131 : vector<16xf32> to vector<1x16xf32>
        tpu.vector_store %arg20[%swap3A, %swap3A_132], %swap3A_135 {strides = array<i32>} : memref<64x64xf32, #tpu.memory_space<vmem>>, vector<1x16xf32>,
        %get3A_136 = arith.index_cast %add3A_122 : i32 to index
        %get3A_137 = arith.constant 16 : index
        %get3A_138 = tpu.vector_load %arg20[%get3A_136, %get3A_137] {strides = array<i32>} : memref<64x64xf32, #tpu.memory_space<vmem>>, vector<1x16xf32>,
        %get3A_139 = vector.shape_cast %get3A_138 : vector<1x16xf32> to vector<16xf32>
        %mul3A_140 = vector.broadcast %squeeze3A : f32 to vector<16xf32>
        %mul3A_141 = arith.mulf %get3A_139, %mul3A_140 : vector<16xf32>
        %max3A_142 = arith.constant 0.000000e+00 : f32
        %max3A_143 = vector.broadcast %max3A_142 : f32 to vector<16xf32>
        %max3A_144 = arith.maximumf %mul3A_141, %max3A_143 : vector<16xf32>
        %swap3A_145 = arith.index_cast %add3A_122 : i32 to index
        %swap3A_146 = arith.constant 16 : index
        %swap3A_147 = tpu.vector_load %arg20[%swap3A_145, %swap3A_146] {strides = array<i32>} : memref<64x64xf32, #tpu.memory_space<vmem>>, vector<1x16xf32>,
        %swap3A_148 = vector.shape_cast %swap3A_147 : vector<1x16xf32> to vector<16xf32>
        %swap3A_149 = vector.shape_cast %max3A_144 : vector<16xf32> to vector<1x16xf32>
        tpu.vector_store %arg20[%swap3A_145, %swap3A_146], %swap3A_149 {strides = array<i32>} : memref<64x64xf32, #tpu.memory_space<vmem>>, vector<1x16xf32>,
        %get3A_150 = arith.index_cast %add3A_122 : i32 to index
        %get3A_151 = arith.constant 32 : index
        %get3A_152 = tpu.vector_load %arg20[%get3A_150, %get3A_151] {strides = array<i32>} : memref<64x64xf32, #tpu.memory_space<vmem>>, vector<1x16xf32>,
        %get3A_153 = vector.shape_cast %get3A_152 : vector<1x16xf32> to vector<16xf32>
        %mul3A_154 = vector.broadcast %squeeze3A : f32 to vector<16xf32>
        %mul3A_155 = arith.mulf %get3A_153, %mul3A_154 : vector<16xf32>
        %max3A_156 = arith.constant 0.000000e+00 : f32
        %max3A_157 = vector.broadcast %max3A_156 : f32 to vector<16xf32>
        %max3A_158 = arith.maximumf %mul3A_155, %max3A_157 : vector<16xf32>
        %swap3A_159 = arith.index_cast %add3A_122 : i32 to index
        %swap3A_160 = arith.constant 32 : index
        %swap3A_161 = tpu.vector_load %arg20[%swap3A_159, %swap3A_160] {strides = array<i32>} : memref<64x64xf32, #tpu.memory_space<vmem>>, vector<1x16xf32>,
        %swap3A_162 = vector.shape_cast %swap3A_161 : vector<1x16xf32> to vector<16xf32>
        %swap3A_163 = vector.shape_cast %max3A_158 : vector<16xf32> to vector<1x16xf32>
        tpu.vector_store %arg20[%swap3A_159, %swap3A_160], %swap3A_163 {strides = array<i32>} : memref<64x64xf32, #tpu.memory_space<vmem>>, vector<1x16xf32>,
        %get3A_164 = arith.index_cast %add3A_122 : i32 to index
        %get3A_165 = arith.constant 48 : index
        %get3A_166 = tpu.vector_load %arg20[%get3A_164, %get3A_165] {strides = array<i32>} : memref<64x64xf32, #tpu.memory_space<vmem>>, vector<1x16xf32>,
        %get3A_167 = vector.shape_cast %get3A_166 : vector<1x16xf32> to vector<16xf32>
        %mul3A_168 = vector.broadcast %squeeze3A : f32 to vector<16xf32>
        %mul3A_169 = arith.mulf %get3A_167, %mul3A_168 : vector<16xf32>
        %max3A_170 = arith.constant 0.000000e+00 : f32
        %max3A_171 = vector.broadcast %max3A_170 : f32 to vector<16xf32>
        %max3A_172 = arith.maximumf %mul3A_169, %max3A_171 : vector<16xf32>
        %swap3A_173 = arith.index_cast %add3A_122 : i32 to index
        %swap3A_174 = arith.constant 48 : index
        %swap3A_175 = tpu.vector_load %arg20[%swap3A_173, %swap3A_174] {strides = array<i32>} : memref<64x64xf32, #tpu.memory_space<vmem>>, vector<1x16xf32>,
        %swap3A_176 = vector.shape_cast %swap3A_175 : vector<1x16xf32> to vector<16xf32>
        %swap3A_177 = vector.shape_cast %max3A_172 : vector<16xf32> to vector<1x16xf32>
        tpu.vector_store %arg20[%swap3A_173, %swap3A_174], %swap3A_177 {strides = array<i32>} : memref<64x64xf32, #tpu.memory_space<vmem>>, vector<1x16xf32>,
        %mul3A_178 = arith.constant 16 : i32
        %mul3A_179 = arith.muli %scan3A_110, %mul3A_178 : i32
        %add3A_180 = arith.constant 1 : i32
        %add3A_181 = arith.addi %mul3A_179, %add3A_180 : i32
        %slice3A_182 = vector.extract_strided_slice %div3A_118 {offsets = [1], sizes = [1], strides = [1]} : vector<16xf32> to vector<1xf32>
        %squeeze3A_183 = vector.extract %slice3A_182[0] : f32 from vector<1xf32>
        %get3A_184 = arith.index_cast %add3A_181 : i32 to index
        %get3A_185 = arith.constant 0 : index
        %get3A_186 = tpu.vector_load %arg20[%get3A_184, %get3A_185] {strides = array<i32>} : memref<64x64xf32, #tpu.memory_space<vmem>>, vector<1x16xf32>,
        %get3A_187 = vector.shape_cast %get3A_186 : vector<1x16xf32> to vector<16xf32>
        %mul3A_188 = vector.broadcast %squeeze3A_183 : f32 to vector<16xf32>
        %mul3A_189 = arith.mulf %get3A_187, %mul3A_188 : vector<16xf32>
        %max3A_190 = arith.constant 0.000000e+00 : f32
        %max3A_191 = vector.broadcast %max3A_190 : f32 to vector<16xf32>
        %max3A_192 = arith.maximumf %mul3A_189, %max3A_191 : vector<16xf32>
        %swap3A_193 = arith.index_cast %add3A_181 : i32 to index
        %swap3A_194 = arith.constant 0 : index
        %swap3A_195 = tpu.vector_load %arg20[%swap3A_193, %swap3A_194] {strides = array<i32>} : memref<64x64xf32, #tpu.memory_space<vmem>>, vector<1x16xf32>,
        %swap3A_196 = vector.shape_cast %swap3A_195 : vector<1x16xf32> to vector<16xf32>
        %swap3A_197 = vector.shape_cast %max3A_192 : vector<16xf32> to vector<1x16xf32>
        tpu.vector_store %arg20[%swap3A_193, %swap3A_194], %swap3A_197 {strides = array<i32>} : memref<64x64xf32, #tpu.memory_space<vmem>>, vector<1x16xf32>,
        %get3A_198 = arith.index_cast %add3A_181 : i32 to index
        %get3A_199 = arith.constant 16 : index
        %get3A_200 = tpu.vector_load %arg20[%get3A_198, %get3A_199] {strides = array<i32>} : memref<64x64xf32, #tpu.memory_space<vmem>>, vector<1x16xf32>,
        %get3A_201 = vector.shape_cast %get3A_200 : vector<1x16xf32> to vector<16xf32>
        %mul3A_202 = vector.broadcast %squeeze3A_183 : f32 to vector<16xf32>
        %mul3A_203 = arith.mulf %get3A_201, %mul3A_202 : vector<16xf32>
        %max3A_204 = arith.constant 0.000000e+00 : f32
        %max3A_205 = vector.broadcast %max3A_204 : f32 to vector<16xf32>
        %max3A_206 = arith.maximumf %mul3A_203, %max3A_205 : vector<16xf32>
        %swap3A_207 = arith.index_cast %add3A_181 : i32 to index
        %swap3A_208 = arith.constant 16 : index
        %swap3A_209 = tpu.vector_load %arg20[%swap3A_207, %swap3A_208] {strides = array<i32>} : memref<64x64xf32, #tpu.memory_space<vmem>>, vector<1x16xf32>,
        %swap3A_210 = vector.shape_cast %swap3A_209 : vector<1x16xf32> to vector<16xf32>
        %swap3A_211 = vector.shape_cast %max3A_206 : vector<16xf32> to vector<1x16xf32>
        tpu.vector_store %arg20[%swap3A_207, %swap3A_208], %swap3A_211 {strides = array<i32>} : memref<64x64xf32, #tpu.memory_space<vmem>>, vector<1x16xf32>,
        %get3A_212 = arith.index_cast %add3A_181 : i32 to index
        %get3A_213 = arith.constant 32 : index
        %get3A_214 = tpu.vector_load %arg20[%get3A_212, %get3A_213] {strides = array<i32>} : memref<64x64xf32, #tpu.memory_space<vmem>>, vector<1x16xf32>,
        %get3A_215 = vector.shape_cast %get3A_214 : vector<1x16xf32> to vector<16xf32>
        %mul3A_216 = vector.broadcast %squeeze3A_183 : f32 to vector<16xf32>
        %mul3A_217 = arith.mulf %get3A_215, %mul3A_216 : vector<16xf32>
        %max3A_218 = arith.constant 0.000000e+00 : f32
        %max3A_219 = vector.broadcast %max3A_218 : f32 to vector<16xf32>
        %max3A_220 = arith.maximumf %mul3A_217, %max3A_219 : vector<16xf32>
        %swap3A_221 = arith.index_cast %add3A_181 : i32 to index
        %swap3A_222 = arith.constant 32 : index
        %swap3A_223 = tpu.vector_load %arg20[%swap3A_221, %swap3A_222] {strides = array<i32>} : memref<64x64xf32, #tpu.memory_space<vmem>>, vector<1x16xf32>,
        %swap3A_224 = vector.shape_cast %swap3A_223 : vector<1x16xf32> to vector<16xf32>
        %swap3A_225 = vector.shape_cast %max3A_220 : vector<16xf32> to vector<1x16xf32>
        tpu.vector_store %arg20[%swap3A_221, %swap3A_222], %swap3A_225 {strides = array<i32>} : memref<64x64xf32, #tpu.memory_space<vmem>>, vector<1x16xf32>,
        %get3A_226 = arith.index_cast %add3A_181 : i32 to index
        %get3A_227 = arith.constant 48 : index
        %get3A_228 = tpu.vector_load %arg20[%get3A_226, %get3A_227] {strides = array<i32>} : memref<64x64xf32, #tpu.memory_space<vmem>>, vector<1x16xf32>,
        %get3A_229 = vector.shape_cast %get3A_228 : vector<1x16xf32> to vector<16xf32>
        %mul3A_230 = vector.broadcast %squeeze3A_183 : f32 to vector<16xf32>
        %mul3A_231 = arith.mulf %get3A_229, %mul3A_230 : vector<16xf32>
        %max3A_232 = arith.constant 0.000000e+00 : f32
        %max3A_233 = vector.broadcast %max3A_232 : f32 to vector<16xf32>
        %max3A_234 = arith.maximumf %mul3A_231, %max3A_233 : vector<16xf32>
        %swap3A_235 = arith.index_cast %add3A_181 : i32 to index
        %swap3A_236 = arith.constant 48 : index
        %swap3A_237 = tpu.vector_load %arg20[%swap3A_235, %swap3A_236] {strides = array<i32>} : memref<64x64xf32, #tpu.memory_space<vmem>>, vector<1x16xf32>,
        %swap3A_238 = vector.shape_cast %swap3A_237 : vector<1x16xf32> to vector<16xf32>
        %swap3A_239 = vector.shape_cast %max3A_234 : vector<16xf32> to vector<1x16xf32>
        tpu.vector_store %arg20[%swap3A_235, %swap3A_236], %swap3A_239 {strides = array<i32>} : memref<64x64xf32, #tpu.memory_space<vmem>>, vector<1x16xf32>,
        %mul3A_240 = arith.constant 16 : i32
        %mul3A_241 = arith.muli %scan3A_110, %mul3A_240 : i32
        %add3A_242 = arith.constant 2 : i32
        %add3A_243 = arith.addi %mul3A_241, %add3A_242 : i32
        %slice3A_244 = vector.extract_strided_slice %div3A_118 {offsets = [2], sizes = [1], strides = [1]} : vector<16xf32> to vector<1xf32>
        %squeeze3A_245 = vector.extract %slice3A_244[0] : f32 from vector<1xf32>
        %get3A_246 = arith.index_cast %add3A_243 : i32 to index
        %get3A_247 = arith.constant 0 : index
        %get3A_248 = tpu.vector_load %arg20[%get3A_246, %get3A_247] {strides = array<i32>} : memref<64x64xf32, #tpu.memory_space<vmem>>, vector<1x16xf32>,
        %get3A_249 = vector.shape_cast %get3A_248 : vector<1x16xf32> to vector<16xf32>
        %mul3A_250 = vector.broadcast %squeeze3A_245 : f32 to vector<16xf32>
        %mul3A_251 = arith.mulf %get3A_249, %mul3A_250 : vector<16xf32>
        %max3A_252 = arith.constant 0.000000e+00 : f32
        %max3A_253 = vector.broadcast %max3A_252 : f32 to vector<16xf32>
        %max3A_254 = arith.maximumf %mul3A_251, %max3A_253 : vector<16xf32>
        %swap3A_255 = arith.index_cast %add3A_243 : i32 to index
        %swap3A_256 = arith.constant 0 : index
        %swap3A_257 = tpu.vector_load %arg20[%swap3A_255, %swap3A_256] {strides = array<i32>} : memref<64x64xf32, #tpu.memory_space<vmem>>, vector<1x16xf32>,
        %swap3A_258 = vector.shape_cast %swap3A_257 : vector<1x16xf32> to vector<16xf32>
        %swap3A_259 = vector.shape_cast %max3A_254 : vector<16xf32> to vector<1x16xf32>
        tpu.vector_store %arg20[%swap3A_255, %swap3A_256], %swap3A_259 {strides = array<i32>} : memref<64x64xf32, #tpu.memory_space<vmem>>, vector<1x16xf32>,
        %get3A_260 = arith.index_cast %add3A_243 : i32 to index
        %get3A_261 = arith.constant 16 : index
        %get3A_262 = tpu.vector_load %arg20[%get3A_260, %get3A_261] {strides = array<i32>} : memref<64x64xf32, #tpu.memory_space<vmem>>, vector<1x16xf32>,
        %get3A_263 = vector.shape_cast %get3A_262 : vector<1x16xf32> to vector<16xf32>
        %mul3A_264 = vector.broadcast %squeeze3A_245 : f32 to vector<16xf32>
        %mul3A_265 = arith.mulf %get3A_263, %mul3A_264 : vector<16xf32>
        %max3A_266 = arith.constant 0.000000e+00 : f32
        %max3A_267 = vector.broadcast %max3A_266 : f32 to vector<16xf32>
        %max3A_268 = arith.maximumf %mul3A_265, %max3A_267 : vector<16xf32>
        %swap3A_269 = arith.index_cast %add3A_243 : i32 to index
        %swap3A_270 = arith.constant 16 : index
        %swap3A_271 = tpu.vector_load %arg20[%swap3A_269, %swap3A_270] {strides = array<i32>} : memref<64x64xf32, #tpu.memory_space<vmem>>, vector<1x16xf32>,
        %swap3A_272 = vector.shape_cast %swap3A_271 : vector<1x16xf32> to vector<16xf32>
        %swap3A_273 = vector.shape_cast %max3A_268 : vector<16xf32> to vector<1x16xf32>
        tpu.vector_store %arg20[%swap3A_269, %swap3A_270], %swap3A_273 {strides = array<i32>} : memref<64x64xf32, #tpu.memory_space<vmem>>, vector<1x16xf32>,
        %get3A_274 = arith.index_cast %add3A_243 : i32 to index
        %get3A_275 = arith.constant 32 : index
        %get3A_276 = tpu.vector_load %arg20[%get3A_274, %get3A_275] {strides = array<i32>} : memref<64x64xf32, #tpu.memory_space<vmem>>, vector<1x16xf32>,
        %get3A_277 = vector.shape_cast %get3A_276 : vector<1x16xf32> to vector<16xf32>
        %mul3A_278 = vector.broadcast %squeeze3A_245 : f32 to vector<16xf32>
        %mul3A_279 = arith.mulf %get3A_277, %mul3A_278 : vector<16xf32>
        %max3A_280 = arith.constant 0.000000e+00 : f32
        %max3A_281 = vector.broadcast %max3A_280 : f32 to vector<16xf32>
        %max3A_282 = arith.maximumf %mul3A_279, %max3A_281 : vector<16xf32>
        %swap3A_283 = arith.index_cast %add3A_243 : i32 to index
        %swap3A_284 = arith.constant 32 : index
        %swap3A_285 = tpu.vector_load %arg20[%swap3A_283, %swap3A_284] {strides = array<i32>} : memref<64x64xf32, #tpu.memory_space<vmem>>, vector<1x16xf32>,
        %swap3A_286 = vector.shape_cast %swap3A_285 : vector<1x16xf32> to vector<16xf32>
        %swap3A_287 = vector.shape_cast %max3A_282 : vector<16xf32> to vector<1x16xf32>
        tpu.vector_store %arg20[%swap3A_283, %swap3A_284], %swap3A_287 {strides = array<i32>} : memref<64x64xf32, #tpu.memory_space<vmem>>, vector<1x16xf32>,
        %get3A_288 = arith.index_cast %add3A_243 : i32 to index
        %get3A_289 = arith.constant 48 : index
        %get3A_290 = tpu.vector_load %arg20[%get3A_288, %get3A_289] {strides = array<i32>} : memref<64x64xf32, #tpu.memory_space<vmem>>, vector<1x16xf32>,
        %get3A_291 = vector.shape_cast %get3A_290 : vector<1x16xf32> to vector<16xf32>
        %mul3A_292 = vector.broadcast %squeeze3A_245 : f32 to vector<16xf32>
        %mul3A_293 = arith.mulf %get3A_291, %mul3A_292 : vector<16xf32>
        %max3A_294 = arith.constant 0.000000e+00 : f32
        %max3A_295 = vector.broadcast %max3A_294 : f32 to vector<16xf32>
        %max3A_296 = arith.maximumf %mul3A_293, %max3A_295 : vector<16xf32>
        %swap3A_297 = arith.index_cast %add3A_243 : i32 to index
        %swap3A_298 = arith.constant 48 : index
        %swap3A_299 = tpu.vector_load %arg20[%swap3A_297, %swap3A_298] {strides = array<i32>} : memref<64x64xf32, #tpu.memory_space<vmem>>, vector<1x16xf32>,
        %swap3A_300 = vector.shape_cast %swap3A_299 : vector<1x16xf32> to vector<16xf32>
        %swap3A_301 = vector.shape_cast %max3A_296 : vector<16xf32> to vector<1x16xf32>
        tpu.vector_store %arg20[%swap3A_297, %swap3A_298], %swap3A_301 {strides = array<i32>} : memref<64x64xf32, #tpu.memory_space<vmem>>, vector<1x16xf32>,
        %mul3A_302 = arith.constant 16 : i32
        %mul3A_303 = arith.muli %scan3A_110, %mul3A_302 : i32
        %add3A_304 = arith.constant 3 : i32
        %add3A_305 = arith.addi %mul3A_303, %add3A_304 : i32
        %slice3A_306 = vector.extract_strided_slice %div3A_118 {offsets = [3], sizes = [1], strides = [1]} : vector<16xf32> to vector<1xf32>
        %squeeze3A_307 = vector.extract %slice3A_306[0] : f32 from vector<1xf32>
        %get3A_308 = arith.index_cast %add3A_305 : i32 to index
        %get3A_309 = arith.constant 0 : index
        %get3A_310 = tpu.vector_load %arg20[%get3A_308, %get3A_309] {strides = array<i32>} : memref<64x64xf32, #tpu.memory_space<vmem>>, vector<1x16xf32>,
        %get3A_311 = vector.shape_cast %get3A_310 : vector<1x16xf32> to vector<16xf32>
        %mul3A_312 = vector.broadcast %squeeze3A_307 : f32 to vector<16xf32>
        %mul3A_313 = arith.mulf %get3A_311, %mul3A_312 : vector<16xf32>
        %max3A_314 = arith.constant 0.000000e+00 : f32
        %max3A_315 = vector.broadcast %max3A_314 : f32 to vector<16xf32>
        %max3A_316 = arith.maximumf %mul3A_313, %max3A_315 : vector<16xf32>
        %swap3A_317 = arith.index_cast %add3A_305 : i32 to index
        %swap3A_318 = arith.constant 0 : index
        %swap3A_319 = tpu.vector_load %arg20[%swap3A_317, %swap3A_318] {strides = array<i32>} : memref<64x64xf32, #tpu.memory_space<vmem>>, vector<1x16xf32>,
        %swap3A_320 = vector.shape_cast %swap3A_319 : vector<1x16xf32> to vector<16xf32>
        %swap3A_321 = vector.shape_cast %max3A_316 : vector<16xf32> to vector<1x16xf32>
        tpu.vector_store %arg20[%swap3A_317, %swap3A_318], %swap3A_321 {strides = array<i32>} : memref<64x64xf32, #tpu.memory_space<vmem>>, vector<1x16xf32>,
        %get3A_322 = arith.index_cast %add3A_305 : i32 to index
        %get3A_323 = arith.constant 16 : index
        %get3A_324 = tpu.vector_load %arg20[%get3A_322, %get3A_323] {strides = array<i32>} : memref<64x64xf32, #tpu.memory_space<vmem>>, vector<1x16xf32>,
        %get3A_325 = vector.shape_cast %get3A_324 : vector<1x16xf32> to vector<16xf32>
        %mul3A_326 = vector.broadcast %squeeze3A_307 : f32 to vector<16xf32>
        %mul3A_327 = arith.mulf %get3A_325, %mul3A_326 : vector<16xf32>
        %max3A_328 = arith.constant 0.000000e+00 : f32
        %max3A_329 = vector.broadcast %max3A_328 : f32 to vector<16xf32>
        %max3A_330 = arith.maximumf %mul3A_327, %max3A_329 : vector<16xf32>
        %swap3A_331 = arith.index_cast %add3A_305 : i32 to index
        %swap3A_332 = arith.constant 16 : index
        %swap3A_333 = tpu.vector_load %arg20[%swap3A_331, %swap3A_332] {strides = array<i32>} : memref<64x64xf32, #tpu.memory_space<vmem>>, vector<1x16xf32>,
        %swap3A_334 = vector.shape_cast %swap3A_333 : vector<1x16xf32> to vector<16xf32>
        %swap3A_335 = vector.shape_cast %max3A_330 : vector<16xf32> to vector<1x16xf32>
        tpu.vector_store %arg20[%swap3A_331, %swap3A_332], %swap3A_335 {strides = array<i32>} : memref<64x64xf32, #tpu.memory_space<vmem>>, vector<1x16xf32>,
        %get3A_336 = arith.index_cast %add3A_305 : i32 to index
        %get3A_337 = arith.constant 32 : index
        %get3A_338 = tpu.vector_load %arg20[%get3A_336, %get3A_337] {strides = array<i32>} : memref<64x64xf32, #tpu.memory_space<vmem>>, vector<1x16xf32>,
        %get3A_339 = vector.shape_cast %get3A_338 : vector<1x16xf32> to vector<16xf32>
        %mul3A_340 = vector.broadcast %squeeze3A_307 : f32 to vector<16xf32>
        %mul3A_341 = arith.mulf %get3A_339, %mul3A_340 : vector<16xf32>
        %max3A_342 = arith.constant 0.000000e+00 : f32
        %max3A_343 = vector.broadcast %max3A_342 : f32 to vector<16xf32>
        %max3A_344 = arith.maximumf %mul3A_341, %max3A_343 : vector<16xf32>
        %swap3A_345 = arith.index_cast %add3A_305 : i32 to index
        %swap3A_346 = arith.constant 32 : index
        %swap3A_347 = tpu.vector_load %arg20[%swap3A_345, %swap3A_346] {strides = array<i32>} : memref<64x64xf32, #tpu.memory_space<vmem>>, vector<1x16xf32>,
        %swap3A_348 = vector.shape_cast %swap3A_347 : vector<1x16xf32> to vector<16xf32>
        %swap3A_349 = vector.shape_cast %max3A_344 : vector<16xf32> to vector<1x16xf32>
        tpu.vector_store %arg20[%swap3A_345, %swap3A_346], %swap3A_349 {strides = array<i32>} : memref<64x64xf32, #tpu.memory_space<vmem>>, vector<1x16xf32>,
        %get3A_350 = arith.index_cast %add3A_305 : i32 to index
        %get3A_351 = arith.constant 48 : index
        %get3A_352 = tpu.vector_load %arg20[%get3A_350, %get3A_351] {strides = array<i32>} : memref<64x64xf32, #tpu.memory_space<vmem>>, vector<1x16xf32>,
        %get3A_353 = vector.shape_cast %get3A_352 : vector<1x16xf32> to vector<16xf32>
        %mul3A_354 = vector.broadcast %squeeze3A_307 : f32 to vector<16xf32>
        %mul3A_355 = arith.mulf %get3A_353, %mul3A_354 : vector<16xf32>
        %max3A_356 = arith.constant 0.000000e+00 : f32
        %max3A_357 = vector.broadcast %max3A_356 : f32 to vector<16xf32>
        %max3A_358 = arith.maximumf %mul3A_355, %max3A_357 : vector<16xf32>
        %swap3A_359 = arith.index_cast %add3A_305 : i32 to index
        %swap3A_360 = arith.constant 48 : index
        %swap3A_361 = tpu.vector_load %arg20[%swap3A_359, %swap3A_360] {strides = array<i32>} : memref<64x64xf32, #tpu.memory_space<vmem>>, vector<1x16xf32>,
        %swap3A_362 = vector.shape_cast %swap3A_361 : vector<1x16xf32> to vector<16xf32>
        %swap3A_363 = vector.shape_cast %max3A_358 : vector<16xf32> to vector<1x16xf32>
        tpu.vector_store %arg20[%swap3A_359, %swap3A_360], %swap3A_363 {strides = array<i32>} : memref<64x64xf32, #tpu.memory_space<vmem>>, vector<1x16xf32>,
        %mul3A_364 = arith.constant 16 : i32
        %mul3A_365 = arith.muli %scan3A_110, %mul3A_364 : i32
        %add3A_366 = arith.constant 4 : i32
        %add3A_367 = arith.addi %mul3A_365, %add3A_366 : i32
        %slice3A_368 = vector.extract_strided_slice %div3A_118 {offsets = [4], sizes = [1], strides = [1]} : vector<16xf32> to vector<1xf32>
        %squeeze3A_369 = vector.extract %slice3A_368[0] : f32 from vector<1xf32>
        %get3A_370 = arith.index_cast %add3A_367 : i32 to index
        %get3A_371 = arith.constant 0 : index
        %get3A_372 = tpu.vector_load %arg20[%get3A_370, %get3A_371] {strides = array<i32>} : memref<64x64xf32, #tpu.memory_space<vmem>>, vector<1x16xf32>,
        %get3A_373 = vector.shape_cast %get3A_372 : vector<1x16xf32> to vector<16xf32>
        %mul3A_374 = vector.broadcast %squeeze3A_369 : f32 to vector<16xf32>
        %mul3A_375 = arith.mulf %get3A_373, %mul3A_374 : vector<16xf32>
        %max3A_376 = arith.constant 0.000000e+00 : f32
        %max3A_377 = vector.broadcast %max3A_376 : f32 to vector<16xf32>
        %max3A_378 = arith.maximumf %mul3A_375, %max3A_377 : vector<16xf32>
        %swap3A_379 = arith.index_cast %add3A_367 : i32 to index
        %swap3A_380 = arith.constant 0 : index
        %swap3A_381 = tpu.vector_load %arg20[%swap3A_379, %swap3A_380] {strides = array<i32>} : memref<64x64xf32, #tpu.memory_space<vmem>>, vector<1x16xf32>,
        %swap3A_382 = vector.shape_cast %swap3A_381 : vector<1x16xf32> to vector<16xf32>
        %swap3A_383 = vector.shape_cast %max3A_378 : vector<16xf32> to vector<1x16xf32>
        tpu.vector_store %arg20[%swap3A_379, %swap3A_380], %swap3A_383 {strides = array<i32>} : memref<64x64xf32, #tpu.memory_space<vmem>>, vector<1x16xf32>,
        %get3A_384 = arith.index_cast %add3A_367 : i32 to index
        %get3A_385 = arith.constant 16 : index
        %get3A_386 = tpu.vector_load %arg20[%get3A_384, %get3A_385] {strides = array<i32>} : memref<64x64xf32, #tpu.memory_space<vmem>>, vector<1x16xf32>,
        %get3A_387 = vector.shape_cast %get3A_386 : vector<1x16xf32> to vector<16xf32>
        %mul3A_388 = vector.broadcast %squeeze3A_369 : f32 to vector<16xf32>
        %mul3A_389 = arith.mulf %get3A_387, %mul3A_388 : vector<16xf32>
        %max3A_390 = arith.constant 0.000000e+00 : f32
        %max3A_391 = vector.broadcast %max3A_390 : f32 to vector<16xf32>
        %max3A_392 = arith.maximumf %mul3A_389, %max3A_391 : vector<16xf32>
        %swap3A_393 = arith.index_cast %add3A_367 : i32 to index
        %swap3A_394 = arith.constant 16 : index
        %swap3A_395 = tpu.vector_load %arg20[%swap3A_393, %swap3A_394] {strides = array<i32>} : memref<64x64xf32, #tpu.memory_space<vmem>>, vector<1x16xf32>,
        %swap3A_396 = vector.shape_cast %swap3A_395 : vector<1x16xf32> to vector<16xf32>
        %swap3A_397 = vector.shape_cast %max3A_392 : vector<16xf32> to vector<1x16xf32>
        tpu.vector_store %arg20[%swap3A_393, %swap3A_394], %swap3A_397 {strides = array<i32>} : memref<64x64xf32, #tpu.memory_space<vmem>>, vector<1x16xf32>,
        %get3A_398 = arith.index_cast %add3A_367 : i32 to index
        %get3A_399 = arith.constant 32 : index
        %get3A_400 = tpu.vector_load %arg20[%get3A_398, %get3A_399] {strides = array<i32>} : memref<64x64xf32, #tpu.memory_space<vmem>>, vector<1x16xf32>,
        %get3A_401 = vector.shape_cast %get3A_400 : vector<1x16xf32> to vector<16xf32>
        %mul3A_402 = vector.broadcast %squeeze3A_369 : f32 to vector<16xf32>
        %mul3A_403 = arith.mulf %get3A_401, %mul3A_402 : vector<16xf32>
        %max3A_404 = arith.constant 0.000000e+00 : f32
        %max3A_405 = vector.broadcast %max3A_404 : f32 to vector<16xf32>
        %max3A_406 = arith.maximumf %mul3A_403, %max3A_405 : vector<16xf32>
        %swap3A_407 = arith.index_cast %add3A_367 : i32 to index
        %swap3A_408 = arith.constant 32 : index
        %swap3A_409 = tpu.vector_load %arg20[%swap3A_407, %swap3A_408] {strides = array<i32>} : memref<64x64xf32, #tpu.memory_space<vmem>>, vector<1x16xf32>,
        %swap3A_410 = vector.shape_cast %swap3A_409 : vector<1x16xf32> to vector<16xf32>
        %swap3A_411 = vector.shape_cast %max3A_406 : vector<16xf32> to vector<1x16xf32>
        tpu.vector_store %arg20[%swap3A_407, %swap3A_408], %swap3A_411 {strides = array<i32>} : memref<64x64xf32, #tpu.memory_space<vmem>>, vector<1x16xf32>,
        %get3A_412 = arith.index_cast %add3A_367 : i32 to index
        %get3A_413 = arith.constant 48 : index
        %get3A_414 = tpu.vector_load %arg20[%get3A_412, %get3A_413] {strides = array<i32>} : memref<64x64xf32, #tpu.memory_space<vmem>>, vector<1x16xf32>,
        %get3A_415 = vector.shape_cast %get3A_414 : vector<1x16xf32> to vector<16xf32>
        %mul3A_416 = vector.broadcast %squeeze3A_369 : f32 to vector<16xf32>
        %mul3A_417 = arith.mulf %get3A_415, %mul3A_416 : vector<16xf32>
        %max3A_418 = arith.constant 0.000000e+00 : f32
        %max3A_419 = vector.broadcast %max3A_418 : f32 to vector<16xf32>
        %max3A_420 = arith.maximumf %mul3A_417, %max3A_419 : vector<16xf32>
        %swap3A_421 = arith.index_cast %add3A_367 : i32 to index
        %swap3A_422 = arith.constant 48 : index
        %swap3A_423 = tpu.vector_load %arg20[%swap3A_421, %swap3A_422] {strides = array<i32>} : memref<64x64xf32, #tpu.memory_space<vmem>>, vector<1x16xf32>,
        %swap3A_424 = vector.shape_cast %swap3A_423 : vector<1x16xf32> to vector<16xf32>
        %swap3A_425 = vector.shape_cast %max3A_420 : vector<16xf32> to vector<1x16xf32>
        tpu.vector_store %arg20[%swap3A_421, %swap3A_422], %swap3A_425 {strides = array<i32>} : memref<64x64xf32, #tpu.memory_space<vmem>>, vector<1x16xf32>,
        %mul3A_426 = arith.constant 16 : i32
        %mul3A_427 = arith.muli %scan3A_110, %mul3A_426 : i32
        %add3A_428 = arith.constant 5 : i32
        %add3A_429 = arith.addi %mul3A_427, %add3A_428 : i32
        %slice3A_430 = vector.extract_strided_slice %div3A_118 {offsets = [5], sizes = [1], strides = [1]} : vector<16xf32> to vector<1xf32>
        %squeeze3A_431 = vector.extract %slice3A_430[0] : f32 from vector<1xf32>
        %get3A_432 = arith.index_cast %add3A_429 : i32 to index
        %get3A_433 = arith.constant 0 : index
        %get3A_434 = tpu.vector_load %arg20[%get3A_432, %get3A_433] {strides = array<i32>} : memref<64x64xf32, #tpu.memory_space<vmem>>, vector<1x16xf32>,
        %get3A_435 = vector.shape_cast %get3A_434 : vector<1x16xf32> to vector<16xf32>
        %mul3A_436 = vector.broadcast %squeeze3A_431 : f32 to vector<16xf32>
        %mul3A_437 = arith.mulf %get3A_435, %mul3A_436 : vector<16xf32>
        %max3A_438 = arith.constant 0.000000e+00 : f32
        %max3A_439 = vector.broadcast %max3A_438 : f32 to vector<16xf32>
        %max3A_440 = arith.maximumf %mul3A_437, %max3A_439 : vector<16xf32>
        %swap3A_441 = arith.index_cast %add3A_429 : i32 to index
        %swap3A_442 = arith.constant 0 : index
        %swap3A_443 = tpu.vector_load %arg20[%swap3A_441, %swap3A_442] {strides = array<i32>} : memref<64x64xf32, #tpu.memory_space<vmem>>, vector<1x16xf32>,
        %swap3A_444 = vector.shape_cast %swap3A_443 : vector<1x16xf32> to vector<16xf32>
        %swap3A_445 = vector.shape_cast %max3A_440 : vector<16xf32> to vector<1x16xf32>
        tpu.vector_store %arg20[%swap3A_441, %swap3A_442], %swap3A_445 {strides = array<i32>} : memref<64x64xf32, #tpu.memory_space<vmem>>, vector<1x16xf32>,
        %get3A_446 = arith.index_cast %add3A_429 : i32 to index
        %get3A_447 = arith.constant 16 : index
        %get3A_448 = tpu.vector_load %arg20[%get3A_446, %get3A_447] {strides = array<i32>} : memref<64x64xf32, #tpu.memory_space<vmem>>, vector<1x16xf32>,
        %get3A_449 = vector.shape_cast %get3A_448 : vector<1x16xf32> to vector<16xf32>
        %mul3A_450 = vector.broadcast %squeeze3A_431 : f32 to vector<16xf32>
        %mul3A_451 = arith.mulf %get3A_449, %mul3A_450 : vector<16xf32>
        %max3A_452 = arith.constant 0.000000e+00 : f32
        %max3A_453 = vector.broadcast %max3A_452 : f32 to vector<16xf32>
        %max3A_454 = arith.maximumf %mul3A_451, %max3A_453 : vector<16xf32>
        %swap3A_455 = arith.index_cast %add3A_429 : i32 to index
        %swap3A_456 = arith.constant 16 : index
        %swap3A_457 = tpu.vector_load %arg20[%swap3A_455, %swap3A_456] {strides = array<i32>} : memref<64x64xf32, #tpu.memory_space<vmem>>, vector<1x16xf32>,
        %swap3A_458 = vector.shape_cast %swap3A_457 : vector<1x16xf32> to vector<16xf32>
        %swap3A_459 = vector.shape_cast %max3A_454 : vector<16xf32> to vector<1x16xf32>
        tpu.vector_store %arg20[%swap3A_455, %swap3A_456], %swap3A_459 {strides = array<i32>} : memref<64x64xf32, #tpu.memory_space<vmem>>, vector<1x16xf32>,
        %get3A_460 = arith.index_cast %add3A_429 : i32 to index
        %get3A_461 = arith.constant 32 : index
        %get3A_462 = tpu.vector_load %arg20[%get3A_460, %get3A_461] {strides = array<i32>} : memref<64x64xf32, #tpu.memory_space<vmem>>, vector<1x16xf32>,
        %get3A_463 = vector.shape_cast %get3A_462 : vector<1x16xf32> to vector<16xf32>
        %mul3A_464 = vector.broadcast %squeeze3A_431 : f32 to vector<16xf32>
        %mul3A_465 = arith.mulf %get3A_463, %mul3A_464 : vector<16xf32>
        %max3A_466 = arith.constant 0.000000e+00 : f32
        %max3A_467 = vector.broadcast %max3A_466 : f32 to vector<16xf32>
        %max3A_468 = arith.maximumf %mul3A_465, %max3A_467 : vector<16xf32>
        %swap3A_469 = arith.index_cast %add3A_429 : i32 to index
        %swap3A_470 = arith.constant 32 : index
        %swap3A_471 = tpu.vector_load %arg20[%swap3A_469, %swap3A_470] {strides = array<i32>} : memref<64x64xf32, #tpu.memory_space<vmem>>, vector<1x16xf32>,
        %swap3A_472 = vector.shape_cast %swap3A_471 : vector<1x16xf32> to vector<16xf32>
        %swap3A_473 = vector.shape_cast %max3A_468 : vector<16xf32> to vector<1x16xf32>
        tpu.vector_store %arg20[%swap3A_469, %swap3A_470], %swap3A_473 {strides = array<i32>} : memref<64x64xf32, #tpu.memory_space<vmem>>, vector<1x16xf32>,
        %get3A_474 = arith.index_cast %add3A_429 : i32 to index
        %get3A_475 = arith.constant 48 : index
        %get3A_476 = tpu.vector_load %arg20[%get3A_474, %get3A_475] {strides = array<i32>} : memref<64x64xf32, #tpu.memory_space<vmem>>, vector<1x16xf32>,
        %get3A_477 = vector.shape_cast %get3A_476 : vector<1x16xf32> to vector<16xf32>
        %mul3A_478 = vector.broadcast %squeeze3A_431 : f32 to vector<16xf32>
        %mul3A_479 = arith.mulf %get3A_477, %mul3A_478 : vector<16xf32>
        %max3A_480 = arith.constant 0.000000e+00 : f32
        %max3A_481 = vector.broadcast %max3A_480 : f32 to vector<16xf32>
        %max3A_482 = arith.maximumf %mul3A_479, %max3A_481 : vector<16xf32>
        %swap3A_483 = arith.index_cast %add3A_429 : i32 to index
        %swap3A_484 = arith.constant 48 : index
        %swap3A_485 = tpu.vector_load %arg20[%swap3A_483, %swap3A_484] {strides = array<i32>} : memref<64x64xf32, #tpu.memory_space<vmem>>, vector<1x16xf32>,
        %swap3A_486 = vector.shape_cast %swap3A_485 : vector<1x16xf32> to vector<16xf32>
        %swap3A_487 = vector.shape_cast %max3A_482 : vector<16xf32> to vector<1x16xf32>
        tpu.vector_store %arg20[%swap3A_483, %swap3A_484], %swap3A_487 {strides = array<i32>} : memref<64x64xf32, #tpu.memory_space<vmem>>, vector<1x16xf32>,
        %mul3A_488 = arith.constant 16 : i32
        %mul3A_489 = arith.muli %scan3A_110, %mul3A_488 : i32
        %add3A_490 = arith.constant 6 : i32
        %add3A_491 = arith.addi %mul3A_489, %add3A_490 : i32
        %slice3A_492 = vector.extract_strided_slice %div3A_118 {offsets = [6], sizes = [1], strides = [1]} : vector<16xf32> to vector<1xf32>
        %squeeze3A_493 = vector.extract %slice3A_492[0] : f32 from vector<1xf32>
        %get3A_494 = arith.index_cast %add3A_491 : i32 to index
        %get3A_495 = arith.constant 0 : index
        %get3A_496 = tpu.vector_load %arg20[%get3A_494, %get3A_495] {strides = array<i32>} : memref<64x64xf32, #tpu.memory_space<vmem>>, vector<1x16xf32>,
        %get3A_497 = vector.shape_cast %get3A_496 : vector<1x16xf32> to vector<16xf32>
        %mul3A_498 = vector.broadcast %squeeze3A_493 : f32 to vector<16xf32>
        %mul3A_499 = arith.mulf %get3A_497, %mul3A_498 : vector<16xf32>
        %max3A_500 = arith.constant 0.000000e+00 : f32
        %max3A_501 = vector.broadcast %max3A_500 : f32 to vector<16xf32>
        %max3A_502 = arith.maximumf %mul3A_499, %max3A_501 : vector<16xf32>
        %swap3A_503 = arith.index_cast %add3A_491 : i32 to index
        %swap3A_504 = arith.constant 0 : index
        %swap3A_505 = tpu.vector_load %arg20[%swap3A_503, %swap3A_504] {strides = array<i32>} : memref<64x64xf32, #tpu.memory_space<vmem>>, vector<1x16xf32>,
        %swap3A_506 = vector.shape_cast %swap3A_505 : vector<1x16xf32> to vector<16xf32>
        %swap3A_507 = vector.shape_cast %max3A_502 : vector<16xf32> to vector<1x16xf32>
        tpu.vector_store %arg20[%swap3A_503, %swap3A_504], %swap3A_507 {strides = array<i32>} : memref<64x64xf32, #tpu.memory_space<vmem>>, vector<1x16xf32>,
        %get3A_508 = arith.index_cast %add3A_491 : i32 to index
        %get3A_509 = arith.constant 16 : index
        %get3A_510 = tpu.vector_load %arg20[%get3A_508, %get3A_509] {strides = array<i32>} : memref<64x64xf32, #tpu.memory_space<vmem>>, vector<1x16xf32>,
        %get3A_511 = vector.shape_cast %get3A_510 : vector<1x16xf32> to vector<16xf32>
        %mul3A_512 = vector.broadcast %squeeze3A_493 : f32 to vector<16xf32>
        %mul3A_513 = arith.mulf %get3A_511, %mul3A_512 : vector<16xf32>
        %max3A_514 = arith.constant 0.000000e+00 : f32
        %max3A_515 = vector.broadcast %max3A_514 : f32 to vector<16xf32>
        %max3A_516 = arith.maximumf %mul3A_513, %max3A_515 : vector<16xf32>
        %swap3A_517 = arith.index_cast %add3A_491 : i32 to index
        %swap3A_518 = arith.constant 16 : index
        %swap3A_519 = tpu.vector_load %arg20[%swap3A_517, %swap3A_518] {strides = array<i32>} : memref<64x64xf32, #tpu.memory_space<vmem>>, vector<1x16xf32>,
        %swap3A_520 = vector.shape_cast %swap3A_519 : vector<1x16xf32> to vector<16xf32>
        %swap3A_521 = vector.shape_cast %max3A_516 : vector<16xf32> to vector<1x16xf32>
        tpu.vector_store %arg20[%swap3A_517, %swap3A_518], %swap3A_521 {strides = array<i32>} : memref<64x64xf32, #tpu.memory_space<vmem>>, vector<1x16xf32>,
        %get3A_522 = arith.index_cast %add3A_491 : i32 to index
        %get3A_523 = arith.constant 32 : index
        %get3A_524 = tpu.vector_load %arg20[%get3A_522, %get3A_523] {strides = array<i32>} : memref<64x64xf32, #tpu.memory_space<vmem>>, vector<1x16xf32>,
        %get3A_525 = vector.shape_cast %get3A_524 : vector<1x16xf32> to vector<16xf32>
        %mul3A_526 = vector.broadcast %squeeze3A_493 : f32 to vector<16xf32>
        %mul3A_527 = arith.mulf %get3A_525, %mul3A_526 : vector<16xf32>
        %max3A_528 = arith.constant 0.000000e+00 : f32
        %max3A_529 = vector.broadcast %max3A_528 : f32 to vector<16xf32>
        %max3A_530 = arith.maximumf %mul3A_527, %max3A_529 : vector<16xf32>
        %swap3A_531 = arith.index_cast %add3A_491 : i32 to index
        %swap3A_532 = arith.constant 32 : index
        %swap3A_533 = tpu.vector_load %arg20[%swap3A_531, %swap3A_532] {strides = array<i32>} : memref<64x64xf32, #tpu.memory_space<vmem>>, vector<1x16xf32>,
        %swap3A_534 = vector.shape_cast %swap3A_533 : vector<1x16xf32> to vector<16xf32>
        %swap3A_535 = vector.shape_cast %max3A_530 : vector<16xf32> to vector<1x16xf32>
        tpu.vector_store %arg20[%swap3A_531, %swap3A_532], %swap3A_535 {strides = array<i32>} : memref<64x64xf32, #tpu.memory_space<vmem>>, vector<1x16xf32>,
        %get3A_536 = arith.index_cast %add3A_491 : i32 to index
        %get3A_537 = arith.constant 48 : index
        %get3A_538 = tpu.vector_load %arg20[%get3A_536, %get3A_537] {strides = array<i32>} : memref<64x64xf32, #tpu.memory_space<vmem>>, vector<1x16xf32>,
        %get3A_539 = vector.shape_cast %get3A_538 : vector<1x16xf32> to vector<16xf32>
        %mul3A_540 = vector.broadcast %squeeze3A_493 : f32 to vector<16xf32>
        %mul3A_541 = arith.mulf %get3A_539, %mul3A_540 : vector<16xf32>
        %max3A_542 = arith.constant 0.000000e+00 : f32
        %max3A_543 = vector.broadcast %max3A_542 : f32 to vector<16xf32>
        %max3A_544 = arith.maximumf %mul3A_541, %max3A_543 : vector<16xf32>
        %swap3A_545 = arith.index_cast %add3A_491 : i32 to index
        %swap3A_546 = arith.constant 48 : index
        %swap3A_547 = tpu.vector_load %arg20[%swap3A_545, %swap3A_546] {strides = array<i32>} : memref<64x64xf32, #tpu.memory_space<vmem>>, vector<1x16xf32>,
        %swap3A_548 = vector.shape_cast %swap3A_547 : vector<1x16xf32> to vector<16xf32>
        %swap3A_549 = vector.shape_cast %max3A_544 : vector<16xf32> to vector<1x16xf32>
        tpu.vector_store %arg20[%swap3A_545, %swap3A_546], %swap3A_549 {strides = array<i32>} : memref<64x64xf32, #tpu.memory_space<vmem>>, vector<1x16xf32>,
        %mul3A_550 = arith.constant 16 : i32
        %mul3A_551 = arith.muli %scan3A_110, %mul3A_550 : i32
        %add3A_552 = arith.constant 7 : i32
        %add3A_553 = arith.addi %mul3A_551, %add3A_552 : i32
        %slice3A_554 = vector.extract_strided_slice %div3A_118 {offsets = [7], sizes = [1], strides = [1]} : vector<16xf32> to vector<1xf32>
        %squeeze3A_555 = vector.extract %slice3A_554[0] : f32 from vector<1xf32>
        %get3A_556 = arith.index_cast %add3A_553 : i32 to index
        %get3A_557 = arith.constant 0 : index
        %get3A_558 = tpu.vector_load %arg20[%get3A_556, %get3A_557] {strides = array<i32>} : memref<64x64xf32, #tpu.memory_space<vmem>>, vector<1x16xf32>,
        %get3A_559 = vector.shape_cast %get3A_558 : vector<1x16xf32> to vector<16xf32>
        %mul3A_560 = vector.broadcast %squeeze3A_555 : f32 to vector<16xf32>
        %mul3A_561 = arith.mulf %get3A_559, %mul3A_560 : vector<16xf32>
        %max3A_562 = arith.constant 0.000000e+00 : f32
        %max3A_563 = vector.broadcast %max3A_562 : f32 to vector<16xf32>
        %max3A_564 = arith.maximumf %mul3A_561, %max3A_563 : vector<16xf32>
        %swap3A_565 = arith.index_cast %add3A_553 : i32 to index
        %swap3A_566 = arith.constant 0 : index
        %swap3A_567 = tpu.vector_load %arg20[%swap3A_565, %swap3A_566] {strides = array<i32>} : memref<64x64xf32, #tpu.memory_space<vmem>>, vector<1x16xf32>,
        %swap3A_568 = vector.shape_cast %swap3A_567 : vector<1x16xf32> to vector<16xf32>
        %swap3A_569 = vector.shape_cast %max3A_564 : vector<16xf32> to vector<1x16xf32>
        tpu.vector_store %arg20[%swap3A_565, %swap3A_566], %swap3A_569 {strides = array<i32>} : memref<64x64xf32, #tpu.memory_space<vmem>>, vector<1x16xf32>,
        %get3A_570 = arith.index_cast %add3A_553 : i32 to index
        %get3A_571 = arith.constant 16 : index
        %get3A_572 = tpu.vector_load %arg20[%get3A_570, %get3A_571] {strides = array<i32>} : memref<64x64xf32, #tpu.memory_space<vmem>>, vector<1x16xf32>,
        %get3A_573 = vector.shape_cast %get3A_572 : vector<1x16xf32> to vector<16xf32>
        %mul3A_574 = vector.broadcast %squeeze3A_555 : f32 to vector<16xf32>
        %mul3A_575 = arith.mulf %get3A_573, %mul3A_574 : vector<16xf32>
        %max3A_576 = arith.constant 0.000000e+00 : f32
        %max3A_577 = vector.broadcast %max3A_576 : f32 to vector<16xf32>
        %max3A_578 = arith.maximumf %mul3A_575, %max3A_577 : vector<16xf32>
        %swap3A_579 = arith.index_cast %add3A_553 : i32 to index
        %swap3A_580 = arith.constant 16 : index
        %swap3A_581 = tpu.vector_load %arg20[%swap3A_579, %swap3A_580] {strides = array<i32>} : memref<64x64xf32, #tpu.memory_space<vmem>>, vector<1x16xf32>,
        %swap3A_582 = vector.shape_cast %swap3A_581 : vector<1x16xf32> to vector<16xf32>
        %swap3A_583 = vector.shape_cast %max3A_578 : vector<16xf32> to vector<1x16xf32>
        tpu.vector_store %arg20[%swap3A_579, %swap3A_580], %swap3A_583 {strides = array<i32>} : memref<64x64xf32, #tpu.memory_space<vmem>>, vector<1x16xf32>,
        %get3A_584 = arith.index_cast %add3A_553 : i32 to index
        %get3A_585 = arith.constant 32 : index
        %get3A_586 = tpu.vector_load %arg20[%get3A_584, %get3A_585] {strides = array<i32>} : memref<64x64xf32, #tpu.memory_space<vmem>>, vector<1x16xf32>,
        %get3A_587 = vector.shape_cast %get3A_586 : vector<1x16xf32> to vector<16xf32>
        %mul3A_588 = vector.broadcast %squeeze3A_555 : f32 to vector<16xf32>
        %mul3A_589 = arith.mulf %get3A_587, %mul3A_588 : vector<16xf32>
        %max3A_590 = arith.constant 0.000000e+00 : f32
        %max3A_591 = vector.broadcast %max3A_590 : f32 to vector<16xf32>
        %max3A_592 = arith.maximumf %mul3A_589, %max3A_591 : vector<16xf32>
        %swap3A_593 = arith.index_cast %add3A_553 : i32 to index
        %swap3A_594 = arith.constant 32 : index
        %swap3A_595 = tpu.vector_load %arg20[%swap3A_593, %swap3A_594] {strides = array<i32>} : memref<64x64xf32, #tpu.memory_space<vmem>>, vector<1x16xf32>,
        %swap3A_596 = vector.shape_cast %swap3A_595 : vector<1x16xf32> to vector<16xf32>
        %swap3A_597 = vector.shape_cast %max3A_592 : vector<16xf32> to vector<1x16xf32>
        tpu.vector_store %arg20[%swap3A_593, %swap3A_594], %swap3A_597 {strides = array<i32>} : memref<64x64xf32, #tpu.memory_space<vmem>>, vector<1x16xf32>,
        %get3A_598 = arith.index_cast %add3A_553 : i32 to index
        %get3A_599 = arith.constant 48 : index
        %get3A_600 = tpu.vector_load %arg20[%get3A_598, %get3A_599] {strides = array<i32>} : memref<64x64xf32, #tpu.memory_space<vmem>>, vector<1x16xf32>,
        %get3A_601 = vector.shape_cast %get3A_600 : vector<1x16xf32> to vector<16xf32>
        %mul3A_602 = vector.broadcast %squeeze3A_555 : f32 to vector<16xf32>
        %mul3A_603 = arith.mulf %get3A_601, %mul3A_602 : vector<16xf32>
        %max3A_604 = arith.constant 0.000000e+00 : f32
        %max3A_605 = vector.broadcast %max3A_604 : f32 to vector<16xf32>
        %max3A_606 = arith.maximumf %mul3A_603, %max3A_605 : vector<16xf32>
        %swap3A_607 = arith.index_cast %add3A_553 : i32 to index
        %swap3A_608 = arith.constant 48 : index
        %swap3A_609 = tpu.vector_load %arg20[%swap3A_607, %swap3A_608] {strides = array<i32>} : memref<64x64xf32, #tpu.memory_space<vmem>>, vector<1x16xf32>,
        %swap3A_610 = vector.shape_cast %swap3A_609 : vector<1x16xf32> to vector<16xf32>
        %swap3A_611 = vector.shape_cast %max3A_606 : vector<16xf32> to vector<1x16xf32>
        tpu.vector_store %arg20[%swap3A_607, %swap3A_608], %swap3A_611 {strides = array<i32>} : memref<64x64xf32, #tpu.memory_space<vmem>>, vector<1x16xf32>,
        %mul3A_612 = arith.constant 16 : i32
        %mul3A_613 = arith.muli %scan3A_110, %mul3A_612 : i32
        %add3A_614 = arith.constant 8 : i32
        %add3A_615 = arith.addi %mul3A_613, %add3A_614 : i32
        %slice3A_616 = vector.extract_strided_slice %div3A_118 {offsets = [8], sizes = [1], strides = [1]} : vector<16xf32> to vector<1xf32>
        %squeeze3A_617 = vector.extract %slice3A_616[0] : f32 from vector<1xf32>
        %get3A_618 = arith.index_cast %add3A_615 : i32 to index
        %get3A_619 = arith.constant 0 : index
        %get3A_620 = tpu.vector_load %arg20[%get3A_618, %get3A_619] {strides = array<i32>} : memref<64x64xf32, #tpu.memory_space<vmem>>, vector<1x16xf32>,
        %get3A_621 = vector.shape_cast %get3A_620 : vector<1x16xf32> to vector<16xf32>
        %mul3A_622 = vector.broadcast %squeeze3A_617 : f32 to vector<16xf32>
        %mul3A_623 = arith.mulf %get3A_621, %mul3A_622 : vector<16xf32>
        %max3A_624 = arith.constant 0.000000e+00 : f32
        %max3A_625 = vector.broadcast %max3A_624 : f32 to vector<16xf32>
        %max3A_626 = arith.maximumf %mul3A_623, %max3A_625 : vector<16xf32>
        %swap3A_627 = arith.index_cast %add3A_615 : i32 to index
        %swap3A_628 = arith.constant 0 : index
        %swap3A_629 = tpu.vector_load %arg20[%swap3A_627, %swap3A_628] {strides = array<i32>} : memref<64x64xf32, #tpu.memory_space<vmem>>, vector<1x16xf32>,
        %swap3A_630 = vector.shape_cast %swap3A_629 : vector<1x16xf32> to vector<16xf32>
        %swap3A_631 = vector.shape_cast %max3A_626 : vector<16xf32> to vector<1x16xf32>
        tpu.vector_store %arg20[%swap3A_627, %swap3A_628], %swap3A_631 {strides = array<i32>} : memref<64x64xf32, #tpu.memory_space<vmem>>, vector<1x16xf32>,
        %get3A_632 = arith.index_cast %add3A_615 : i32 to index
        %get3A_633 = arith.constant 16 : index
        %get3A_634 = tpu.vector_load %arg20[%get3A_632, %get3A_633] {strides = array<i32>} : memref<64x64xf32, #tpu.memory_space<vmem>>, vector<1x16xf32>,
        %get3A_635 = vector.shape_cast %get3A_634 : vector<1x16xf32> to vector<16xf32>
        %mul3A_636 = vector.broadcast %squeeze3A_617 : f32 to vector<16xf32>
        %mul3A_637 = arith.mulf %get3A_635, %mul3A_636 : vector<16xf32>
        %max3A_638 = arith.constant 0.000000e+00 : f32
        %max3A_639 = vector.broadcast %max3A_638 : f32 to vector<16xf32>
        %max3A_640 = arith.maximumf %mul3A_637, %max3A_639 : vector<16xf32>
        %swap3A_641 = arith.index_cast %add3A_615 : i32 to index
        %swap3A_642 = arith.constant 16 : index
        %swap3A_643 = tpu.vector_load %arg20[%swap3A_641, %swap3A_642] {strides = array<i32>} : memref<64x64xf32, #tpu.memory_space<vmem>>, vector<1x16xf32>,
        %swap3A_644 = vector.shape_cast %swap3A_643 : vector<1x16xf32> to vector<16xf32>
        %swap3A_645 = vector.shape_cast %max3A_640 : vector<16xf32> to vector<1x16xf32>
        tpu.vector_store %arg20[%swap3A_641, %swap3A_642], %swap3A_645 {strides = array<i32>} : memref<64x64xf32, #tpu.memory_space<vmem>>, vector<1x16xf32>,
        %get3A_646 = arith.index_cast %add3A_615 : i32 to index
        %get3A_647 = arith.constant 32 : index
        %get3A_648 = tpu.vector_load %arg20[%get3A_646, %get3A_647] {strides = array<i32>} : memref<64x64xf32, #tpu.memory_space<vmem>>, vector<1x16xf32>,
        %get3A_649 = vector.shape_cast %get3A_648 : vector<1x16xf32> to vector<16xf32>
        %mul3A_650 = vector.broadcast %squeeze3A_617 : f32 to vector<16xf32>
        %mul3A_651 = arith.mulf %get3A_649, %mul3A_650 : vector<16xf32>
        %max3A_652 = arith.constant 0.000000e+00 : f32
        %max3A_653 = vector.broadcast %max3A_652 : f32 to vector<16xf32>
        %max3A_654 = arith.maximumf %mul3A_651, %max3A_653 : vector<16xf32>
        %swap3A_655 = arith.index_cast %add3A_615 : i32 to index
        %swap3A_656 = arith.constant 32 : index
        %swap3A_657 = tpu.vector_load %arg20[%swap3A_655, %swap3A_656] {strides = array<i32>} : memref<64x64xf32, #tpu.memory_space<vmem>>, vector<1x16xf32>,
        %swap3A_658 = vector.shape_cast %swap3A_657 : vector<1x16xf32> to vector<16xf32>
        %swap3A_659 = vector.shape_cast %max3A_654 : vector<16xf32> to vector<1x16xf32>
        tpu.vector_store %arg20[%swap3A_655, %swap3A_656], %swap3A_659 {strides = array<i32>} : memref<64x64xf32, #tpu.memory_space<vmem>>, vector<1x16xf32>,
        %get3A_660 = arith.index_cast %add3A_615 : i32 to index
        %get3A_661 = arith.constant 48 : index
        %get3A_662 = tpu.vector_load %arg20[%get3A_660, %get3A_661] {strides = array<i32>} : memref<64x64xf32, #tpu.memory_space<vmem>>, vector<1x16xf32>,
        %get3A_663 = vector.shape_cast %get3A_662 : vector<1x16xf32> to vector<16xf32>
        %mul3A_664 = vector.broadcast %squeeze3A_617 : f32 to vector<16xf32>
        %mul3A_665 = arith.mulf %get3A_663, %mul3A_664 : vector<16xf32>
        %max3A_666 = arith.constant 0.000000e+00 : f32
        %max3A_667 = vector.broadcast %max3A_666 : f32 to vector<16xf32>
        %max3A_668 = arith.maximumf %mul3A_665, %max3A_667 : vector<16xf32>
        %swap3A_669 = arith.index_cast %add3A_615 : i32 to index
        %swap3A_670 = arith.constant 48 : index
        %swap3A_671 = tpu.vector_load %arg20[%swap3A_669, %swap3A_670] {strides = array<i32>} : memref<64x64xf32, #tpu.memory_space<vmem>>, vector<1x16xf32>,
        %swap3A_672 = vector.shape_cast %swap3A_671 : vector<1x16xf32> to vector<16xf32>
        %swap3A_673 = vector.shape_cast %max3A_668 : vector<16xf32> to vector<1x16xf32>
        tpu.vector_store %arg20[%swap3A_669, %swap3A_670], %swap3A_673 {strides = array<i32>} : memref<64x64xf32, #tpu.memory_space<vmem>>, vector<1x16xf32>,
        %mul3A_674 = arith.constant 16 : i32
        %mul3A_675 = arith.muli %scan3A_110, %mul3A_674 : i32
        %add3A_676 = arith.constant 9 : i32
        %add3A_677 = arith.addi %mul3A_675, %add3A_676 : i32
        %slice3A_678 = vector.extract_strided_slice %div3A_118 {offsets = [9], sizes = [1], strides = [1]} : vector<16xf32> to vector<1xf32>
        %squeeze3A_679 = vector.extract %slice3A_678[0] : f32 from vector<1xf32>
        %get3A_680 = arith.index_cast %add3A_677 : i32 to index
        %get3A_681 = arith.constant 0 : index
        %get3A_682 = tpu.vector_load %arg20[%get3A_680, %get3A_681] {strides = array<i32>} : memref<64x64xf32, #tpu.memory_space<vmem>>, vector<1x16xf32>,
        %get3A_683 = vector.shape_cast %get3A_682 : vector<1x16xf32> to vector<16xf32>
        %mul3A_684 = vector.broadcast %squeeze3A_679 : f32 to vector<16xf32>
        %mul3A_685 = arith.mulf %get3A_683, %mul3A_684 : vector<16xf32>
        %max3A_686 = arith.constant 0.000000e+00 : f32
        %max3A_687 = vector.broadcast %max3A_686 : f32 to vector<16xf32>
        %max3A_688 = arith.maximumf %mul3A_685, %max3A_687 : vector<16xf32>
        %swap3A_689 = arith.index_cast %add3A_677 : i32 to index
        %swap3A_690 = arith.constant 0 : index
        %swap3A_691 = tpu.vector_load %arg20[%swap3A_689, %swap3A_690] {strides = array<i32>} : memref<64x64xf32, #tpu.memory_space<vmem>>, vector<1x16xf32>,
        %swap3A_692 = vector.shape_cast %swap3A_691 : vector<1x16xf32> to vector<16xf32>
        %swap3A_693 = vector.shape_cast %max3A_688 : vector<16xf32> to vector<1x16xf32>
        tpu.vector_store %arg20[%swap3A_689, %swap3A_690], %swap3A_693 {strides = array<i32>} : memref<64x64xf32, #tpu.memory_space<vmem>>, vector<1x16xf32>,
        %get3A_694 = arith.index_cast %add3A_677 : i32 to index
        %get3A_695 = arith.constant 16 : index
        %get3A_696 = tpu.vector_load %arg20[%get3A_694, %get3A_695] {strides = array<i32>} : memref<64x64xf32, #tpu.memory_space<vmem>>, vector<1x16xf32>,
        %get3A_697 = vector.shape_cast %get3A_696 : vector<1x16xf32> to vector<16xf32>
        %mul3A_698 = vector.broadcast %squeeze3A_679 : f32 to vector<16xf32>
        %mul3A_699 = arith.mulf %get3A_697, %mul3A_698 : vector<16xf32>
        %max3A_700 = arith.constant 0.000000e+00 : f32
        %max3A_701 = vector.broadcast %max3A_700 : f32 to vector<16xf32>
        %max3A_702 = arith.maximumf %mul3A_699, %max3A_701 : vector<16xf32>
        %swap3A_703 = arith.index_cast %add3A_677 : i32 to index
        %swap3A_704 = arith.constant 16 : index
        %swap3A_705 = tpu.vector_load %arg20[%swap3A_703, %swap3A_704] {strides = array<i32>} : memref<64x64xf32, #tpu.memory_space<vmem>>, vector<1x16xf32>,
        %swap3A_706 = vector.shape_cast %swap3A_705 : vector<1x16xf32> to vector<16xf32>
        %swap3A_707 = vector.shape_cast %max3A_702 : vector<16xf32> to vector<1x16xf32>
        tpu.vector_store %arg20[%swap3A_703, %swap3A_704], %swap3A_707 {strides = array<i32>} : memref<64x64xf32, #tpu.memory_space<vmem>>, vector<1x16xf32>,
        %get3A_708 = arith.index_cast %add3A_677 : i32 to index
        %get3A_709 = arith.constant 32 : index
        %get3A_710 = tpu.vector_load %arg20[%get3A_708, %get3A_709] {strides = array<i32>} : memref<64x64xf32, #tpu.memory_space<vmem>>, vector<1x16xf32>,
        %get3A_711 = vector.shape_cast %get3A_710 : vector<1x16xf32> to vector<16xf32>
        %mul3A_712 = vector.broadcast %squeeze3A_679 : f32 to vector<16xf32>
        %mul3A_713 = arith.mulf %get3A_711, %mul3A_712 : vector<16xf32>
        %max3A_714 = arith.constant 0.000000e+00 : f32
        %max3A_715 = vector.broadcast %max3A_714 : f32 to vector<16xf32>
        %max3A_716 = arith.maximumf %mul3A_713, %max3A_715 : vector<16xf32>
        %swap3A_717 = arith.index_cast %add3A_677 : i32 to index
        %swap3A_718 = arith.constant 32 : index
        %swap3A_719 = tpu.vector_load %arg20[%swap3A_717, %swap3A_718] {strides = array<i32>} : memref<64x64xf32, #tpu.memory_space<vmem>>, vector<1x16xf32>,
        %swap3A_720 = vector.shape_cast %swap3A_719 : vector<1x16xf32> to vector<16xf32>
        %swap3A_721 = vector.shape_cast %max3A_716 : vector<16xf32> to vector<1x16xf32>
        tpu.vector_store %arg20[%swap3A_717, %swap3A_718], %swap3A_721 {strides = array<i32>} : memref<64x64xf32, #tpu.memory_space<vmem>>, vector<1x16xf32>,
        %get3A_722 = arith.index_cast %add3A_677 : i32 to index
        %get3A_723 = arith.constant 48 : index
        %get3A_724 = tpu.vector_load %arg20[%get3A_722, %get3A_723] {strides = array<i32>} : memref<64x64xf32, #tpu.memory_space<vmem>>, vector<1x16xf32>,
        %get3A_725 = vector.shape_cast %get3A_724 : vector<1x16xf32> to vector<16xf32>
        %mul3A_726 = vector.broadcast %squeeze3A_679 : f32 to vector<16xf32>
        %mul3A_727 = arith.mulf %get3A_725, %mul3A_726 : vector<16xf32>
        %max3A_728 = arith.constant 0.000000e+00 : f32
        %max3A_729 = vector.broadcast %max3A_728 : f32 to vector<16xf32>
        %max3A_730 = arith.maximumf %mul3A_727, %max3A_729 : vector<16xf32>
        %swap3A_731 = arith.index_cast %add3A_677 : i32 to index
        %swap3A_732 = arith.constant 48 : index
        %swap3A_733 = tpu.vector_load %arg20[%swap3A_731, %swap3A_732] {strides = array<i32>} : memref<64x64xf32, #tpu.memory_space<vmem>>, vector<1x16xf32>,
        %swap3A_734 = vector.shape_cast %swap3A_733 : vector<1x16xf32> to vector<16xf32>
        %swap3A_735 = vector.shape_cast %max3A_730 : vector<16xf32> to vector<1x16xf32>
        tpu.vector_store %arg20[%swap3A_731, %swap3A_732], %swap3A_735 {strides = array<i32>} : memref<64x64xf32, #tpu.memory_space<vmem>>, vector<1x16xf32>,
        %mul3A_736 = arith.constant 16 : i32
        %mul3A_737 = arith.muli %scan3A_110, %mul3A_736 : i32
        %add3A_738 = arith.constant 10 : i32
        %add3A_739 = arith.addi %mul3A_737, %add3A_738 : i32
        %slice3A_740 = vector.extract_strided_slice %div3A_118 {offsets = [10], sizes = [1], strides = [1]} : vector<16xf32> to vector<1xf32>
        %squeeze3A_741 = vector.extract %slice3A_740[0] : f32 from vector<1xf32>
        %get3A_742 = arith.index_cast %add3A_739 : i32 to index
        %get3A_743 = arith.constant 0 : index
        %get3A_744 = tpu.vector_load %arg20[%get3A_742, %get3A_743] {strides = array<i32>} : memref<64x64xf32, #tpu.memory_space<vmem>>, vector<1x16xf32>,
        %get3A_745 = vector.shape_cast %get3A_744 : vector<1x16xf32> to vector<16xf32>
        %mul3A_746 = vector.broadcast %squeeze3A_741 : f32 to vector<16xf32>
        %mul3A_747 = arith.mulf %get3A_745, %mul3A_746 : vector<16xf32>
        %max3A_748 = arith.constant 0.000000e+00 : f32
        %max3A_749 = vector.broadcast %max3A_748 : f32 to vector<16xf32>
        %max3A_750 = arith.maximumf %mul3A_747, %max3A_749 : vector<16xf32>
        %swap3A_751 = arith.index_cast %add3A_739 : i32 to index
        %swap3A_752 = arith.constant 0 : index
        %swap3A_753 = tpu.vector_load %arg20[%swap3A_751, %swap3A_752] {strides = array<i32>} : memref<64x64xf32, #tpu.memory_space<vmem>>, vector<1x16xf32>,
        %swap3A_754 = vector.shape_cast %swap3A_753 : vector<1x16xf32> to vector<16xf32>
        %swap3A_755 = vector.shape_cast %max3A_750 : vector<16xf32> to vector<1x16xf32>
        tpu.vector_store %arg20[%swap3A_751, %swap3A_752], %swap3A_755 {strides = array<i32>} : memref<64x64xf32, #tpu.memory_space<vmem>>, vector<1x16xf32>,
        %get3A_756 = arith.index_cast %add3A_739 : i32 to index
        %get3A_757 = arith.constant 16 : index
        %get3A_758 = tpu.vector_load %arg20[%get3A_756, %get3A_757] {strides = array<i32>} : memref<64x64xf32, #tpu.memory_space<vmem>>, vector<1x16xf32>,
        %get3A_759 = vector.shape_cast %get3A_758 : vector<1x16xf32> to vector<16xf32>
        %mul3A_760 = vector.broadcast %squeeze3A_741 : f32 to vector<16xf32>
        %mul3A_761 = arith.mulf %get3A_759, %mul3A_760 : vector<16xf32>
        %max3A_762 = arith.constant 0.000000e+00 : f32
        %max3A_763 = vector.broadcast %max3A_762 : f32 to vector<16xf32>
        %max3A_764 = arith.maximumf %mul3A_761, %max3A_763 : vector<16xf32>
        %swap3A_765 = arith.index_cast %add3A_739 : i32 to index
        %swap3A_766 = arith.constant 16 : index
        %swap3A_767 = tpu.vector_load %arg20[%swap3A_765, %swap3A_766] {strides = array<i32>} : memref<64x64xf32, #tpu.memory_space<vmem>>, vector<1x16xf32>,
        %swap3A_768 = vector.shape_cast %swap3A_767 : vector<1x16xf32> to vector<16xf32>
        %swap3A_769 = vector.shape_cast %max3A_764 : vector<16xf32> to vector<1x16xf32>
        tpu.vector_store %arg20[%swap3A_765, %swap3A_766], %swap3A_769 {strides = array<i32>} : memref<64x64xf32, #tpu.memory_space<vmem>>, vector<1x16xf32>,
        %get3A_770 = arith.index_cast %add3A_739 : i32 to index
        %get3A_771 = arith.constant 32 : index
        %get3A_772 = tpu.vector_load %arg20[%get3A_770, %get3A_771] {strides = array<i32>} : memref<64x64xf32, #tpu.memory_space<vmem>>, vector<1x16xf32>,
        %get3A_773 = vector.shape_cast %get3A_772 : vector<1x16xf32> to vector<16xf32>
        %mul3A_774 = vector.broadcast %squeeze3A_741 : f32 to vector<16xf32>
        %mul3A_775 = arith.mulf %get3A_773, %mul3A_774 : vector<16xf32>
        %max3A_776 = arith.constant 0.000000e+00 : f32
        %max3A_777 = vector.broadcast %max3A_776 : f32 to vector<16xf32>
        %max3A_778 = arith.maximumf %mul3A_775, %max3A_777 : vector<16xf32>
        %swap3A_779 = arith.index_cast %add3A_739 : i32 to index
        %swap3A_780 = arith.constant 32 : index
        %swap3A_781 = tpu.vector_load %arg20[%swap3A_779, %swap3A_780] {strides = array<i32>} : memref<64x64xf32, #tpu.memory_space<vmem>>, vector<1x16xf32>,
        %swap3A_782 = vector.shape_cast %swap3A_781 : vector<1x16xf32> to vector<16xf32>
        %swap3A_783 = vector.shape_cast %max3A_778 : vector<16xf32> to vector<1x16xf32>
        tpu.vector_store %arg20[%swap3A_779, %swap3A_780], %swap3A_783 {strides = array<i32>} : memref<64x64xf32, #tpu.memory_space<vmem>>, vector<1x16xf32>,
        %get3A_784 = arith.index_cast %add3A_739 : i32 to index
        %get3A_785 = arith.constant 48 : index
        %get3A_786 = tpu.vector_load %arg20[%get3A_784, %get3A_785] {strides = array<i32>} : memref<64x64xf32, #tpu.memory_space<vmem>>, vector<1x16xf32>,
        %get3A_787 = vector.shape_cast %get3A_786 : vector<1x16xf32> to vector<16xf32>
        %mul3A_788 = vector.broadcast %squeeze3A_741 : f32 to vector<16xf32>
        %mul3A_789 = arith.mulf %get3A_787, %mul3A_788 : vector<16xf32>
        %max3A_790 = arith.constant 0.000000e+00 : f32
        %max3A_791 = vector.broadcast %max3A_790 : f32 to vector<16xf32>
        %max3A_792 = arith.maximumf %mul3A_789, %max3A_791 : vector<16xf32>
        %swap3A_793 = arith.index_cast %add3A_739 : i32 to index
        %swap3A_794 = arith.constant 48 : index
        %swap3A_795 = tpu.vector_load %arg20[%swap3A_793, %swap3A_794] {strides = array<i32>} : memref<64x64xf32, #tpu.memory_space<vmem>>, vector<1x16xf32>,
        %swap3A_796 = vector.shape_cast %swap3A_795 : vector<1x16xf32> to vector<16xf32>
        %swap3A_797 = vector.shape_cast %max3A_792 : vector<16xf32> to vector<1x16xf32>
        tpu.vector_store %arg20[%swap3A_793, %swap3A_794], %swap3A_797 {strides = array<i32>} : memref<64x64xf32, #tpu.memory_space<vmem>>, vector<1x16xf32>,
        %mul3A_798 = arith.constant 16 : i32
        %mul3A_799 = arith.muli %scan3A_110, %mul3A_798 : i32
        %add3A_800 = arith.constant 11 : i32
        %add3A_801 = arith.addi %mul3A_799, %add3A_800 : i32
        %slice3A_802 = vector.extract_strided_slice %div3A_118 {offsets = [11], sizes = [1], strides = [1]} : vector<16xf32> to vector<1xf32>
        %squeeze3A_803 = vector.extract %slice3A_802[0] : f32 from vector<1xf32>
        %get3A_804 = arith.index_cast %add3A_801 : i32 to index
        %get3A_805 = arith.constant 0 : index
        %get3A_806 = tpu.vector_load %arg20[%get3A_804, %get3A_805] {strides = array<i32>} : memref<64x64xf32, #tpu.memory_space<vmem>>, vector<1x16xf32>,
        %get3A_807 = vector.shape_cast %get3A_806 : vector<1x16xf32> to vector<16xf32>
        %mul3A_808 = vector.broadcast %squeeze3A_803 : f32 to vector<16xf32>
        %mul3A_809 = arith.mulf %get3A_807, %mul3A_808 : vector<16xf32>
        %max3A_810 = arith.constant 0.000000e+00 : f32
        %max3A_811 = vector.broadcast %max3A_810 : f32 to vector<16xf32>
        %max3A_812 = arith.maximumf %mul3A_809, %max3A_811 : vector<16xf32>
        %swap3A_813 = arith.index_cast %add3A_801 : i32 to index
        %swap3A_814 = arith.constant 0 : index
        %swap3A_815 = tpu.vector_load %arg20[%swap3A_813, %swap3A_814] {strides = array<i32>} : memref<64x64xf32, #tpu.memory_space<vmem>>, vector<1x16xf32>,
        %swap3A_816 = vector.shape_cast %swap3A_815 : vector<1x16xf32> to vector<16xf32>
        %swap3A_817 = vector.shape_cast %max3A_812 : vector<16xf32> to vector<1x16xf32>
        tpu.vector_store %arg20[%swap3A_813, %swap3A_814], %swap3A_817 {strides = array<i32>} : memref<64x64xf32, #tpu.memory_space<vmem>>, vector<1x16xf32>,
        %get3A_818 = arith.index_cast %add3A_801 : i32 to index
        %get3A_819 = arith.constant 16 : index
        %get3A_820 = tpu.vector_load %arg20[%get3A_818, %get3A_819] {strides = array<i32>} : memref<64x64xf32, #tpu.memory_space<vmem>>, vector<1x16xf32>,
        %get3A_821 = vector.shape_cast %get3A_820 : vector<1x16xf32> to vector<16xf32>
        %mul3A_822 = vector.broadcast %squeeze3A_803 : f32 to vector<16xf32>
        %mul3A_823 = arith.mulf %get3A_821, %mul3A_822 : vector<16xf32>
        %max3A_824 = arith.constant 0.000000e+00 : f32
        %max3A_825 = vector.broadcast %max3A_824 : f32 to vector<16xf32>
        %max3A_826 = arith.maximumf %mul3A_823, %max3A_825 : vector<16xf32>
        %swap3A_827 = arith.index_cast %add3A_801 : i32 to index
        %swap3A_828 = arith.constant 16 : index
        %swap3A_829 = tpu.vector_load %arg20[%swap3A_827, %swap3A_828] {strides = array<i32>} : memref<64x64xf32, #tpu.memory_space<vmem>>, vector<1x16xf32>,
        %swap3A_830 = vector.shape_cast %swap3A_829 : vector<1x16xf32> to vector<16xf32>
        %swap3A_831 = vector.shape_cast %max3A_826 : vector<16xf32> to vector<1x16xf32>
        tpu.vector_store %arg20[%swap3A_827, %swap3A_828], %swap3A_831 {strides = array<i32>} : memref<64x64xf32, #tpu.memory_space<vmem>>, vector<1x16xf32>,
        %get3A_832 = arith.index_cast %add3A_801 : i32 to index
        %get3A_833 = arith.constant 32 : index
        %get3A_834 = tpu.vector_load %arg20[%get3A_832, %get3A_833] {strides = array<i32>} : memref<64x64xf32, #tpu.memory_space<vmem>>, vector<1x16xf32>,
        %get3A_835 = vector.shape_cast %get3A_834 : vector<1x16xf32> to vector<16xf32>
        %mul3A_836 = vector.broadcast %squeeze3A_803 : f32 to vector<16xf32>
        %mul3A_837 = arith.mulf %get3A_835, %mul3A_836 : vector<16xf32>
        %max3A_838 = arith.constant 0.000000e+00 : f32
        %max3A_839 = vector.broadcast %max3A_838 : f32 to vector<16xf32>
        %max3A_840 = arith.maximumf %mul3A_837, %max3A_839 : vector<16xf32>
        %swap3A_841 = arith.index_cast %add3A_801 : i32 to index
        %swap3A_842 = arith.constant 32 : index
        %swap3A_843 = tpu.vector_load %arg20[%swap3A_841, %swap3A_842] {strides = array<i32>} : memref<64x64xf32, #tpu.memory_space<vmem>>, vector<1x16xf32>,
        %swap3A_844 = vector.shape_cast %swap3A_843 : vector<1x16xf32> to vector<16xf32>
        %swap3A_845 = vector.shape_cast %max3A_840 : vector<16xf32> to vector<1x16xf32>
        tpu.vector_store %arg20[%swap3A_841, %swap3A_842], %swap3A_845 {strides = array<i32>} : memref<64x64xf32, #tpu.memory_space<vmem>>, vector<1x16xf32>,
        %get3A_846 = arith.index_cast %add3A_801 : i32 to index
        %get3A_847 = arith.constant 48 : index
        %get3A_848 = tpu.vector_load %arg20[%get3A_846, %get3A_847] {strides = array<i32>} : memref<64x64xf32, #tpu.memory_space<vmem>>, vector<1x16xf32>,
        %get3A_849 = vector.shape_cast %get3A_848 : vector<1x16xf32> to vector<16xf32>
        %mul3A_850 = vector.broadcast %squeeze3A_803 : f32 to vector<16xf32>
        %mul3A_851 = arith.mulf %get3A_849, %mul3A_850 : vector<16xf32>
        %max3A_852 = arith.constant 0.000000e+00 : f32
        %max3A_853 = vector.broadcast %max3A_852 : f32 to vector<16xf32>
        %max3A_854 = arith.maximumf %mul3A_851, %max3A_853 : vector<16xf32>
        %swap3A_855 = arith.index_cast %add3A_801 : i32 to index
        %swap3A_856 = arith.constant 48 : index
        %swap3A_857 = tpu.vector_load %arg20[%swap3A_855, %swap3A_856] {strides = array<i32>} : memref<64x64xf32, #tpu.memory_space<vmem>>, vector<1x16xf32>,
        %swap3A_858 = vector.shape_cast %swap3A_857 : vector<1x16xf32> to vector<16xf32>
        %swap3A_859 = vector.shape_cast %max3A_854 : vector<16xf32> to vector<1x16xf32>
        tpu.vector_store %arg20[%swap3A_855, %swap3A_856], %swap3A_859 {strides = array<i32>} : memref<64x64xf32, #tpu.memory_space<vmem>>, vector<1x16xf32>,
        %mul3A_860 = arith.constant 16 : i32
        %mul3A_861 = arith.muli %scan3A_110, %mul3A_860 : i32
        %add3A_862 = arith.constant 12 : i32
        %add3A_863 = arith.addi %mul3A_861, %add3A_862 : i32
        %slice3A_864 = vector.extract_strided_slice %div3A_118 {offsets = [12], sizes = [1], strides = [1]} : vector<16xf32> to vector<1xf32>
        %squeeze3A_865 = vector.extract %slice3A_864[0] : f32 from vector<1xf32>
        %get3A_866 = arith.index_cast %add3A_863 : i32 to index
        %get3A_867 = arith.constant 0 : index
        %get3A_868 = tpu.vector_load %arg20[%get3A_866, %get3A_867] {strides = array<i32>} : memref<64x64xf32, #tpu.memory_space<vmem>>, vector<1x16xf32>,
        %get3A_869 = vector.shape_cast %get3A_868 : vector<1x16xf32> to vector<16xf32>
        %mul3A_870 = vector.broadcast %squeeze3A_865 : f32 to vector<16xf32>
        %mul3A_871 = arith.mulf %get3A_869, %mul3A_870 : vector<16xf32>
        %max3A_872 = arith.constant 0.000000e+00 : f32
        %max3A_873 = vector.broadcast %max3A_872 : f32 to vector<16xf32>
        %max3A_874 = arith.maximumf %mul3A_871, %max3A_873 : vector<16xf32>
        %swap3A_875 = arith.index_cast %add3A_863 : i32 to index
        %swap3A_876 = arith.constant 0 : index
        %swap3A_877 = tpu.vector_load %arg20[%swap3A_875, %swap3A_876] {strides = array<i32>} : memref<64x64xf32, #tpu.memory_space<vmem>>, vector<1x16xf32>,
        %swap3A_878 = vector.shape_cast %swap3A_877 : vector<1x16xf32> to vector<16xf32>
        %swap3A_879 = vector.shape_cast %max3A_874 : vector<16xf32> to vector<1x16xf32>
        tpu.vector_store %arg20[%swap3A_875, %swap3A_876], %swap3A_879 {strides = array<i32>} : memref<64x64xf32, #tpu.memory_space<vmem>>, vector<1x16xf32>,
        %get3A_880 = arith.index_cast %add3A_863 : i32 to index
        %get3A_881 = arith.constant 16 : index
        %get3A_882 = tpu.vector_load %arg20[%get3A_880, %get3A_881] {strides = array<i32>} : memref<64x64xf32, #tpu.memory_space<vmem>>, vector<1x16xf32>,
        %get3A_883 = vector.shape_cast %get3A_882 : vector<1x16xf32> to vector<16xf32>
        %mul3A_884 = vector.broadcast %squeeze3A_865 : f32 to vector<16xf32>
        %mul3A_885 = arith.mulf %get3A_883, %mul3A_884 : vector<16xf32>
        %max3A_886 = arith.constant 0.000000e+00 : f32
        %max3A_887 = vector.broadcast %max3A_886 : f32 to vector<16xf32>
        %max3A_888 = arith.maximumf %mul3A_885, %max3A_887 : vector<16xf32>
        %swap3A_889 = arith.index_cast %add3A_863 : i32 to index
        %swap3A_890 = arith.constant 16 : index
        %swap3A_891 = tpu.vector_load %arg20[%swap3A_889, %swap3A_890] {strides = array<i32>} : memref<64x64xf32, #tpu.memory_space<vmem>>, vector<1x16xf32>,
        %swap3A_892 = vector.shape_cast %swap3A_891 : vector<1x16xf32> to vector<16xf32>
        %swap3A_893 = vector.shape_cast %max3A_888 : vector<16xf32> to vector<1x16xf32>
        tpu.vector_store %arg20[%swap3A_889, %swap3A_890], %swap3A_893 {strides = array<i32>} : memref<64x64xf32, #tpu.memory_space<vmem>>, vector<1x16xf32>,
        %get3A_894 = arith.index_cast %add3A_863 : i32 to index
        %get3A_895 = arith.constant 32 : index
        %get3A_896 = tpu.vector_load %arg20[%get3A_894, %get3A_895] {strides = array<i32>} : memref<64x64xf32, #tpu.memory_space<vmem>>, vector<1x16xf32>,
        %get3A_897 = vector.shape_cast %get3A_896 : vector<1x16xf32> to vector<16xf32>
        %mul3A_898 = vector.broadcast %squeeze3A_865 : f32 to vector<16xf32>
        %mul3A_899 = arith.mulf %get3A_897, %mul3A_898 : vector<16xf32>
        %max3A_900 = arith.constant 0.000000e+00 : f32
        %max3A_901 = vector.broadcast %max3A_900 : f32 to vector<16xf32>
        %max3A_902 = arith.maximumf %mul3A_899, %max3A_901 : vector<16xf32>
        %swap3A_903 = arith.index_cast %add3A_863 : i32 to index
        %swap3A_904 = arith.constant 32 : index
        %swap3A_905 = tpu.vector_load %arg20[%swap3A_903, %swap3A_904] {strides = array<i32>} : memref<64x64xf32, #tpu.memory_space<vmem>>, vector<1x16xf32>,
        %swap3A_906 = vector.shape_cast %swap3A_905 : vector<1x16xf32> to vector<16xf32>
        %swap3A_907 = vector.shape_cast %max3A_902 : vector<16xf32> to vector<1x16xf32>
        tpu.vector_store %arg20[%swap3A_903, %swap3A_904], %swap3A_907 {strides = array<i32>} : memref<64x64xf32, #tpu.memory_space<vmem>>, vector<1x16xf32>,
        %get3A_908 = arith.index_cast %add3A_863 : i32 to index
        %get3A_909 = arith.constant 48 : index
        %get3A_910 = tpu.vector_load %arg20[%get3A_908, %get3A_909] {strides = array<i32>} : memref<64x64xf32, #tpu.memory_space<vmem>>, vector<1x16xf32>,
        %get3A_911 = vector.shape_cast %get3A_910 : vector<1x16xf32> to vector<16xf32>
        %mul3A_912 = vector.broadcast %squeeze3A_865 : f32 to vector<16xf32>
        %mul3A_913 = arith.mulf %get3A_911, %mul3A_912 : vector<16xf32>
        %max3A_914 = arith.constant 0.000000e+00 : f32
        %max3A_915 = vector.broadcast %max3A_914 : f32 to vector<16xf32>
        %max3A_916 = arith.maximumf %mul3A_913, %max3A_915 : vector<16xf32>
        %swap3A_917 = arith.index_cast %add3A_863 : i32 to index
        %swap3A_918 = arith.constant 48 : index
        %swap3A_919 = tpu.vector_load %arg20[%swap3A_917, %swap3A_918] {strides = array<i32>} : memref<64x64xf32, #tpu.memory_space<vmem>>, vector<1x16xf32>,
        %swap3A_920 = vector.shape_cast %swap3A_919 : vector<1x16xf32> to vector<16xf32>
        %swap3A_921 = vector.shape_cast %max3A_916 : vector<16xf32> to vector<1x16xf32>
        tpu.vector_store %arg20[%swap3A_917, %swap3A_918], %swap3A_921 {strides = array<i32>} : memref<64x64xf32, #tpu.memory_space<vmem>>, vector<1x16xf32>,
        %mul3A_922 = arith.constant 16 : i32
        %mul3A_923 = arith.muli %scan3A_110, %mul3A_922 : i32
        %add3A_924 = arith.constant 13 : i32
        %add3A_925 = arith.addi %mul3A_923, %add3A_924 : i32
        %slice3A_926 = vector.extract_strided_slice %div3A_118 {offsets = [13], sizes = [1], strides = [1]} : vector<16xf32> to vector<1xf32>
        %squeeze3A_927 = vector.extract %slice3A_926[0] : f32 from vector<1xf32>
        %get3A_928 = arith.index_cast %add3A_925 : i32 to index
        %get3A_929 = arith.constant 0 : index
        %get3A_930 = tpu.vector_load %arg20[%get3A_928, %get3A_929] {strides = array<i32>} : memref<64x64xf32, #tpu.memory_space<vmem>>, vector<1x16xf32>,
        %get3A_931 = vector.shape_cast %get3A_930 : vector<1x16xf32> to vector<16xf32>
        %mul3A_932 = vector.broadcast %squeeze3A_927 : f32 to vector<16xf32>
        %mul3A_933 = arith.mulf %get3A_931, %mul3A_932 : vector<16xf32>
        %max3A_934 = arith.constant 0.000000e+00 : f32
        %max3A_935 = vector.broadcast %max3A_934 : f32 to vector<16xf32>
        %max3A_936 = arith.maximumf %mul3A_933, %max3A_935 : vector<16xf32>
        %swap3A_937 = arith.index_cast %add3A_925 : i32 to index
        %swap3A_938 = arith.constant 0 : index
        %swap3A_939 = tpu.vector_load %arg20[%swap3A_937, %swap3A_938] {strides = array<i32>} : memref<64x64xf32, #tpu.memory_space<vmem>>, vector<1x16xf32>,
        %swap3A_940 = vector.shape_cast %swap3A_939 : vector<1x16xf32> to vector<16xf32>
        %swap3A_941 = vector.shape_cast %max3A_936 : vector<16xf32> to vector<1x16xf32>
        tpu.vector_store %arg20[%swap3A_937, %swap3A_938], %swap3A_941 {strides = array<i32>} : memref<64x64xf32, #tpu.memory_space<vmem>>, vector<1x16xf32>,
        %get3A_942 = arith.index_cast %add3A_925 : i32 to index
        %get3A_943 = arith.constant 16 : index
        %get3A_944 = tpu.vector_load %arg20[%get3A_942, %get3A_943] {strides = array<i32>} : memref<64x64xf32, #tpu.memory_space<vmem>>, vector<1x16xf32>,
        %get3A_945 = vector.shape_cast %get3A_944 : vector<1x16xf32> to vector<16xf32>
        %mul3A_946 = vector.broadcast %squeeze3A_927 : f32 to vector<16xf32>
        %mul3A_947 = arith.mulf %get3A_945, %mul3A_946 : vector<16xf32>
        %max3A_948 = arith.constant 0.000000e+00 : f32
        %max3A_949 = vector.broadcast %max3A_948 : f32 to vector<16xf32>
        %max3A_950 = arith.maximumf %mul3A_947, %max3A_949 : vector<16xf32>
        %swap3A_951 = arith.index_cast %add3A_925 : i32 to index
        %swap3A_952 = arith.constant 16 : index
        %swap3A_953 = tpu.vector_load %arg20[%swap3A_951, %swap3A_952] {strides = array<i32>} : memref<64x64xf32, #tpu.memory_space<vmem>>, vector<1x16xf32>,
        %swap3A_954 = vector.shape_cast %swap3A_953 : vector<1x16xf32> to vector<16xf32>
        %swap3A_955 = vector.shape_cast %max3A_950 : vector<16xf32> to vector<1x16xf32>
        tpu.vector_store %arg20[%swap3A_951, %swap3A_952], %swap3A_955 {strides = array<i32>} : memref<64x64xf32, #tpu.memory_space<vmem>>, vector<1x16xf32>,
        %get3A_956 = arith.index_cast %add3A_925 : i32 to index
        %get3A_957 = arith.constant 32 : index
        %get3A_958 = tpu.vector_load %arg20[%get3A_956, %get3A_957] {strides = array<i32>} : memref<64x64xf32, #tpu.memory_space<vmem>>, vector<1x16xf32>,
        %get3A_959 = vector.shape_cast %get3A_958 : vector<1x16xf32> to vector<16xf32>
        %mul3A_960 = vector.broadcast %squeeze3A_927 : f32 to vector<16xf32>
        %mul3A_961 = arith.mulf %get3A_959, %mul3A_960 : vector<16xf32>
        %max3A_962 = arith.constant 0.000000e+00 : f32
        %max3A_963 = vector.broadcast %max3A_962 : f32 to vector<16xf32>
        %max3A_964 = arith.maximumf %mul3A_961, %max3A_963 : vector<16xf32>
        %swap3A_965 = arith.index_cast %add3A_925 : i32 to index
        %swap3A_966 = arith.constant 32 : index
        %swap3A_967 = tpu.vector_load %arg20[%swap3A_965, %swap3A_966] {strides = array<i32>} : memref<64x64xf32, #tpu.memory_space<vmem>>, vector<1x16xf32>,
        %swap3A_968 = vector.shape_cast %swap3A_967 : vector<1x16xf32> to vector<16xf32>
        %swap3A_969 = vector.shape_cast %max3A_964 : vector<16xf32> to vector<1x16xf32>
        tpu.vector_store %arg20[%swap3A_965, %swap3A_966], %swap3A_969 {strides = array<i32>} : memref<64x64xf32, #tpu.memory_space<vmem>>, vector<1x16xf32>,
        %get3A_970 = arith.index_cast %add3A_925 : i32 to index
        %get3A_971 = arith.constant 48 : index
        %get3A_972 = tpu.vector_load %arg20[%get3A_970, %get3A_971] {strides = array<i32>} : memref<64x64xf32, #tpu.memory_space<vmem>>, vector<1x16xf32>,
        %get3A_973 = vector.shape_cast %get3A_972 : vector<1x16xf32> to vector<16xf32>
        %mul3A_974 = vector.broadcast %squeeze3A_927 : f32 to vector<16xf32>
        %mul3A_975 = arith.mulf %get3A_973, %mul3A_974 : vector<16xf32>
        %max3A_976 = arith.constant 0.000000e+00 : f32
        %max3A_977 = vector.broadcast %max3A_976 : f32 to vector<16xf32>
        %max3A_978 = arith.maximumf %mul3A_975, %max3A_977 : vector<16xf32>
        %swap3A_979 = arith.index_cast %add3A_925 : i32 to index
        %swap3A_980 = arith.constant 48 : index
        %swap3A_981 = tpu.vector_load %arg20[%swap3A_979, %swap3A_980] {strides = array<i32>} : memref<64x64xf32, #tpu.memory_space<vmem>>, vector<1x16xf32>,
        %swap3A_982 = vector.shape_cast %swap3A_981 : vector<1x16xf32> to vector<16xf32>
        %swap3A_983 = vector.shape_cast %max3A_978 : vector<16xf32> to vector<1x16xf32>
        tpu.vector_store %arg20[%swap3A_979, %swap3A_980], %swap3A_983 {strides = array<i32>} : memref<64x64xf32, #tpu.memory_space<vmem>>, vector<1x16xf32>,
        %mul3A_984 = arith.constant 16 : i32
        %mul3A_985 = arith.muli %scan3A_110, %mul3A_984 : i32
        %add3A_986 = arith.constant 14 : i32
        %add3A_987 = arith.addi %mul3A_985, %add3A_986 : i32
        %slice3A_988 = vector.extract_strided_slice %div3A_118 {offsets = [14], sizes = [1], strides = [1]} : vector<16xf32> to vector<1xf32>
        %squeeze3A_989 = vector.extract %slice3A_988[0] : f32 from vector<1xf32>
        %get3A_990 = arith.index_cast %add3A_987 : i32 to index
        %get3A_991 = arith.constant 0 : index
        %get3A_992 = tpu.vector_load %arg20[%get3A_990, %get3A_991] {strides = array<i32>} : memref<64x64xf32, #tpu.memory_space<vmem>>, vector<1x16xf32>,
        %get3A_993 = vector.shape_cast %get3A_992 : vector<1x16xf32> to vector<16xf32>
        %mul3A_994 = vector.broadcast %squeeze3A_989 : f32 to vector<16xf32>
        %mul3A_995 = arith.mulf %get3A_993, %mul3A_994 : vector<16xf32>
        %max3A_996 = arith.constant 0.000000e+00 : f32
        %max3A_997 = vector.broadcast %max3A_996 : f32 to vector<16xf32>
        %max3A_998 = arith.maximumf %mul3A_995, %max3A_997 : vector<16xf32>
        %swap3A_999 = arith.index_cast %add3A_987 : i32 to index
        %swap3A_1000 = arith.constant 0 : index
        %swap3A_1001 = tpu.vector_load %arg20[%swap3A_999, %swap3A_1000] {strides = array<i32>} : memref<64x64xf32, #tpu.memory_space<vmem>>, vector<1x16xf32>,
        %swap3A_1002 = vector.shape_cast %swap3A_1001 : vector<1x16xf32> to vector<16xf32>
        %swap3A_1003 = vector.shape_cast %max3A_998 : vector<16xf32> to vector<1x16xf32>
        tpu.vector_store %arg20[%swap3A_999, %swap3A_1000], %swap3A_1003 {strides = array<i32>} : memref<64x64xf32, #tpu.memory_space<vmem>>, vector<1x16xf32>,
        %get3A_1004 = arith.index_cast %add3A_987 : i32 to index
        %get3A_1005 = arith.constant 16 : index
        %get3A_1006 = tpu.vector_load %arg20[%get3A_1004, %get3A_1005] {strides = array<i32>} : memref<64x64xf32, #tpu.memory_space<vmem>>, vector<1x16xf32>,
        %get3A_1007 = vector.shape_cast %get3A_1006 : vector<1x16xf32> to vector<16xf32>
        %mul3A_1008 = vector.broadcast %squeeze3A_989 : f32 to vector<16xf32>
        %mul3A_1009 = arith.mulf %get3A_1007, %mul3A_1008 : vector<16xf32>
        %max3A_1010 = arith.constant 0.000000e+00 : f32
        %max3A_1011 = vector.broadcast %max3A_1010 : f32 to vector<16xf32>
        %max3A_1012 = arith.maximumf %mul3A_1009, %max3A_1011 : vector<16xf32>
        %swap3A_1013 = arith.index_cast %add3A_987 : i32 to index
        %swap3A_1014 = arith.constant 16 : index
        %swap3A_1015 = tpu.vector_load %arg20[%swap3A_1013, %swap3A_1014] {strides = array<i32>} : memref<64x64xf32, #tpu.memory_space<vmem>>, vector<1x16xf32>,
        %swap3A_1016 = vector.shape_cast %swap3A_1015 : vector<1x16xf32> to vector<16xf32>
        %swap3A_1017 = vector.shape_cast %max3A_1012 : vector<16xf32> to vector<1x16xf32>
        tpu.vector_store %arg20[%swap3A_1013, %swap3A_1014], %swap3A_1017 {strides = array<i32>} : memref<64x64xf32, #tpu.memory_space<vmem>>, vector<1x16xf32>,
        %get3A_1018 = arith.index_cast %add3A_987 : i32 to index
        %get3A_1019 = arith.constant 32 : index
        %get3A_1020 = tpu.vector_load %arg20[%get3A_1018, %get3A_1019] {strides = array<i32>} : memref<64x64xf32, #tpu.memory_space<vmem>>, vector<1x16xf32>,
        %get3A_1021 = vector.shape_cast %get3A_1020 : vector<1x16xf32> to vector<16xf32>
        %mul3A_1022 = vector.broadcast %squeeze3A_989 : f32 to vector<16xf32>
        %mul3A_1023 = arith.mulf %get3A_1021, %mul3A_1022 : vector<16xf32>
        %max3A_1024 = arith.constant 0.000000e+00 : f32
        %max3A_1025 = vector.broadcast %max3A_1024 : f32 to vector<16xf32>
        %max3A_1026 = arith.maximumf %mul3A_1023, %max3A_1025 : vector<16xf32>
        %swap3A_1027 = arith.index_cast %add3A_987 : i32 to index
        %swap3A_1028 = arith.constant 32 : index
        %swap3A_1029 = tpu.vector_load %arg20[%swap3A_1027, %swap3A_1028] {strides = array<i32>} : memref<64x64xf32, #tpu.memory_space<vmem>>, vector<1x16xf32>,
        %swap3A_1030 = vector.shape_cast %swap3A_1029 : vector<1x16xf32> to vector<16xf32>
        %swap3A_1031 = vector.shape_cast %max3A_1026 : vector<16xf32> to vector<1x16xf32>
        tpu.vector_store %arg20[%swap3A_1027, %swap3A_1028], %swap3A_1031 {strides = array<i32>} : memref<64x64xf32, #tpu.memory_space<vmem>>, vector<1x16xf32>,
        %get3A_1032 = arith.index_cast %add3A_987 : i32 to index
        %get3A_1033 = arith.constant 48 : index
        %get3A_1034 = tpu.vector_load %arg20[%get3A_1032, %get3A_1033] {strides = array<i32>} : memref<64x64xf32, #tpu.memory_space<vmem>>, vector<1x16xf32>,
        %get3A_1035 = vector.shape_cast %get3A_1034 : vector<1x16xf32> to vector<16xf32>
        %mul3A_1036 = vector.broadcast %squeeze3A_989 : f32 to vector<16xf32>
        %mul3A_1037 = arith.mulf %get3A_1035, %mul3A_1036 : vector<16xf32>
        %max3A_1038 = arith.constant 0.000000e+00 : f32
        %max3A_1039 = vector.broadcast %max3A_1038 : f32 to vector<16xf32>
        %max3A_1040 = arith.maximumf %mul3A_1037, %max3A_1039 : vector<16xf32>
        %swap3A_1041 = arith.index_cast %add3A_987 : i32 to index
        %swap3A_1042 = arith.constant 48 : index
        %swap3A_1043 = tpu.vector_load %arg20[%swap3A_1041, %swap3A_1042] {strides = array<i32>} : memref<64x64xf32, #tpu.memory_space<vmem>>, vector<1x16xf32>,
        %swap3A_1044 = vector.shape_cast %swap3A_1043 : vector<1x16xf32> to vector<16xf32>
        %swap3A_1045 = vector.shape_cast %max3A_1040 : vector<16xf32> to vector<1x16xf32>
        tpu.vector_store %arg20[%swap3A_1041, %swap3A_1042], %swap3A_1045 {strides = array<i32>} : memref<64x64xf32, #tpu.memory_space<vmem>>, vector<1x16xf32>,
        %mul3A_1046 = arith.constant 16 : i32
        %mul3A_1047 = arith.muli %scan3A_110, %mul3A_1046 : i32
        %add3A_1048 = arith.constant 15 : i32
        %add3A_1049 = arith.addi %mul3A_1047, %add3A_1048 : i32
        %slice3A_1050 = vector.extract_strided_slice %div3A_118 {offsets = [15], sizes = [1], strides = [1]} : vector<16xf32> to vector<1xf32>
        %squeeze3A_1051 = vector.extract %slice3A_1050[0] : f32 from vector<1xf32>
        %get3A_1052 = arith.index_cast %add3A_1049 : i32 to index
        %get3A_1053 = arith.constant 0 : index
        %get3A_1054 = tpu.vector_load %arg20[%get3A_1052, %get3A_1053] {strides = array<i32>} : memref<64x64xf32, #tpu.memory_space<vmem>>, vector<1x16xf32>,
        %get3A_1055 = vector.shape_cast %get3A_1054 : vector<1x16xf32> to vector<16xf32>
        %mul3A_1056 = vector.broadcast %squeeze3A_1051 : f32 to vector<16xf32>
        %mul3A_1057 = arith.mulf %get3A_1055, %mul3A_1056 : vector<16xf32>
        %max3A_1058 = arith.constant 0.000000e+00 : f32
        %max3A_1059 = vector.broadcast %max3A_1058 : f32 to vector<16xf32>
        %max3A_1060 = arith.maximumf %mul3A_1057, %max3A_1059 : vector<16xf32>
        %swap3A_1061 = arith.index_cast %add3A_1049 : i32 to index
        %swap3A_1062 = arith.constant 0 : index
        %swap3A_1063 = tpu.vector_load %arg20[%swap3A_1061, %swap3A_1062] {strides = array<i32>} : memref<64x64xf32, #tpu.memory_space<vmem>>, vector<1x16xf32>,
        %swap3A_1064 = vector.shape_cast %swap3A_1063 : vector<1x16xf32> to vector<16xf32>
        %swap3A_1065 = vector.shape_cast %max3A_1060 : vector<16xf32> to vector<1x16xf32>
        tpu.vector_store %arg20[%swap3A_1061, %swap3A_1062], %swap3A_1065 {strides = array<i32>} : memref<64x64xf32, #tpu.memory_space<vmem>>, vector<1x16xf32>,
        %get3A_1066 = arith.index_cast %add3A_1049 : i32 to index
        %get3A_1067 = arith.constant 16 : index
        %get3A_1068 = tpu.vector_load %arg20[%get3A_1066, %get3A_1067] {strides = array<i32>} : memref<64x64xf32, #tpu.memory_space<vmem>>, vector<1x16xf32>,
        %get3A_1069 = vector.shape_cast %get3A_1068 : vector<1x16xf32> to vector<16xf32>
        %mul3A_1070 = vector.broadcast %squeeze3A_1051 : f32 to vector<16xf32>
        %mul3A_1071 = arith.mulf %get3A_1069, %mul3A_1070 : vector<16xf32>
        %max3A_1072 = arith.constant 0.000000e+00 : f32
        %max3A_1073 = vector.broadcast %max3A_1072 : f32 to vector<16xf32>
        %max3A_1074 = arith.maximumf %mul3A_1071, %max3A_1073 : vector<16xf32>
        %swap3A_1075 = arith.index_cast %add3A_1049 : i32 to index
        %swap3A_1076 = arith.constant 16 : index
        %swap3A_1077 = tpu.vector_load %arg20[%swap3A_1075, %swap3A_1076] {strides = array<i32>} : memref<64x64xf32, #tpu.memory_space<vmem>>, vector<1x16xf32>,
        %swap3A_1078 = vector.shape_cast %swap3A_1077 : vector<1x16xf32> to vector<16xf32>
        %swap3A_1079 = vector.shape_cast %max3A_1074 : vector<16xf32> to vector<1x16xf32>
        tpu.vector_store %arg20[%swap3A_1075, %swap3A_1076], %swap3A_1079 {strides = array<i32>} : memref<64x64xf32, #tpu.memory_space<vmem>>, vector<1x16xf32>,
        %get3A_1080 = arith.index_cast %add3A_1049 : i32 to index
        %get3A_1081 = arith.constant 32 : index
        %get3A_1082 = tpu.vector_load %arg20[%get3A_1080, %get3A_1081] {strides = array<i32>} : memref<64x64xf32, #tpu.memory_space<vmem>>, vector<1x16xf32>,
        %get3A_1083 = vector.shape_cast %get3A_1082 : vector<1x16xf32> to vector<16xf32>
        %mul3A_1084 = vector.broadcast %squeeze3A_1051 : f32 to vector<16xf32>
        %mul3A_1085 = arith.mulf %get3A_1083, %mul3A_1084 : vector<16xf32>
        %max3A_1086 = arith.constant 0.000000e+00 : f32
        %max3A_1087 = vector.broadcast %max3A_1086 : f32 to vector<16xf32>
        %max3A_1088 = arith.maximumf %mul3A_1085, %max3A_1087 : vector<16xf32>
        %swap3A_1089 = arith.index_cast %add3A_1049 : i32 to index
        %swap3A_1090 = arith.constant 32 : index
        %swap3A_1091 = tpu.vector_load %arg20[%swap3A_1089, %swap3A_1090] {strides = array<i32>} : memref<64x64xf32, #tpu.memory_space<vmem>>, vector<1x16xf32>,
        %swap3A_1092 = vector.shape_cast %swap3A_1091 : vector<1x16xf32> to vector<16xf32>
        %swap3A_1093 = vector.shape_cast %max3A_1088 : vector<16xf32> to vector<1x16xf32>
        tpu.vector_store %arg20[%swap3A_1089, %swap3A_1090], %swap3A_1093 {strides = array<i32>} : memref<64x64xf32, #tpu.memory_space<vmem>>, vector<1x16xf32>,
        %get3A_1094 = arith.index_cast %add3A_1049 : i32 to index
        %get3A_1095 = arith.constant 48 : index
        %get3A_1096 = tpu.vector_load %arg20[%get3A_1094, %get3A_1095] {strides = array<i32>} : memref<64x64xf32, #tpu.memory_space<vmem>>, vector<1x16xf32>,
        %get3A_1097 = vector.shape_cast %get3A_1096 : vector<1x16xf32> to vector<16xf32>
        %mul3A_1098 = vector.broadcast %squeeze3A_1051 : f32 to vector<16xf32>
        %mul3A_1099 = arith.mulf %get3A_1097, %mul3A_1098 : vector<16xf32>
        %max3A_1100 = arith.constant 0.000000e+00 : f32
        %max3A_1101 = vector.broadcast %max3A_1100 : f32 to vector<16xf32>
        %max3A_1102 = arith.maximumf %mul3A_1099, %max3A_1101 : vector<16xf32>
        %swap3A_1103 = arith.index_cast %add3A_1049 : i32 to index
        %swap3A_1104 = arith.constant 48 : index
        %swap3A_1105 = tpu.vector_load %arg20[%swap3A_1103, %swap3A_1104] {strides = array<i32>} : memref<64x64xf32, #tpu.memory_space<vmem>>, vector<1x16xf32>,
        %swap3A_1106 = vector.shape_cast %swap3A_1105 : vector<1x16xf32> to vector<16xf32>
        %swap3A_1107 = vector.shape_cast %max3A_1102 : vector<16xf32> to vector<1x16xf32>
        tpu.vector_store %arg20[%swap3A_1103, %swap3A_1104], %swap3A_1107 {strides = array<i32>} : memref<64x64xf32, #tpu.memory_space<vmem>>, vector<1x16xf32>,
      }
      %scan3A_106 = arith.constant 4 : i32
      %mul3A_107 = arith.constant 10240 : i32
      %mul3A_108 = arith.muli %arg0, %mul3A_107 : i32
      %add3A_109 = arith.addi %mul3A_108, %add3A_100 : i32
      "tpu.region"() ({
        %run_scoped3A = tpu.sem_alloc : memref<!tpu.dma_semaphore, #tpu.memory_space<semaphore_mem>>
        %dma_start3A_110 = arith.constant 0 : i32
        %dma_start3A_111 = tpu.memref_slice %arg5[%add3A_109, %dma_start3A_110] : memref<20480x64xf32, #tpu.memory_space<hbm>> -> memref<64x64xf32, #tpu.memory_space<hbm>>
        %dma_start3A_112 = arith.constant 0 : i32
        %dma_start3A_113 = tpu.memref_slice %arg5[%add3A_109, %dma_start3A_112] : memref<20480x64xf32, #tpu.memory_space<hbm>> -> memref<64x64xf32, #tpu.memory_space<hbm>>
        tpu.enqueue_dma source(%arg20 : memref<64x64xf32, #tpu.memory_space<vmem>>) target(%dma_start3A_113 : memref<64x64xf32, #tpu.memory_space<hbm>>) target_semaphore(%run_scoped3A : memref<!tpu.dma_semaphore, #tpu.memory_space<semaphore_mem>>)
        %dma_wait3A_114 = arith.constant 0 : i32
        %dma_wait3A_115 = tpu.memref_slice %arg5[%add3A_109, %dma_wait3A_114] : memref<20480x64xf32, #tpu.memory_space<hbm>> -> memref<64x64xf32, #tpu.memory_space<hbm>>
        %dma_wait3A_116 = arith.constant 0 : i32
        %dma_wait3A_117 = tpu.memref_slice %arg5[%add3A_109, %dma_wait3A_116] : memref<20480x64xf32, #tpu.memory_space<hbm>> -> memref<64x64xf32, #tpu.memory_space<hbm>>
        tpu.wait_dma2 semaphore(%run_scoped3A : memref<!tpu.dma_semaphore, #tpu.memory_space<semaphore_mem>>) src(%arg20 : memref<64x64xf32, #tpu.memory_space<vmem>>) dst(%dma_wait3A_117 : memref<64x64xf32, #tpu.memory_space<hbm>>)
        tpu.yield
      }) : () -> ()
    }
    %scan3A_94 = arith.constant 10 : i32
    return
  }
}

module attributes {stable_mosaic.version = 14 : i64} {
  func.func @_mm_body(%arg0: i32, %arg1: i32, %arg2: memref<1000x128xf32, #tpu.memory_space<vmem>>, %arg3: memref<64x128xf32, #tpu.memory_space<vmem>>, %arg4: memref<1x1x64xf32, #tpu.memory_space<vmem>>, %arg5: memref<1000x64xf32, #tpu.memory_space<vmem>>) attributes {dimension_semantics = [#tpu.dimension_semantics<arbitrary>, #tpu.dimension_semantics<arbitrary>], iteration_bounds = array<i64: 2, 10>, scalar_prefetch = 0 : i64, scratch_operands = 0 : i64, tpu.core_type = #tpu.core_type<tc>, window_params = [{transform_indices = @transform_0, window_bounds = array<i64: 1000, 128>}, {transform_indices = @transform_1, window_bounds = array<i64: 64, 128>}, {transform_indices = @transform_2, window_bounds = array<i64: 1, 1, 64>}, {transform_indices = @transform_3, window_bounds = array<i64: 1000, 64>}]} {
    %get3A = arith.constant 0 : index
    %get3A_0 = arith.constant 0 : index
    %get3A_1 = vector.load %arg2[%get3A, %get3A_0] : memref<1000x128xf32, #tpu.memory_space<vmem>>, vector<1000x128xf32>
    %get3A_2 = arith.constant 0 : index
    %get3A_3 = arith.constant 0 : index
    %get3A_4 = vector.load %arg3[%get3A_2, %get3A_3] : memref<64x128xf32, #tpu.memory_space<vmem>>, vector<64x128xf32>
    %dot_general3A = arith.constant dense<0.000000e+00> : vector<1000x64xf32>
    %dot_general3A_5 = tpu.matmul %get3A_1, %get3A_4, %dot_general3A {dimension_numbers = #tpu.dot_dimension_numbers<[1], [1], [0], [0], [0, 0, 1, 0], [], []>, transpose_lhs_hint = false} : vector<1000x128xf32>, vector<64x128xf32>, vector<1000x64xf32> -> vector<1000x64xf32>
    %get3A_6 = arith.constant 0 : index
    %get3A_7 = arith.constant 0 : index
    %get3A_8 = arith.constant 0 : index
    %get3A_9 = vector.load %arg4[%get3A_6, %get3A_7, %get3A_8] : memref<1x1x64xf32, #tpu.memory_space<vmem>>, vector<1x1x64xf32>
    %get3A_10 = vector.shape_cast %get3A_9 : vector<1x1x64xf32> to vector<1x64xf32>
    %add3A = vector.broadcast %get3A_10 : vector<1x64xf32> to vector<1000x64xf32>
    %add3A_11 = arith.addf %dot_general3A_5, %add3A : vector<1000x64xf32>
    %swap3A = arith.constant 0 : index
    %swap3A_12 = arith.constant 0 : index
    %swap3A_13 = vector.load %arg5[%swap3A, %swap3A_12] : memref<1000x64xf32, #tpu.memory_space<vmem>>, vector<1000x64xf32>
    tpu.vector_store %arg5[%swap3A, %swap3A_12], %add3A_11 {strides = array<i32>} : memref<1000x64xf32, #tpu.memory_space<vmem>>, vector<1000x64xf32>,
    return
  }
  func.func @transform_0(%arg0: i32, %arg1: i32) -> (i32, i32) {
    %c0_i32 = arith.constant 0 : i32
    %c0_i32_0 = arith.constant 0 : i32
    return %arg1, %c0_i32 : i32, i32
  }
  func.func @transform_1(%arg0: i32, %arg1: i32) -> (i32, i32) {
    %c0_i32 = arith.constant 0 : i32
    %c0_i32_0 = arith.constant 0 : i32
    return %arg0, %c0_i32 : i32, i32
  }
  func.func @transform_2(%arg0: i32, %arg1: i32) -> (i32, i32, i32) {
    %c0_i32 = arith.constant 0 : i32
    %c0_i32_0 = arith.constant 0 : i32
    %c0_i32_1 = arith.constant 0 : i32
    return %arg0, %c0_i32, %c0_i32_0 : i32, i32, i32
  }
  func.func @transform_3(%arg0: i32, %arg1: i32) -> (i32, i32) {
    %mul3A = arith.constant 10 : i32
    %mul3A_0 = arith.muli %arg0, %mul3A : i32
    %add3A = arith.addi %mul3A_0, %arg1 : i32
    %c0_i32 = arith.constant 0 : i32
    %c0_i32_1 = arith.constant 0 : i32
    return %add3A, %c0_i32 : i32, i32
  }
}

</mosaic_0001>

<sc_bundles>
// kernel: kernel.4.cloned.1.call-start
scs
__scs_entry_jumppad:
0x0: {  	(pc) =	sbr.rel $0x88, $3  }
0x1: {  	(tag) =	ssettag $0x0;
	lr =	simm.s32 $0x1  }
0x2: {  	[smem:$0x3F9C] =	sst lr;
	_ =	strace $0xD0000000  }
0x3: {  	_ = 	snop  }
0x4: {  	_ = 	snop  }
0x5: {  	_ = 	snop  }
0x6: {  	_ = 	snop  }
0x7: {  	_ = 	snop  }
__scs_overlays_trampoline_lowered:
0x8: {  	[smem:$0x3FAB] =	sst s0  }
0x9: {  	[smem:$0x3FAC] =	sst s1  }
0xa: {  	[smem:$0x3FAD] =	sst s2  }
0xb: {  	[smem:$0x3FAE] =	sst s3  }
0xc: {  	[smem:$0x3FAF] =	sst s4  }
0xd: {  	[smem:$0x3FB0] =	sst s5  }
0xe: {  	[smem:$0x3FB1] =	sst s6  }
0xf: {  	[smem:$0x3FB2] =	sst s7  }
0x10: {  	[smem:$0x3FB3] =	sst s8  }
0x11: {  	[smem:$0x3FB4] =	sst s9;
	s0 =	simm.s32 @!p0 $0x0  }
0x12: {  	s1 =	sld [smem:$0x3F9A];
	s0 =	simm.s32 @p0 $0x1  }
0x13: {  	[smem:$0x3FB5] =	sst s0;
	s0 =	simm.s32 @!p1 $0x0  }
0x14: {  	s2 =	sld [smem:$0x3F99];
	s0 =	simm.s32 @p1 $0x1  }
0x15: {  	[smem:$0x3FB6] =	sst s0;
	s0 =	simm.s32 @!p2 $0x0  }
0x16: {  	s3 =	sld [smem:$0x3FDB];
	s0 =	simm.s32 @p2 $0x1  }
0x17: {  	s4 =	simm.s32 $0x1BF5;
	[smem:$0x3FB8] =	sst s0  }
0x18: {  	s0 =	sld [smem:$0x3F9B];
	_ =	swait.ge [sflag:s4], $0x0  }
0x19: {  	s7 =	sld [smem:$0x3F9C]  }
0x1a: {  	s8 =	sadd.s32 $0xFFFFE003, lr  }
0x1b: {  	s9 =	sadd.s32 $0xFFFFFEF7, lr;
	s5 =	simm.s32 $0xFFFFFFFF;
	p2 =	slt.u32 s8, $0xFFFFF086  }
0x1c: {  	p1 =	slt.u32 s9, $0xF7A;
	s5 =	simm.s32 @!p2 $0x0  }
0x1d: {  	s5 =	simm.s32 @p1 $0x1;
	p0 =	seq.s32 s7, s2  }
0x1e: {  	s7 =	smul.u32 @!p0 $0xF7A, s2;
	p2 =	seq.s32 @!p0 s5, $0x0  }
0x1f: {  	s9 =	smul.u32 $0xF7A, s1;
	s8 =	simm.s32 @!p0 $0x1BF5;
	p2 =	por !p2, p0  }
0x20: {  	[sflag:s8] =	ssyncset.s32 @!p0 $0xFFFFF086;
	s6 =	sadd.s32 @!p0 s3, s7;
	s7 =	simm.s32 @!p0 $0x108  }
0x21: {  	s3 =	sadd.s32 s3, s9;
	s6 =	sadd.s32 @!p0 $0x88, s6;
	s7 =	simm.s32 @p2 $0x1082  }
0x22: {  	[simem:s7], [sflag:s8] =	dma.local @!p0 [hbm:s6], $0xF7A  }
0x23: {  	s9 =	sor.u32 $0xD0000000, s2;
	s6 =	simm.s32 $0x108;
	_ =	swait.ge @!p0 [sflag:s8], $0x0  }
0x24: {  	s3 =	sadd.s32 $0x88, s3;
	s6 =	simm.s32 @!p1 $0x1082;
	[sflag:s4] =	ssyncset.s32 $0xFFFFF086  }
0x25: {  	[simem:s6], [sflag:s4] =	dma.local [hbm:s3], $0xF7A  }
0x26: {  	[smem:$0x3F9C] =	sst s1;
	(tag) =	ssettag s2;
	_ =	strace s9  }
0x27: {  	s1 =	sld [smem:$0x3FAC]  }
0x28: {  	s2 =	sld [smem:$0x3FAD]  }
0x29: {  	s4 =	sld [smem:$0x3FAF]  }
0x2a: {  	p0 =	seq.s32 s5, $0x0;
	s5 =	sld [smem:$0x3FB0]  }
0x2b: {  	s6 =	sld [smem:$0x3FB1]  }
0x2c: {  	s7 =	sld [smem:$0x3FB2]  }
0x2d: {  	s3 =	simm.s32 $0x108;
	s8 =	sld [smem:$0x3FB3]  }
0x2e: {  	s3 =	simm.s32 @!p0 $0x1082;
	s9 =	sld [smem:$0x3FB4]  }
0x2f: {  	lr =	sadd.s32 s0, s3;
	s0 =	sld [smem:$0x3FAB]  }
0x30: {  	s3 =	sld [smem:$0x3FAE]  }
0x31: {  	[smem:$0x3FB7] =	sst s10  }
0x32: {  	s10 =	sld [smem:$0x3FB5];
	_ =	sdelay $0x3  }
0x33: {  	p0 =	seq.s32 s10, $0x1;
	s10 =	sld [smem:$0x3FB7];
	_ =	sdelay $0x3  }
0x34: {  	[smem:$0x3FB7] =	sst s10  }
0x35: {  	s10 =	sld [smem:$0x3FB6];
	_ =	sdelay $0x3  }
0x36: {  	p1 =	seq.s32 s10, $0x1;
	s10 =	sld [smem:$0x3FB7];
	_ =	sdelay $0x3  }
0x37: {  	[smem:$0x3FB7] =	sst s10  }
0x38: {  	s10 =	sld [smem:$0x3FB8]  }
0x39: {  	_ = 	snop;
	(pc) =	sbr.ind lr, $3  }
0x3a: {  	_ = 	snop  }
0x3b: {  	_ = 	snop  }
0x3c: {  	p2 =	seq.s32 s10, $0x1;
	s10 =	sld [smem:$0x3FB7]  }
0x3d: {  	_ =	shalt  }
0x3e: {  	_ =	shalt  }
0x3f: {  	_ =	shalt  }
0x40: {  	_ =	shalt  }
0x41: {  	_ =	shalt  }
0x42: {  	_ =	shalt  }
0x43: {  	_ =	shalt  }
0x44: {  	_ =	shalt  }
0x45: {  	_ =	shalt  }
0x46: {  	_ =	shalt  }
0x47: {  	_ =	shalt  }
0x48: {  	_ =	shalt  }
0x49: {  	_ =	shalt  }
0x4a: {  	_ =	shalt  }
0x4b: {  	_ =	shalt  }
0x4c: {  	_ =	shalt  }
0x4d: {  	_ =	shalt  }
0x4e: {  	_ =	shalt  }
0x4f: {  	_ =	shalt  }
0x50: {  	_ =	shalt  }
0x51: {  	_ =	shalt  }
0x52: {  	_ =	shalt  }
0x53: {  	_ =	shalt  }
0x54: {  	_ =	shalt  }
0x55: {  	_ =	shalt  }
0x56: {  	_ =	shalt  }
0x57: {  	_ =	shalt  }
0x58: {  	_ =	shalt  }
0x59: {  	_ =	shalt  }
0x5a: {  	_ =	shalt  }
0x5b: {  	_ =	shalt  }
0x5c: {  	_ =	shalt  }
0x5d: {  	_ =	shalt  }
0x5e: {  	_ =	shalt  }
0x5f: {  	_ =	shalt  }
0x60: {  	_ =	shalt  }
0x61: {  	_ =	shalt  }
0x62: {  	_ =	shalt  }
0x63: {  	_ =	shalt  }
0x64: {  	_ =	shalt  }
0x65: {  	_ =	shalt  }
0x66: {  	_ =	shalt  }
0x67: {  	_ =	shalt  }
0x68: {  	_ =	shalt  }
0x69: {  	_ =	shalt  }
0x6a: {  	_ =	shalt  }
0x6b: {  	_ =	shalt  }
0x6c: {  	_ =	shalt  }
0x6d: {  	_ =	shalt  }
0x6e: {  	_ =	shalt  }
0x6f: {  	_ =	shalt  }
0x70: {  	_ =	shalt  }
0x71: {  	_ =	shalt  }
0x72: {  	_ =	shalt  }
0x73: {  	_ =	shalt  }
0x74: {  	_ =	shalt  }
0x75: {  	_ =	shalt  }
0x76: {  	_ =	shalt  }
0x77: {  	_ =	shalt  }
0x78: {  	_ =	shalt  }
0x79: {  	_ =	shalt  }
0x7a: {  	_ =	shalt  }
0x7b: {  	_ =	shalt  }
0x7c: {  	_ =	shalt  }
0x7d: {  	_ =	shalt  }
0x7e: {  	_ =	shalt  }
0x7f: {  	_ =	shalt  }
0x80: {  	_ =	shalt  }
0x81: {  	_ =	shalt  }
0x82: {  	_ =	shalt  }
0x83: {  	_ =	shalt  }
0x84: {  	_ =	shalt  }
0x85: {  	_ =	shalt  }
0x86: {  	_ =	shalt  }
0x87: {  	_ =	shalt  }
.Lfunc_end0:
.L_simem_size_0:
called_computation_lowered:
.L_overlay_start_0:
0x88: {  	s2 =	sld [smem:$0x3FD9]  }
0x89: {  	s3 =	sld [smem:$0x3FFE];
	_ =	sdelay $0x1  }
0x8a: {  	s1 =	srdreg.scid  }
0x8b: {  	s0 =	sand.u32 $0x1, s1  }
0x8c: {  	s17 =	sshll.u32 s0, $0xA;
	s2 =	sadd.s32 s3, s2  }
0x8d: {  	s2 =	sadd.s32 s2, s17  }
0x8e: {  	[smem:$0x3FC3] =	sst s2  }
0x8f: {  	_ = 	snop  }
0x90: {  	s2 =	sld [smem:$0x3FC8]  }
0x91: {  	s18 =	sld [smem:$0x3FC7]  }
0x92: {  	s4 =	sld [smem:$0x3FD0];
	(tm) =	ssettm $0x1  }
0x93: {  	s5 =	sld [smem:$0x3FFB];
	_ =	sdelay $0x3  }
0x94: {  	_ =	strace s5  }
0x95: {  	s5 =	sld [smem:$0x3FFC];
	_ =	sdelay $0x3  }
0x96: {  	_ =	strace s5  }
0x97: {  	s5 =	sld [smem:$0x3FFD];
	_ =	sdelay $0x3  }
0x98: {  	_ =	strace s5  }
0x99: {  	_ =	strace $0x8FFFFFFF  }
0x9a: {  	s19 =	sld [smem:$0x3FDB];
	_ =	sdelay $0x1  }
0x9b: {  	s6 =	simm.s32 $_scs_section_size  }
0x9c: {  	s7 =	simm.s32 $_size__tile_overlayer_lowered;
	s8 =	simm.s32 $_tile_overlayer_lowered  }
0x9d: {  	s22 =	simm.s32 $0x1BFF;
	s21 =	sshll.u32 s8, $0x1;
	s5 =	sadd.s32 s6, s19  }
0x9e: {  	s9 =	simm.s32 $0x0;
	s20 =	sshll.u32 s7, $0x1;
	s7 =	sadd.s32 s21, s5  }
0x9f: {  	[timem:s9], [sflag:s22] =	dma.local [hbm:s7], s20  }
0xa0: {  	_ =	swait.ge [sflag:s22], s20  }
0xa1: {  	s6 =	ssub.s32 $0x0, s20;
	[sflag:s22] =	ssyncset.done $0x0  }
0xa2: {  	[sflag:s22] =	ssyncadd.s32 s6;
	_ =	sdelay $0x1  }
0xa3: {  	s23 =	simm.s32 $0x1B8B  }
0xa4: {  	_ =	swait.ge [sflag:s23], $0x1  }
0xa5: {  	[sflag:s23] =	ssyncset.done $0x0  }
0xa6: {  	s25 =	simm.s32 $0x1B8E;
	s24 =	sld [smem:$0x3FFE];
	[sflag:s23] =	ssyncadd.s32 $0xFFFFFFFF  }
0xa7: {  	s26 =	simm.s32 $execute0_lowered;
	[smem:$0x3FD2] =	sst s25  }
0xa8: {  	s7 =	sshll.u32 s26, $0x1;
	_ =	strace $0x80000046;
	[dreg:$0x1] =	wrdreg $0xFFFFFFFF  }
0xa9: {  	s28 =	simm.s32 $_size_execute0_lowered;
	s5 =	sadd.s32 s5, s7;
	[dreg:$0x0] =	wrdreg $0x0  }
0xaa: {  	s7 =	sshll.u32 s28, $0x1;
	[dreg:$0x2] =	wrdreg s5  }
0xab: {  	[dreg:$0x3] =	wrdreg s7  }
0xac: {  	[dreg:$0x4] =	wrdreg $0xC0  }
0xad: {  	_ =	task [dreg:s9], $0x5FFFF  }
0xae: {  	[dreg:$0x1] =	wrdreg $0xFFFFFFFF  }
0xaf: {  	[dreg:$0x0] =	wrdreg $0x60  }
0xb0: {  	[dreg:$0x2] =	wrdreg s4  }
0xb1: {  	[dreg:$0x3] =	wrdreg s2  }
0xb2: {  	[dreg:$0x4] =	wrdreg s18  }
0xb3: {  	[dreg:$0x5] =	wrdreg s24  }
0xb4: {  	[dreg:$0x6] =	wrdreg $0x0  }
0xb5: {  	[dreg:$0x7] =	wrdreg $0x50000  }
0xb6: {  	[dreg:$0x8] =	wrdreg $0xF0000  }
0xb7: {  	[dreg:$0x9] =	wrdreg $0xF1400  }
0xb8: {  	[dreg:$0xa] =	wrdreg $0x9  }
0xb9: {  	_ =	task.clear_ibuf [dreg:s9], $0xBFFFF;
	_ =	strace $0x90000046  }
0xba: {  	s29 =	simm.s32 $0x9;
	_ =	strace $0x80000048  }
0xbb: {  	_ =	swait.ge [sflag:s29], $0x1  }
0xbc: {  	[sflag:s29] =	ssyncadd.s32 $0xFFFFFFFF  }
0xbd: {  	_ =	strace $0x90000048  }
0xbe: {  	_ =	sfence  }
0xbf: {  	s30 =	sld [smem:$0x0];
	_ =	sdelay $0x2  }
0xc0: {  	s31 =	sshll.u32 s1, $0xD;
	s1 =	sshrl.u32 s1, $0x2  }
0xc1: {  	s3 =	sand.u32 $0x4000, s31;
	s1 =	sadd.s32 s1, s30  }
0xc2: {  	s0 =	sor.u32 s3, s0;
	s1 =	sshll.u32 s1, $0x11  }
0xc3: {  	s0 =	sor.u32 s1, s0  }
0xc4: {  	s0 =	sadd.s32 $0x8F2B, s0  }
0xc5: {  	[sflag:s0] =	ssyncadd.remote.s32 $0x1  }
0xc6: {  	_ =	sfence.sel $0xFFFF  }
0xc7: {  	[dreg:$0x0] =	wrdreg $0xFFFFFFFF;
	(pc) =	sbr.abs _section_cstart, $3  }
0xc8: {  	[dreg:$0x1] =	wrdreg $0xFFFFFFFF  }
0xc9: {  	_ =	task.clear_ibuf [dreg:s9], $0x2FFFF;
	_ =	strace $0x9FFFFFFF  }
0xca: {  	(tm) =	ssettm $0x7FFFFFFF  }
0xcb: {  	_ =	shalt  }
tec
execute0_lowered:
.L_overlay_start_1:
0x0: {  	(tag) =	ssettag $0x1  }
0x1: {  	s11 =	rddreg [dreg:$0x1]  }
0x2: {  	s12 =	rddreg [dreg:$0x2]  }
0x3: {  	s0 =	rddreg [dreg:$0x3]  }
0x4: {  	s4 =	rddreg [dreg:$0x4]  }
0x5: {  	s5 =	rddreg [dreg:$0x5]  }
0x6: {  	s6 =	rddreg [dreg:$0x6]  }
0x7: {  	s8 =	rddreg [dreg:$0x7]  }
0x8: {  	s9 =	simm.s32 $0x0;
	s1 =	srdreg.scid;
	s13 =	stileid.u32  }
0x9: {  	[smem:$0x7FF] =	sst s9;
	s2 =	smul.u32 $0x14000, s13  }
0xa: {  	s1 =	sand.u32 $0x1, s1;
	s0 =	sadd.s32 $0xA00, s0;
	s18 =	smul.u32 $0x4E20, s13  }
0xb: {  	_ =	strace $0x80000047;
	s3 =	ssub.s32 $0x2, s1;
	s10 =	smul.u32 $0x2710, s1  }
0xc: {  	[dreg:$0x9] =	wrdreg s0;
	s1 =	smul.u32 $0x2800, s1;
	s23 =	sadd.s32 $0x190, s18  }
0xd: {  	s17 =	sshrl.u32 s3, $0x1;
	s21 =	sshrl.u32 s18, $0x3;
	[dreg:$0xe] =	wrdreg s23  }
0xe: {  	s0 =	ssub.s32 s3, s17;
	s17 =	sadd.s32 s11, s21;
	[dreg:$0x10] =	wrdreg s1  }
0xf: {  	s14 =	smul.u32 $0x140, s13;
	s22 =	sadd.s32 s12, s21;
	[dreg:$0xc] =	wrdreg s17  }
0x10: {  	s7 =	smul.u32 $0x28000, s13;
	s3 =	sadd.s32 $0x320, s18;
	[dreg:$0xd] =	wrdreg s22  }
0x11: {  	s2 =	sshrl.u32 s2, $0x2;
	s1 =	sadd.s32 s14, s6;
	[dreg:$0xf] =	wrdreg s3  }
0x12: {  	s19 =	sshrl.u32 s7, $0x2;
	s15 =	sadd.s32 s2, s4;
	[dreg:$0x14] =	wrdreg s1  }
0x13: {  	s16 =	sadd.s32 s19, s5;
	[dreg:$0xa] =	wrdreg s15  }
0x14: {  	s2 =	sadd.s32 $0x992, s21;
	s0 =	smax.u32 s0, $0x1;
	[dreg:$0xb] =	wrdreg s16  }
0x15: {  	s20 =	smul.u32 $0x280, s13;
	s25 =	sadd.s32 s11, s2;
	[dreg:$0x11] =	wrdreg s0  }
0x16: {  	s26 =	sadd.s32 s12, s2;
	[dreg:$0x12] =	wrdreg s25  }
0x17: {  	s24 =	smul.u32 $0x9C4, s13;
	s2 =	sadd.s32 s20, s8;
	[dreg:$0x13] =	wrdreg s26  }
0x18: {  	s3 =	sadd.s32 $0x1000, s15;
	[dreg:$0x15] =	wrdreg s2  }
0x19: {  	s23 =	sadd.s32 s24, s12;
	s7 =	sadd.s32 $0x2000, s15;
	[dreg:$0x16] =	wrdreg s3  }
0x1a: {  	s24 =	sadd.s32 s24, s11;
	s11 =	sadd.s32 $0x3000, s15;
	[dreg:$0x17] =	wrdreg s7  }
0x1b: {  	s12 =	sadd.s32 $0x4000, s15;
	[dreg:$0x18] =	wrdreg s11  }
0x1c: {  	s13 =	sadd.s32 $0x1000, s16;
	[dreg:$0x19] =	wrdreg s12  }
0x1d: {  	s17 =	smov.u32 s14;
	s14 =	sadd.s32 $0x2000, s16;
	[dreg:$0x1a] =	wrdreg s13  }
0x1e: {  	s31 =	simm.s32 $0x6;
	s15 =	sadd.s32 $0x3000, s16;
	[dreg:$0x1b] =	wrdreg s14  }
0x1f: {  	s28 =	simm.s32 $0x15C70;
	s18 =	sadd.s32 $0x4000, s16;
	[dreg:$0x1c] =	wrdreg s15  }
0x20: {  	s19 =	smov.u32 s20;
	s20 =	sadd.s32 $0x5000, s16;
	[dreg:$0x1d] =	wrdreg s18  }
0x21: {  	s29 =	simm.s32 $0x15F90;
	s21 =	sadd.s32 $0x6000, s16;
	[dreg:$0x1e] =	wrdreg s20  }
0x22: {  	s30 =	simm.s32 $0x3;
	s22 =	sadd.s32 $0x7000, s16;
	[dreg:$0x1f] =	wrdreg s21  }
0x23: {  	s1 =	simm.s32 $0x0;
	[smem:$0x7FB] =	sst s22;
	s25 =	sadd.s32 $0x8000, s16  }
0x24: {  	s26 =	sadd.s32 $0x9000, s16;
	s2 =	simm.s32 $0xF3C0;
	s7 =	simm.s32 $0xF6E0  }
0x25: {  	s20 =	simm.s32 $0x4;
	s21 =	simm.s32 $0x5;
	s22 =	simm.s32 $0x190  }
0x26: {  	s14 =	simm.s32 $0x16120;
	s15 =	simm.s32 $0x1C520;
	s16 =	simm.s32 $0x1  }
0x27: {  	s18 =	simm.s32 $0x1D6B0;
	s12 =	simm.s32 $0x1E6B0;
	[smem:$0x7FC] =	sst s25  }
0x28: {  	v1 =	vimm.f32 $1.000000000e+00;
	v2 =	vimm.f32 $0.0e+00;
	v0 =	vmov s10;
	[smem:$0x7FD] =	sst s26;
	s26 =	simm.s32 $0xF870;
	s25 =	simm.s32 $0x2  }
.LBB2_1:
0x29: {  	[tilespmem:$0x1C520] =	vst v1  }
0x2a: {  	[tilespmem:$0x1C530] =	vst v1  }
0x2b: {  	[tilespmem:$0x1C540] =	vst v1  }
0x2c: {  	[tilespmem:$0x1C550] =	vst v1  }
0x2d: {  	[tilespmem:$0x1C560] =	vst v1  }
0x2e: {  	[tilespmem:$0x1C570] =	vst v1  }
0x2f: {  	[tilespmem:$0x1C580] =	vst v1  }
0x30: {  	[tilespmem:$0x1C590] =	vst v1  }
0x31: {  	[tilespmem:$0x1C5A0] =	vst v1  }
0x32: {  	[tilespmem:$0x1C5B0] =	vst v1  }
0x33: {  	[tilespmem:$0x1C5C0] =	vst v1  }
0x34: {  	[tilespmem:$0x1C5D0] =	vst v1  }
0x35: {  	[tilespmem:$0x1C5E0] =	vst v1  }
0x36: {  	[tilespmem:$0x1C5F0] =	vst v1  }
0x37: {  	[tilespmem:$0x1C600] =	vst v1  }
0x38: {  	[tilespmem:$0x1C610] =	vst v1  }
0x39: {  	[tilespmem:$0x1C620] =	vst v1  }
0x3a: {  	[tilespmem:$0x1C630] =	vst v1  }
0x3b: {  	[tilespmem:$0x1C640] =	vst v1  }
0x3c: {  	[tilespmem:$0x1C650] =	vst v1  }
0x3d: {  	[tilespmem:$0x1C660] =	vst v1  }
0x3e: {  	[tilespmem:$0x1C670] =	vst v1  }
0x3f: {  	[tilespmem:$0x1C680] =	vst v1;
	s0 =	sand.u32 $0x3F00, s9  }
0x40: {  	[smem:$0x7FA] =	sst s1;
	[tilespmem:$0x1C690] =	vst v1;
	s13 =	sand.u32 $0x30, s9;
	s3 =	sshrl.u32 s0, $0x2  }
0x41: {  	[tilespmem:$0x1C6A0] =	vst v1;
	s1 =	simm.s32 $0x0;
	s0 =	simm.s32 $0x40;
	s3 =	sor.u32 s13, s3  }
.LBB2_2:
0x42: {  	p0 =	sne.s32 s0, $0x3FC0  }
0x43: {  	[tilespmem:s3+$0x1C6B0] =	vst v2;
	s1 =	sadd.s32 $0x10, s1;
	s3 =	smov.u32 s0;
	s0 =	sadd.s32 $0x40, s0  }
.Ltmp0:
0x44: {  	(pc) =	sbr.rel @p0 .LBB2_2-.Ltmp0, $4  }
0x45: {  	_ = 	snop  }
0x46: {  	s3 =	sand.u32 $0x3F00, s3  }
0x47: {  	s10 =	sand.u32 $0x30, s1;
	s3 =	sshrl.u32 s3, $0x2  }
0x48: {  	s3 =	sor.u32 s10, s3  }
0x49: {  	[tilespmem:s3+$0x1C6B0] =	vst v2  }
0x4a: {  	[tilespmem:$0x1E6F0] =	vst v2  }
0x4b: {  	[tilespmem:$0x1E700] =	vst v2  }
0x4c: {  	[tilespmem:$0x1E710] =	vst v2  }
0x4d: {  	[tilespmem:$0x1E720] =	vst v2  }
0x4e: {  	[tilespmem:$0x1E730] =	vst v2  }
0x4f: {  	[tilespmem:$0x1E740] =	vst v2  }
0x50: {  	[tilespmem:$0x1E750] =	vst v2  }
0x51: {  	[tilespmem:$0x1E760] =	vst v2  }
0x52: {  	[tilespmem:$0x1E770] =	vst v2  }
0x53: {  	[tilespmem:$0x1E780] =	vst v2  }
0x54: {  	[tilespmem:$0x1E790] =	vst v2  }
0x55: {  	[tilespmem:$0x1E7A0] =	vst v2  }
0x56: {  	[tilespmem:$0x1E7B0] =	vst v2  }
0x57: {  	[tilespmem:$0x1E7C0] =	vst v2  }
0x58: {  	[tilespmem:$0x1E7D0] =	vst v2  }
0x59: {  	[tilespmem:$0x1E7E0] =	vst v2  }
0x5a: {  	[tilespmem:$0x1E7F0] =	vst v2  }
0x5b: {  	[tilespmem:$0x1E800] =	vst v2  }
0x5c: {  	[tilespmem:$0x1E810] =	vst v2  }
0x5d: {  	[tilespmem:$0x1E820] =	vst v2  }
0x5e: {  	[tilespmem:$0x1E830] =	vst v2  }
0x5f: {  	[tilespmem:$0x1E840] =	vst v2  }
0x60: {  	[tilespmem:$0x1E850] =	vst v2  }
0x61: {  	[tilespmem:$0x1E860] =	vst v2  }
0x62: {  	[tilespmem:$0x1E870] =	vst v2  }
0x63: {  	[tilespmem:$0x1E880] =	vst v2  }
0x64: {  	[tilespmem:$0x1E890] =	vst v2  }
0x65: {  	[tilespmem:$0x1E8A0] =	vst v2  }
0x66: {  	[tilespmem:$0x1E8B0] =	vst v2  }
0x67: {  	[tilespmem:$0x1E8C0] =	vst v2  }
0x68: {  	[tilespmem:$0x1E8D0] =	vst v2  }
0x69: {  	[tilespmem:$0x1E8E0] =	vst v2  }
0x6a: {  	[tilespmem:$0x1E8F0] =	vst v2  }
0x6b: {  	[tilespmem:$0x1E900] =	vst v2  }
0x6c: {  	[tilespmem:$0x1E910] =	vst v2  }
0x6d: {  	[tilespmem:$0x1E920] =	vst v2  }
0x6e: {  	[tilespmem:$0x1E930] =	vst v2  }
0x6f: {  	[tilespmem:$0x1E940] =	vst v2  }
0x70: {  	[tilespmem:$0x1E950] =	vst v2  }
0x71: {  	s0 =	rddreg [dreg:$0xa];
	s1 =	simm.s32 $0x1C6B0;
	[tilespmem:$0x1E960] =	vst v2  }
0x72: {  	[spmem:s0] =	stream.linear.scatter [tilespmem:s1], [sflag:$0x6], $0x1000, $0x38;
	[tilespmem:$0x1E970] =	vst v63  }
0x73: {  	_ =	swait.ge [sflag:s31], $0x1000  }
0x74: {  	[sflag:s31] =	ssyncset.done $0x0  }
0x75: {  	s3 =	rddreg [dreg:$0x16];
	[sflag:s31] =	ssyncadd.s32 $0xFFFFF000  }
0x76: {  	[spmem:s3] =	stream.linear.scatter [tilespmem:s1], [sflag:$0x6], $0x1000, $0x38;
	[tilespmem:$0x1E970] =	vst v63  }
0x77: {  	_ =	swait.ge [sflag:s31], $0x1000  }
0x78: {  	[sflag:s31] =	ssyncset.done $0x0  }
0x79: {  	s10 =	rddreg [dreg:$0x17];
	[sflag:s31] =	ssyncadd.s32 $0xFFFFF000  }
0x7a: {  	[spmem:s10] =	stream.linear.scatter [tilespmem:s1], [sflag:$0x6], $0x1000, $0x38;
	[tilespmem:$0x1E970] =	vst v63  }
0x7b: {  	_ =	swait.ge [sflag:s31], $0x1000  }
0x7c: {  	[sflag:s31] =	ssyncset.done $0x0  }
0x7d: {  	s11 =	rddreg [dreg:$0x18];
	[sflag:s31] =	ssyncadd.s32 $0xFFFFF000  }
0x7e: {  	[spmem:s11] =	stream.linear.scatter [tilespmem:s1], [sflag:$0x6], $0x1000, $0x38;
	[tilespmem:$0x1E970] =	vst v63  }
0x7f: {  	_ =	swait.ge [sflag:s31], $0x1000  }
0x80: {  	[sflag:s31] =	ssyncset.done $0x0  }
0x81: {  	s13 =	rddreg [dreg:$0x19];
	[sflag:s31] =	ssyncadd.s32 $0xFFFFF000  }
0x82: {  	[spmem:s13] =	stream.linear.scatter [tilespmem:s1], [sflag:$0x6], $0x1000, $0x38;
	[tilespmem:$0x1E970] =	vst v63  }
0x83: {  	_ =	swait.ge [sflag:s31], $0x1000  }
0x84: {  	[sflag:s31] =	ssyncset.done $0x0  }
0x85: {  	s3 =	rddreg [dreg:$0xb];
	[sflag:s31] =	ssyncadd.s32 $0xFFFFF000  }
0x86: {  	[spmem:s3] =	stream.linear.scatter [tilespmem:s1], [sflag:$0x6], $0x1000, $0x38;
	[tilespmem:$0x1E970] =	vst v63  }
0x87: {  	_ =	swait.ge [sflag:s31], $0x1000  }
0x88: {  	[sflag:s31] =	ssyncset.done $0x0  }
0x89: {  	s10 =	rddreg [dreg:$0x1a];
	[sflag:s31] =	ssyncadd.s32 $0xFFFFF000  }
0x8a: {  	[spmem:s10] =	stream.linear.scatter [tilespmem:s1], [sflag:$0x6], $0x1000, $0x38;
	[tilespmem:$0x1E970] =	vst v63  }
0x8b: {  	_ =	swait.ge [sflag:s31], $0x1000  }
0x8c: {  	[sflag:s31] =	ssyncset.done $0x0  }
0x8d: {  	s11 =	rddreg [dreg:$0x1b];
	[sflag:s31] =	ssyncadd.s32 $0xFFFFF000  }
0x8e: {  	[spmem:s11] =	stream.linear.scatter [tilespmem:s1], [sflag:$0x6], $0x1000, $0x38;
	[tilespmem:$0x1E970] =	vst v63  }
0x8f: {  	_ =	swait.ge [sflag:s31], $0x1000  }
0x90: {  	[sflag:s31] =	ssyncset.done $0x0  }
0x91: {  	s13 =	rddreg [dreg:$0x1c];
	[sflag:s31] =	ssyncadd.s32 $0xFFFFF000  }
0x92: {  	[spmem:s13] =	stream.linear.scatter [tilespmem:s1], [sflag:$0x6], $0x1000, $0x38;
	[tilespmem:$0x1E970] =	vst v63  }
0x93: {  	_ =	swait.ge [sflag:s31], $0x1000  }
0x94: {  	[sflag:s31] =	ssyncset.done $0x0  }
0x95: {  	s3 =	rddreg [dreg:$0x1d];
	[sflag:s31] =	ssyncadd.s32 $0xFFFFF000  }
0x96: {  	[spmem:s3] =	stream.linear.scatter [tilespmem:s1], [sflag:$0x6], $0x1000, $0x38;
	[tilespmem:$0x1E970] =	vst v63  }
0x97: {  	_ =	swait.ge [sflag:s31], $0x1000  }
0x98: {  	[sflag:s31] =	ssyncset.done $0x0  }
0x99: {  	s10 =	rddreg [dreg:$0x1e];
	[sflag:s31] =	ssyncadd.s32 $0xFFFFF000  }
0x9a: {  	[spmem:s10] =	stream.linear.scatter [tilespmem:s1], [sflag:$0x6], $0x1000, $0x38;
	[tilespmem:$0x1E970] =	vst v63  }
0x9b: {  	_ =	swait.ge [sflag:s31], $0x1000  }
0x9c: {  	[sflag:s31] =	ssyncset.done $0x0  }
0x9d: {  	s11 =	rddreg [dreg:$0x1f];
	[sflag:s31] =	ssyncadd.s32 $0xFFFFF000  }
0x9e: {  	[spmem:s11] =	stream.linear.scatter [tilespmem:s1], [sflag:$0x6], $0x1000, $0x38;
	[tilespmem:$0x1E970] =	vst v63  }
0x9f: {  	_ =	swait.ge [sflag:s31], $0x1000  }
0xa0: {  	s13 =	sld [smem:$0x7FB]  }
0xa1: {  	[sflag:s31] =	ssyncset.done $0x0  }
0xa2: {  	[sflag:s31] =	ssyncadd.s32 $0xFFFFF000  }
0xa3: {  	[spmem:s13] =	stream.linear.scatter [tilespmem:s1], [sflag:$0x6], $0x1000, $0x38;
	[tilespmem:$0x1E970] =	vst v63  }
0xa4: {  	_ =	swait.ge [sflag:s31], $0x1000  }
0xa5: {  	s3 =	sld [smem:$0x7FC]  }
0xa6: {  	[sflag:s31] =	ssyncset.done $0x0  }
0xa7: {  	[sflag:s31] =	ssyncadd.s32 $0xFFFFF000  }
0xa8: {  	[spmem:s3] =	stream.linear.scatter [tilespmem:s1], [sflag:$0x6], $0x1000, $0x38;
	[tilespmem:$0x1E970] =	vst v63  }
0xa9: {  	_ =	swait.ge [sflag:s31], $0x1000  }
0xaa: {  	s10 =	sld [smem:$0x7FD]  }
0xab: {  	[sflag:s31] =	ssyncset.done $0x0  }
0xac: {  	[sflag:s31] =	ssyncadd.s32 $0xFFFFF000  }
0xad: {  	[spmem:s10] =	stream.linear.scatter [tilespmem:s1], [sflag:$0x6], $0x1000, $0x38;
	[tilespmem:$0x1E970] =	vst v63  }
0xae: {  	_ =	swait.ge [sflag:s31], $0x1000  }
0xaf: {  	[sflag:s31] =	ssyncset.done $0x0  }
0xb0: {  	s13 =	simm.s32 $0x1E6F0;
	s11 =	rddreg [dreg:$0x14];
	[sflag:s31] =	ssyncadd.s32 $0xFFFFF000  }
0xb1: {  	[spmem:s11] =	stream.linear.scatter [tilespmem:s13], [sflag:$0x6], $0x140, $0x38;
	[tilespmem:$0x1E970] =	vst v63  }
0xb2: {  	_ =	swait.ge [sflag:s31], $0x140  }
0xb3: {  	[sflag:s31] =	ssyncset.done $0x0  }
0xb4: {  	s3 =	rddreg [dreg:$0x15];
	[sflag:s31] =	ssyncadd.s32 $0xFFFFFEC0  }
0xb5: {  	[spmem:s3] =	stream.linear.scatter [tilespmem:s13], [sflag:$0x6], $0x280, $0x38;
	[tilespmem:$0x1E970] =	vst v63  }
0xb6: {  	_ =	swait.ge [sflag:s31], $0x280  }
0xb7: {  	[sflag:s31] =	ssyncset.done $0x0  }
0xb8: {  	[sflag:s31] =	ssyncadd.s32 $0xFFFFFD80  }
0xb9: {  	[bflag:$0x0] =	sbarrier.arrive $0xFFFF  }
0xba: {  	s10 =	simm.s32 $0x0;
	s11 =	rddreg [dreg:$0xc]  }
0xbb: {  	[tilespmem:s2], [sflag:$0x4] =	stream.linear.gather [hbm4b:s11+s10], $0x190, $0x38;
	[tilespmem:$0x1E970] =	vst v63  }
0xbc: {  	s13 =	rddreg [dreg:$0xd]  }
0xbd: {  	[tilespmem:s7], [sflag:$0x5] =	stream.linear.gather [hbm4b:s13+s10], $0x190, $0x38;
	[tilespmem:$0x1E970] =	vst v63  }
0xbe: {  	_ =	swait.ge [sflag:s20], $0x190  }
0xbf: {  	[sflag:s20] =	ssyncset.done $0x0  }
0xc0: {  	[sflag:s20] =	ssyncadd.s32 $0xFFFFFE70  }
0xc1: {  	_ =	swait.ge [sflag:s21], $0x190  }
0xc2: {  	[sflag:s21] =	ssyncset.done $0x0  }
0xc3: {  	s0 =	simm.s32 $0x0;
	[sflag:s21] =	ssyncadd.s32 $0xFFFFFE70  }
0xc4: {  	s1 =	simm.s32 $0x40;
	v3 =	vld [tilespmem:s0+$0xF3C0]  }
.LBB2_4:
0xc5: {  	p0 =	sne.s32 s1, $0x600  }
.Ltmp1:
0xc6: {  	_ = 	snop;
	(pc) =	sbr.rel @p0 .LBB2_4-.Ltmp1, $3  }
0xc7: {  	_ =	sdelay $0x1  }
0xc8: {  	s3 =	sshra.s32 s1, $0x2;
	s1 =	sadd.s32 $0x40, s1;
	v4 =	vadd.s32 v0, v3  }
0xc9: {  	v3 =	vld [tilespmem:s3+$0xF3C0];
	[tilespmem:s0+$0xF550] =	vst v4;
	s0 =	smov.u32 s3  }
0xca: {  	_ =	sdelay $0x2  }
.Ltmp2:
0xcb: {  	_ = 	snop;
	(pc) =	sbr.rel .LBB2_6-.Ltmp2, $4  }
0xcc: {  	v3 =	vadd.s32 v0, v3  }
0xcd: {  	s13 =	rddreg [dreg:$0x0];
	s1 =	simm.s32 $0xF550;
	[tilespmem:s0+$0xF550] =	vst v3  }
0xce: {  	[tilespmem:s26], [sflag:$0x1] =	stream.indirect.gather [hbm4b:s13+s22], $0x40, s1, s22, $0xb8;
	[tilespmem:$0x1E970] =	vst v63  }
0xcf: {  	s0 =	simm.s32 $0x0;
	s1 =	simm.s32 $0x0  }
.LBB2_12:
0xd0: {  	[spmem:s8] =	stream.indirect.scatter.add.f32 [tilespmem:s15], [sflag:$0x3], $0x1, s28, s22, $0xb8;
	[tilespmem:$0x1E970] =	vst v63  }
0xd1: {  	_ = 	snop  }
0xd2: {  	[spmem:s6] =	stream.indirect.scatter.add.f32 [tilespmem:s15], [sflag:$0x3], $0x1, s29, s22, $0xb8;
	[tilespmem:$0x1E970] =	vst v63  }
0xd3: {  	_ =	swait.ge [sflag:s25], $0x6400  }
0xd4: {  	[sflag:s25] =	ssyncset.done $0x0  }
0xd5: {  	[sflag:s25] =	ssyncadd.s32 $0xFFFF9C00  }
0xd6: {  	[spmem:s4] =	stream.indirect.scatter.add.f32 [tilespmem:s14], [sflag:$0x6], $0x40, s29, s22, $0xb8;
	[tilespmem:$0x1E970] =	vst v63  }
0xd7: {  	_ =	swait.ge [sflag:s31], $0x6400  }
0xd8: {  	[sflag:s31] =	ssyncset.done $0x0  }
0xd9: {  	s1 =	sadd.s32 $0x1, s1;
	[sflag:s31] =	ssyncadd.s32 $0xFFFF9C00  }
0xda: {  	p0 =	sne.s32 s1, $0x19;
	_ =	swait.ge [sflag:s30], $0x190  }
.Ltmp3:
0xdb: {  	[sflag:s30] =	ssyncset.done $0x0;
	(pc) =	sbr.rel @!p0 .LBB2_13-.Ltmp3, $4  }
0xdc: {  	[sflag:s30] =	ssyncadd.s32 $0xFFFFFE70  }
0xdd: {  	_ =	swait.ge [sflag:s30], $0x190  }
0xde: {  	[sflag:s30] =	ssyncset.done $0x0  }
0xdf: {  	[sflag:s30] =	ssyncadd.s32 $0xFFFFFE70  }
.LBB2_6:
0xe0: {  	s3 =	smul.u32 $0x320, s1  }
0xe1: {  	s10 =	rddreg [dreg:$0xe]  }
0xe2: {  	s10 =	sadd.s32 s3, s10  }
0xe3: {  	s11 =	rddreg [dreg:$0x1];
	s10 =	sshrl.u32 s10, $0x3  }
0xe4: {  	s13 =	rddreg [dreg:$0x2];
	s11 =	sadd.s32 s11, s10  }
0xe5: {  	[tilespmem:s28], [sflag:$0x4] =	stream.linear.gather [hbm4b:s11+s0], $0x190, $0x38;
	[tilespmem:$0x1E970] =	vst v63  }
0xe6: {  	s10 =	sadd.s32 s13, s10  }
0xe7: {  	[tilespmem:s29], [sflag:$0x5] =	stream.linear.gather [hbm4b:s10+s0], $0x190, $0x38;
	[tilespmem:$0x1E970] =	vst v63  }
0xe8: {  	_ =	swait.ge [sflag:s20], $0x190  }
0xe9: {  	[sflag:s20] =	ssyncset.done $0x0  }
0xea: {  	[sflag:s20] =	ssyncadd.s32 $0xFFFFFE70  }
0xeb: {  	_ =	swait.ge [sflag:s21], $0x190  }
0xec: {  	[sflag:s21] =	ssyncset.done $0x0  }
0xed: {  	s10 =	simm.s32 $0x0;
	[sflag:s21] =	ssyncadd.s32 $0xFFFFFE70  }
0xee: {  	s11 =	simm.s32 $0x40;
	v3 =	vld [tilespmem:s10+$0x15C70]  }
.LBB2_7:
0xef: {  	p0 =	sne.s32 s11, $0x600  }
.Ltmp4:
0xf0: {  	_ = 	snop;
	(pc) =	sbr.rel @p0 .LBB2_7-.Ltmp4, $3  }
0xf1: {  	_ =	sdelay $0x1  }
0xf2: {  	s13 =	sshra.s32 s11, $0x2;
	s11 =	sadd.s32 $0x40, s11;
	v4 =	vadd.s32 v0, v3  }
0xf3: {  	v3 =	vld [tilespmem:s13+$0x15C70];
	[tilespmem:s10+$0x15E00] =	vst v4;
	s10 =	smov.u32 s13  }
0xf4: {  	_ =	sdelay $0x3  }
0xf5: {  	v3 =	vadd.s32 v0, v3  }
0xf6: {  	s13 =	rddreg [dreg:$0x0];
	s11 =	simm.s32 $0x15E00;
	[tilespmem:s10+$0x15E00] =	vst v3  }
0xf7: {  	[tilespmem:s14], [sflag:$0x2] =	stream.indirect.gather [hbm4b:s13+s22], $0x40, s11, s22, $0xb8;
	[tilespmem:$0x1E970] =	vst v63  }
0xf8: {  	_ = 	snop  }
0xf9: {  	[spmem:s8] =	stream.indirect.scatter.add.f32 [tilespmem:s15], [sflag:$0x3], $0x1, s2, s22, $0xb8;
	[tilespmem:$0x1E970] =	vst v63  }
0xfa: {  	_ = 	snop  }
0xfb: {  	[spmem:s6] =	stream.indirect.scatter.add.f32 [tilespmem:s15], [sflag:$0x3], $0x1, s7, s22, $0xb8;
	[tilespmem:$0x1E970] =	vst v63  }
0xfc: {  	_ =	swait.ge [sflag:s16], $0x6400  }
0xfd: {  	[sflag:s16] =	ssyncset.done $0x0  }
0xfe: {  	[sflag:s16] =	ssyncadd.s32 $0xFFFF9C00  }
0xff: {  	[spmem:s4] =	stream.indirect.scatter.add.f32 [tilespmem:s26], [sflag:$0x6], $0x40, s7, s22, $0xb8;
	[tilespmem:$0x1E970] =	vst v63  }
0x100: {  	_ =	swait.ge [sflag:s31], $0x6400  }
0x101: {  	[sflag:s31] =	ssyncset.done $0x0  }
0x102: {  	[sflag:s31] =	ssyncadd.s32 $0xFFFF9C00  }
0x103: {  	p0 =	seq.s32 s1, $0x18;
	_ =	swait.ge [sflag:s30], $0x190  }
.Ltmp5:
0x104: {  	[sflag:s30] =	ssyncset.done $0x0;
	(pc) =	sbr.rel @p0 .LBB2_12-.Ltmp5, $4  }
0x105: {  	[sflag:s30] =	ssyncadd.s32 $0xFFFFFE70  }
0x106: {  	_ =	swait.ge [sflag:s30], $0x190  }
0x107: {  	[sflag:s30] =	ssyncset.done $0x0  }
0x108: {  	[sflag:s30] =	ssyncadd.s32 $0xFFFFFE70  }
0x109: {  	s10 =	rddreg [dreg:$0xf]  }
0x10a: {  	s3 =	sadd.s32 s3, s10  }
0x10b: {  	s11 =	rddreg [dreg:$0x1];
	s3 =	sshrl.u32 s3, $0x3  }
0x10c: {  	s13 =	rddreg [dreg:$0x2];
	s10 =	sadd.s32 s11, s3;
	s11 =	simm.s32 $0x0  }
0x10d: {  	[tilespmem:s2], [sflag:$0x4] =	stream.linear.gather [hbm4b:s10+s11], $0x190, $0x38;
	[tilespmem:$0x1E970] =	vst v63  }
0x10e: {  	s3 =	sadd.s32 s13, s3  }
0x10f: {  	[tilespmem:s7], [sflag:$0x5] =	stream.linear.gather [hbm4b:s3+s11], $0x190, $0x38;
	[tilespmem:$0x1E970] =	vst v63  }
0x110: {  	_ =	swait.ge [sflag:s20], $0x190  }
0x111: {  	[sflag:s20] =	ssyncset.done $0x0  }
0x112: {  	[sflag:s20] =	ssyncadd.s32 $0xFFFFFE70  }
0x113: {  	_ =	swait.ge [sflag:s21], $0x190  }
0x114: {  	[sflag:s21] =	ssyncset.done $0x0  }
0x115: {  	s3 =	simm.s32 $0x0;
	[sflag:s21] =	ssyncadd.s32 $0xFFFFFE70  }
0x116: {  	s10 =	simm.s32 $0x40;
	v3 =	vld [tilespmem:s3+$0xF3C0]  }
.LBB2_10:
0x117: {  	p0 =	sne.s32 s10, $0x600  }
.Ltmp6:
0x118: {  	_ = 	snop;
	(pc) =	sbr.rel @p0 .LBB2_10-.Ltmp6, $3  }
0x119: {  	_ =	sdelay $0x1  }
0x11a: {  	s11 =	sshra.s32 s10, $0x2;
	s10 =	sadd.s32 $0x40, s10;
	v4 =	vadd.s32 v0, v3  }
0x11b: {  	v3 =	vld [tilespmem:s11+$0xF3C0];
	[tilespmem:s3+$0xF550] =	vst v4;
	s3 =	smov.u32 s11  }
0x11c: {  	_ =	sdelay $0x1  }
.Ltmp7:
0x11d: {  	_ = 	snop;
	(pc) =	sbr.rel .LBB2_12-.Ltmp7, $4  }
0x11e: {  	_ = 	snop  }
0x11f: {  	v3 =	vadd.s32 v0, v3  }
0x120: {  	s13 =	rddreg [dreg:$0x0];
	s10 =	simm.s32 $0xF550;
	[tilespmem:s3+$0xF550] =	vst v3  }
0x121: {  	[tilespmem:s26], [sflag:$0x1] =	stream.indirect.gather [hbm4b:s13+s22], $0x40, s10, s22, $0xb8;
	[tilespmem:$0x1E970] =	vst v63  }
.LBB2_13:
0x122: {  	[bflag:$0x0] =	sbarrier.arrive $0xFFFF;
	s0 =	simm.s32 $0x0  }
.LBB2_14:
0x123: {  	s1 =	sshll.u32 s0, $0x6  }
0x124: {  	s3 =	sadd.s32 s17, s1  }
0x125: {  	s1 =	sshll.u32 s3, $0x6  }
0x126: {  	s1 =	sand.u32 $0x3FFFFFC0, s1  }
0x127: {  	s1 =	sadd.s32 s1, s4  }
0x128: {  	[tilespmem:s18], [sflag:$0x6] =	stream.linear.gather [spmem:s1], $0x1000, $0x38;
	[tilespmem:$0x1E970] =	vst v63  }
0x129: {  	_ =	swait.ge [sflag:s31], $0x1000  }
0x12a: {  	[sflag:s31] =	ssyncset.done $0x0  }
0x12b: {  	s3 =	sadd.s32 s3, s6;
	[sflag:s31] =	ssyncadd.s32 $0xFFFFF000  }
0x12c: {  	[tilespmem:s12], [sflag:$0x6] =	stream.linear.gather [spmem:s3], $0x40, $0x38;
	[tilespmem:$0x1E970] =	vst v63  }
0x12d: {  	_ =	swait.ge [sflag:s31], $0x40  }
0x12e: {  	[sflag:s31] =	ssyncset.done $0x0  }
0x12f: {  	s10 =	simm.s32 $0x0;
	s3 =	simm.s32 $0x1D8B0;
	[sflag:s31] =	ssyncadd.s32 $0xFFFFFFC0  }
.LBB2_15:
0x130: {  	s11 =	sshra.s32 s10, $0x2  }
0x131: {  	v3 =	vld [tilespmem:s11+$0x1E6B0];
	_ =	sdelay $0x4  }
0x132: {  	v3 =	vmax.f32 v3, $1.000000000e+00  }
0x133: {  	(erf) = vrcp.f32 v3;
	_ =	sdelay $0x6  }
0x134: {  	v4 =	vld [tilespmem:s3+$0xFFFFFE00];
	_ =	sdelay $0x1  }
0x135: {  	v43 =	vld [tilespmem:s3+$0xFFFFFE10];
	v3 =	vpop (erf)  }
0x136: {  	v5 =	vbroadcast v3, $0x0  }
0x137: {  	v44 =	vld [tilespmem:s3+$0xFFFFFE20]  }
0x138: {  	v4 =	vmul.f32 v5, v4  }
0x139: {  	v45 =	vld [tilespmem:s3+$0xFFFFFE30]  }
0x13a: {  	[tilespmem:s3+$0xFFFFFE00] =	vst v4;
	v4 =	vmul.f32 v5, v43  }
0x13b: {  	v46 =	vld [tilespmem:s3+$0xFFFFFE40]  }
0x13c: {  	[tilespmem:s3+$0xFFFFFE10] =	vst v4;
	v4 =	vmul.f32 v44, v5  }
0x13d: {  	v48 =	vld [tilespmem:s3+$0xFFFFFE50]  }
0x13e: {  	v47 =	vbroadcast v3, $0x1;
	[tilespmem:s3+$0xFFFFFE20] =	vst v4;
	v4 =	vmul.f32 v45, v5  }
0x13f: {  	v49 =	vld [tilespmem:s3+$0xFFFFFE60]  }
0x140: {  	[tilespmem:s3+$0xFFFFFE30] =	vst v4;
	v4 =	vmul.f32 v46, v47  }
0x141: {  	v50 =	vld [tilespmem:s3+$0xFFFFFE70]  }
0x142: {  	[tilespmem:s3+$0xFFFFFE40] =	vst v4;
	v4 =	vmul.f32 v48, v47  }
0x143: {  	v51 =	vld [tilespmem:s3+$0xFFFFFE80]  }
0x144: {  	[tilespmem:s3+$0xFFFFFE50] =	vst v4;
	v4 =	vmul.f32 v49, v47  }
0x145: {  	v53 =	vld [tilespmem:s3+$0xFFFFFE90]  }
0x146: {  	v52 =	vbroadcast v3, $0x2;
	[tilespmem:s3+$0xFFFFFE60] =	vst v4;
	v4 =	vmul.f32 v50, v47  }
0x147: {  	v54 =	vld [tilespmem:s3+$0xFFFFFEA0]  }
0x148: {  	[tilespmem:s3+$0xFFFFFE70] =	vst v4;
	v4 =	vmul.f32 v51, v52  }
0x149: {  	v55 =	vld [tilespmem:s3+$0xFFFFFEB0]  }
0x14a: {  	[tilespmem:s3+$0xFFFFFE80] =	vst v4;
	v4 =	vmul.f32 v53, v52  }
0x14b: {  	v56 =	vld [tilespmem:s3+$0xFFFFFEC0]  }
0x14c: {  	[tilespmem:s3+$0xFFFFFE90] =	vst v4;
	v4 =	vmul.f32 v54, v52  }
0x14d: {  	v58 =	vld [tilespmem:s3+$0xFFFFFED0]  }
0x14e: {  	v57 =	vbroadcast v3, $0x3;
	[tilespmem:s3+$0xFFFFFEA0] =	vst v4;
	v4 =	vmul.f32 v55, v52  }
0x14f: {  	v59 =	vld [tilespmem:s3+$0xFFFFFEE0]  }
0x150: {  	[tilespmem:s3+$0xFFFFFEB0] =	vst v4;
	v4 =	vmul.f32 v56, v57  }
0x151: {  	v60 =	vld [tilespmem:s3+$0xFFFFFEF0]  }
0x152: {  	[tilespmem:s3+$0xFFFFFEC0] =	vst v4;
	v4 =	vmul.f32 v58, v57  }
0x153: {  	v61 =	vld [tilespmem:s3+$0xFFFFFF00]  }
0x154: {  	[tilespmem:s3+$0xFFFFFED0] =	vst v4;
	v4 =	vmul.f32 v59, v57  }
0x155: {  	v63 =	vld [tilespmem:s3+$0xFFFFFF10]  }
0x156: {  	v62 =	vbroadcast v3, $0x4;
	[tilespmem:s3+$0xFFFFFEE0] =	vst v4;
	v4 =	vmul.f32 v60, v57  }
0x157: {  	v8 =	vld [tilespmem:s3+$0xFFFFFF20]  }
0x158: {  	[tilespmem:s3+$0xFFFFFEF0] =	vst v4;
	v4 =	vmul.f32 v61, v62  }
0x159: {  	v9 =	vld [tilespmem:s3+$0xFFFFFF30]  }
0x15a: {  	[tilespmem:s3+$0xFFFFFF00] =	vst v4;
	v4 =	vmul.f32 v63, v62  }
0x15b: {  	v10 =	vld [tilespmem:s3+$0xFFFFFF40]  }
0x15c: {  	[tilespmem:s3+$0xFFFFFF10] =	vst v4;
	v4 =	vmul.f32 v8, v62  }
0x15d: {  	v12 =	vld [tilespmem:s3+$0xFFFFFF50]  }
0x15e: {  	v11 =	vbroadcast v3, $0x5;
	[tilespmem:s3+$0xFFFFFF20] =	vst v4;
	v4 =	vmul.f32 v9, v62  }
0x15f: {  	v13 =	vld [tilespmem:s3+$0xFFFFFF60]  }
0x160: {  	[tilespmem:s3+$0xFFFFFF30] =	vst v4;
	v4 =	vmul.f32 v10, v11  }
0x161: {  	v14 =	vld [tilespmem:s3+$0xFFFFFF70]  }
0x162: {  	[tilespmem:s3+$0xFFFFFF40] =	vst v4;
	v4 =	vmul.f32 v12, v11  }
0x163: {  	v15 =	vld [tilespmem:s3+$0xFFFFFF80]  }
0x164: {  	[tilespmem:s3+$0xFFFFFF50] =	vst v4;
	v4 =	vmul.f32 v13, v11  }
0x165: {  	v17 =	vld [tilespmem:s3+$0xFFFFFF90]  }
0x166: {  	v16 =	vbroadcast v3, $0x6;
	[tilespmem:s3+$0xFFFFFF60] =	vst v4;
	v4 =	vmul.f32 v14, v11  }
0x167: {  	v18 =	vld [tilespmem:s3+$0xFFFFFFA0]  }
0x168: {  	[tilespmem:s3+$0xFFFFFF70] =	vst v4;
	v4 =	vmul.f32 v15, v16  }
0x169: {  	v19 =	vld [tilespmem:s3+$0xFFFFFFB0]  }
0x16a: {  	[tilespmem:s3+$0xFFFFFF80] =	vst v4;
	v4 =	vmul.f32 v17, v16  }
0x16b: {  	v20 =	vld [tilespmem:s3+$0xFFFFFFC0]  }
0x16c: {  	[tilespmem:s3+$0xFFFFFF90] =	vst v4;
	v4 =	vmul.f32 v18, v16  }
0x16d: {  	v22 =	vld [tilespmem:s3+$0xFFFFFFD0]  }
0x16e: {  	v21 =	vbroadcast v3, $0x7;
	[tilespmem:s3+$0xFFFFFFA0] =	vst v4;
	v4 =	vmul.f32 v19, v16  }
0x16f: {  	v23 =	vld [tilespmem:s3+$0xFFFFFFE0]  }
0x170: {  	[tilespmem:s3+$0xFFFFFFB0] =	vst v4;
	v4 =	vmul.f32 v20, v21  }
0x171: {  	v24 =	vld [tilespmem:s3+$0xFFFFFFF0]  }
0x172: {  	[tilespmem:s3+$0xFFFFFFC0] =	vst v4;
	v4 =	vmul.f32 v22, v21  }
0x173: {  	v25 =	vld [tilespmem:s3+$0x0]  }
0x174: {  	[tilespmem:s3+$0xFFFFFFD0] =	vst v4;
	v4 =	vmul.f32 v23, v21  }
0x175: {  	v27 =	vld [tilespmem:s3+$0x10]  }
0x176: {  	v26 =	vbroadcast v3, $0x8;
	[tilespmem:s3+$0xFFFFFFE0] =	vst v4;
	v4 =	vmul.f32 v24, v21  }
0x177: {  	v28 =	vld [tilespmem:s3+$0x20]  }
0x178: {  	[tilespmem:s3+$0xFFFFFFF0] =	vst v4;
	v4 =	vmul.f32 v25, v26  }
0x179: {  	v29 =	vld [tilespmem:s3+$0x30]  }
0x17a: {  	[tilespmem:s3+$0x0] =	vst v4;
	v4 =	vmul.f32 v27, v26  }
0x17b: {  	v30 =	vld [tilespmem:s3+$0x40]  }
0x17c: {  	[tilespmem:s3+$0x10] =	vst v4;
	v4 =	vmul.f32 v28, v26  }
0x17d: {  	v32 =	vld [tilespmem:s3+$0x50]  }
0x17e: {  	v31 =	vbroadcast v3, $0x9;
	[tilespmem:s3+$0x20] =	vst v4;
	v4 =	vmul.f32 v29, v26  }
0x17f: {  	v33 =	vld [tilespmem:s3+$0x60]  }
0x180: {  	[tilespmem:s3+$0x30] =	vst v4;
	v4 =	vmul.f32 v30, v31  }
0x181: {  	v34 =	vld [tilespmem:s3+$0x70]  }
0x182: {  	[tilespmem:s3+$0x40] =	vst v4;
	v4 =	vmul.f32 v32, v31  }
0x183: {  	v35 =	vld [tilespmem:s3+$0x80]  }
0x184: {  	[tilespmem:s3+$0x50] =	vst v4;
	v4 =	vmul.f32 v33, v31  }
0x185: {  	v37 =	vld [tilespmem:s3+$0x90]  }
0x186: {  	v36 =	vbroadcast v3, $0xA;
	[tilespmem:s3+$0x60] =	vst v4;
	v4 =	vmul.f32 v34, v31  }
0x187: {  	v38 =	vld [tilespmem:s3+$0xA0]  }
0x188: {  	[tilespmem:s3+$0x70] =	vst v4;
	v4 =	vmul.f32 v35, v36  }
0x189: {  	v39 =	vld [tilespmem:s3+$0xB0]  }
0x18a: {  	[tilespmem:s3+$0x80] =	vst v4;
	v4 =	vmul.f32 v37, v36  }
0x18b: {  	v40 =	vld [tilespmem:s3+$0xC0]  }
0x18c: {  	[tilespmem:s3+$0x90] =	vst v4;
	v4 =	vmul.f32 v38, v36  }
0x18d: {  	v42 =	vld [tilespmem:s3+$0xD0]  }
0x18e: {  	v41 =	vbroadcast v3, $0xB;
	[tilespmem:s3+$0xA0] =	vst v4;
	v4 =	vmul.f32 v39, v36  }
0x18f: {  	v43 =	vld [tilespmem:s3+$0xE0]  }
0x190: {  	[tilespmem:s3+$0xB0] =	vst v4;
	v4 =	vmul.f32 v40, v41  }
0x191: {  	v44 =	vld [tilespmem:s3+$0xF0]  }
0x192: {  	[tilespmem:s3+$0xC0] =	vst v4;
	v4 =	vmul.f32 v42, v41  }
0x193: {  	v45 =	vld [tilespmem:s3+$0x100]  }
0x194: {  	[tilespmem:s3+$0xD0] =	vst v4;
	v4 =	vmul.f32 v43, v41  }
0x195: {  	v47 =	vld [tilespmem:s3+$0x110]  }
0x196: {  	v46 =	vbroadcast v3, $0xC;
	[tilespmem:s3+$0xE0] =	vst v4;
	v4 =	vmul.f32 v44, v41  }
0x197: {  	v48 =	vld [tilespmem:s3+$0x120]  }
0x198: {  	[tilespmem:s3+$0xF0] =	vst v4;
	v4 =	vmul.f32 v45, v46  }
0x199: {  	v49 =	vld [tilespmem:s3+$0x130]  }
0x19a: {  	[tilespmem:s3+$0x100] =	vst v4;
	v4 =	vmul.f32 v47, v46  }
0x19b: {  	v50 =	vld [tilespmem:s3+$0x140]  }
0x19c: {  	[tilespmem:s3+$0x110] =	vst v4;
	v4 =	vmul.f32 v48, v46  }
0x19d: {  	v52 =	vld [tilespmem:s3+$0x150]  }
0x19e: {  	v51 =	vbroadcast v3, $0xD;
	[tilespmem:s3+$0x120] =	vst v4;
	v4 =	vmul.f32 v49, v46  }
0x19f: {  	v53 =	vld [tilespmem:s3+$0x160]  }
0x1a0: {  	[tilespmem:s3+$0x130] =	vst v4;
	v4 =	vmul.f32 v50, v51  }
0x1a1: {  	v54 =	vld [tilespmem:s3+$0x170]  }
0x1a2: {  	[tilespmem:s3+$0x140] =	vst v4;
	v4 =	vmul.f32 v52, v51  }
0x1a3: {  	v55 =	vld [tilespmem:s3+$0x180]  }
0x1a4: {  	[tilespmem:s3+$0x150] =	vst v4;
	v4 =	vmul.f32 v53, v51  }
0x1a5: {  	v57 =	vld [tilespmem:s3+$0x190]  }
0x1a6: {  	v56 =	vbroadcast v3, $0xE;
	[tilespmem:s3+$0x160] =	vst v4;
	v4 =	vmul.f32 v54, v51  }
0x1a7: {  	v58 =	vld [tilespmem:s3+$0x1A0]  }
0x1a8: {  	[tilespmem:s3+$0x170] =	vst v4;
	v4 =	vmul.f32 v55, v56  }
0x1a9: {  	v59 =	vld [tilespmem:s3+$0x1B0]  }
0x1aa: {  	[tilespmem:s3+$0x180] =	vst v4;
	v4 =	vmul.f32 v57, v56  }
0x1ab: {  	v60 =	vld [tilespmem:s3+$0x1C0]  }
0x1ac: {  	[tilespmem:s3+$0x190] =	vst v4;
	v4 =	vmul.f32 v58, v56  }
0x1ad: {  	v61 =	vld [tilespmem:s3+$0x1D0]  }
0x1ae: {  	v3 =	vbroadcast v3, $0xF;
	[tilespmem:s3+$0x1A0] =	vst v4;
	v4 =	vmul.f32 v59, v56  }
0x1af: {  	v62 =	vld [tilespmem:s3+$0x1E0]  }
0x1b0: {  	v63 =	vld [tilespmem:s3+$0x1F0];
	[tilespmem:s3+$0x1B0] =	vst v4;
	v4 =	vmul.f32 v60, v3;
	_ =	sdelay $0x1  }
0x1b1: {  	p0 =	sne.s32 s10, $0xC0;
	[tilespmem:s3+$0x1C0] =	vst v4;
	v4 =	vmul.f32 v61, v3  }
.Ltmp8:
0x1b2: {  	_ = 	snop;
	(pc) =	sbr.rel @p0 .LBB2_15-.Ltmp8, $4  }
0x1b3: {  	[tilespmem:s3+$0x1D0] =	vst v4;
	v4 =	vmul.f32 v62, v3  }
0x1b4: {  	v3 =	vmul.f32 v63, v3  }
0x1b5: {  	[tilespmem:s3+$0x1E0] =	vst v4  }
0x1b6: {  	s10 =	sadd.s32 $0x40, s10;
	[tilespmem:s3+$0x1F0] =	vst v3;
	s3 =	sadd.s32 $0x400, s3  }
0x1b7: {  	s0 =	sadd.s32 $0x1, s0  }
0x1b8: {  	p0 =	sne.s32 s0, $0x5  }
.Ltmp9:
0x1b9: {  	_ = 	snop;
	(pc) =	sbr.rel @p0 .LBB2_14-.Ltmp9, $4  }
0x1ba: {  	[spmem:s1] =	stream.linear.scatter [tilespmem:s18], [sflag:$0x6], $0x1000, $0x38;
	[tilespmem:$0x1E970] =	vst v63  }
0x1bb: {  	_ =	swait.ge [sflag:s31], $0x1000  }
0x1bc: {  	[sflag:s31] =	ssyncset.done $0x0  }
0x1bd: {  	[sflag:s31] =	ssyncadd.s32 $0xFFFFF000  }
0x1be: {  	[bflag:$0x0] =	sbarrier.arrive $0xFFFF  }
0x1bf: {  	s0 =	rddreg [dreg:$0xc]  }
0x1c0: {  	[tilespmem:s2], [sflag:$0x4] =	stream.linear.gather [hbm4b:s0+s9], $0x190, $0x38;
	[tilespmem:$0x1E970] =	vst v63  }
0x1c1: {  	s3 =	rddreg [dreg:$0xd]  }
0x1c2: {  	[tilespmem:s7], [sflag:$0x5] =	stream.linear.gather [hbm4b:s3+s9], $0x190, $0x38;
	[tilespmem:$0x1E970] =	vst v63  }
0x1c3: {  	_ =	swait.ge [sflag:s20], $0x190  }
0x1c4: {  	[sflag:s20] =	ssyncset.done $0x0  }
0x1c5: {  	[sflag:s20] =	ssyncadd.s32 $0xFFFFFE70  }
0x1c6: {  	_ =	swait.ge [sflag:s21], $0x190  }
0x1c7: {  	[sflag:s21] =	ssyncset.done $0x0  }
0x1c8: {  	s10 =	sadd.s32 $0xFFFFF6A0, s24;
	[sflag:s21] =	ssyncadd.s32 $0xFFFFFE70  }
0x1c9: {  	[tilespmem:s26], [sflag:$0x1] =	stream.indirect.gather [spmem:s4], $0x40, s7, s22, $0xb8;
	[tilespmem:$0x1E970] =	vst v63  }
0x1ca: {  	s1 =	sadd.s32 $0x992, s10;
	s3 =	sadd.s32 $0xFFFFF6A0, s23  }
0x1cb: {  	[tilespmem:s28], [sflag:$0x4] =	stream.linear.gather [hbm4b:s1+s9], $0x190, $0x38;
	[tilespmem:$0x1E970] =	vst v63  }
0x1cc: {  	s11 =	sadd.s32 $0x992, s3  }
0x1cd: {  	[tilespmem:s29], [sflag:$0x5] =	stream.linear.gather [hbm4b:s11+s9], $0x190, $0x38;
	[tilespmem:$0x1E970] =	vst v63  }
0x1ce: {  	_ =	swait.ge [sflag:s20], $0x190  }
0x1cf: {  	[sflag:s20] =	ssyncset.done $0x0  }
0x1d0: {  	[sflag:s20] =	ssyncadd.s32 $0xFFFFFE70  }
0x1d1: {  	_ =	swait.ge [sflag:s21], $0x190  }
0x1d2: {  	[sflag:s21] =	ssyncset.done $0x0  }
0x1d3: {  	[sflag:s21] =	ssyncadd.s32 $0xFFFFFE70  }
0x1d4: {  	[tilespmem:s14], [sflag:$0x2] =	stream.indirect.gather [spmem:s4], $0x40, s29, s22, $0xb8;
	[tilespmem:$0x1E970] =	vst v63  }
0x1d5: {  	_ =	swait.ge [sflag:s16], $0x6400  }
0x1d6: {  	[sflag:s16] =	ssyncset.done $0x0  }
0x1d7: {  	[sflag:s16] =	ssyncadd.s32 $0xFFFF9C00  }
0x1d8: {  	[spmem:s5] =	stream.indirect.scatter.add.f32 [tilespmem:s26], [sflag:$0x6], $0x40, s2, s22, $0xb8;
	[tilespmem:$0x1E970] =	vst v63  }
0x1d9: {  	_ =	swait.ge [sflag:s31], $0x6400  }
0x1da: {  	[sflag:s31] =	ssyncset.done $0x0  }
0x1db: {  	s0 =	sadd.s32 $0x9C4, s10;
	[sflag:s31] =	ssyncadd.s32 $0xFFFF9C00  }
0x1dc: {  	[tilespmem:s2], [sflag:$0x4] =	stream.linear.gather [hbm4b:s0+s9], $0x190, $0x38;
	[tilespmem:$0x1E970] =	vst v63  }
0x1dd: {  	s13 =	sadd.s32 $0x9C4, s3  }
0x1de: {  	[tilespmem:s7], [sflag:$0x5] =	stream.linear.gather [hbm4b:s13+s9], $0x190, $0x38;
	[tilespmem:$0x1E970] =	vst v63  }
0x1df: {  	_ =	swait.ge [sflag:s20], $0x190  }
0x1e0: {  	[sflag:s20] =	ssyncset.done $0x0  }
0x1e1: {  	[sflag:s20] =	ssyncadd.s32 $0xFFFFFE70  }
0x1e2: {  	_ =	swait.ge [sflag:s21], $0x190  }
0x1e3: {  	[sflag:s21] =	ssyncset.done $0x0  }
0x1e4: {  	[sflag:s21] =	ssyncadd.s32 $0xFFFFFE70  }
0x1e5: {  	[tilespmem:s26], [sflag:$0x1] =	stream.indirect.gather [spmem:s4], $0x40, s7, s22, $0xb8;
	[tilespmem:$0x1E970] =	vst v63  }
0x1e6: {  	_ =	swait.ge [sflag:s25], $0x6400  }
0x1e7: {  	[sflag:s25] =	ssyncset.done $0x0  }
0x1e8: {  	[sflag:s25] =	ssyncadd.s32 $0xFFFF9C00  }
0x1e9: {  	[spmem:s5] =	stream.indirect.scatter.add.f32 [tilespmem:s14], [sflag:$0x6], $0x40, s28, s22, $0xb8;
	[tilespmem:$0x1E970] =	vst v63  }
0x1ea: {  	s3 =	sadd.s32 $0xFFFFF704, s24;
	_ =	swait.ge [sflag:s31], $0x6400  }
0x1eb: {  	s1 =	simm.s32 $0xFFFFF768;
	s0 =	simm.s32 $0xFFFFF704;
	[sflag:s31] =	ssyncset.done $0x0  }
.LBB2_18:
0x1ec: {  	s10 =	sadd.s32 $0x992, s3  }
0x1ed: {  	s11 =	sadd.s32 s0, s23;
	[sflag:s31] =	ssyncadd.s32 $0xFFFF9C00;
	s0 =	smov.u32 s1  }
0x1ee: {  	[tilespmem:s28], [sflag:$0x4] =	stream.linear.gather [hbm4b:s10+s9], $0x190, $0x38;
	[tilespmem:$0x1E970] =	vst v63  }
0x1ef: {  	p0 =	sne.s32 s1, $0xFFFFFF9C;
	s1 =	sadd.s32 $0x64, s1;
	s10 =	sadd.s32 $0x992, s11  }
0x1f0: {  	[tilespmem:s29], [sflag:$0x5] =	stream.linear.gather [hbm4b:s10+s9], $0x190, $0x38;
	[tilespmem:$0x1E970] =	vst v63  }
0x1f1: {  	_ =	swait.ge [sflag:s20], $0x190  }
0x1f2: {  	[sflag:s20] =	ssyncset.done $0x0  }
0x1f3: {  	[sflag:s20] =	ssyncadd.s32 $0xFFFFFE70  }
0x1f4: {  	_ =	swait.ge [sflag:s21], $0x190  }
0x1f5: {  	[sflag:s21] =	ssyncset.done $0x0  }
0x1f6: {  	[sflag:s21] =	ssyncadd.s32 $0xFFFFFE70  }
0x1f7: {  	[tilespmem:s14], [sflag:$0x2] =	stream.indirect.gather [spmem:s4], $0x40, s29, s22, $0xb8;
	[tilespmem:$0x1E970] =	vst v63  }
0x1f8: {  	_ =	swait.ge [sflag:s16], $0x6400  }
0x1f9: {  	[sflag:s16] =	ssyncset.done $0x0  }
0x1fa: {  	[sflag:s16] =	ssyncadd.s32 $0xFFFF9C00  }
0x1fb: {  	[spmem:s5] =	stream.indirect.scatter.add.f32 [tilespmem:s26], [sflag:$0x6], $0x40, s2, s22, $0xb8;
	[tilespmem:$0x1E970] =	vst v63  }
0x1fc: {  	_ =	swait.ge [sflag:s31], $0x6400  }
0x1fd: {  	[sflag:s31] =	ssyncset.done $0x0  }
0x1fe: {  	s3 =	sadd.s32 $0x9C4, s3;
	[sflag:s31] =	ssyncadd.s32 $0xFFFF9C00  }
0x1ff: {  	[tilespmem:s2], [sflag:$0x4] =	stream.linear.gather [hbm4b:s3+s9], $0x190, $0x38;
	[tilespmem:$0x1E970] =	vst v63  }
0x200: {  	s3 =	sadd.s32 $0x9C4, s11  }
0x201: {  	[tilespmem:s7], [sflag:$0x5] =	stream.linear.gather [hbm4b:s3+s9], $0x190, $0x38;
	[tilespmem:$0x1E970] =	vst v63  }
0x202: {  	_ =	swait.ge [sflag:s20], $0x190  }
0x203: {  	[sflag:s20] =	ssyncset.done $0x0  }
0x204: {  	[sflag:s20] =	ssyncadd.s32 $0xFFFFFE70  }
0x205: {  	_ =	swait.ge [sflag:s21], $0x190  }
0x206: {  	[sflag:s21] =	ssyncset.done $0x0  }
0x207: {  	[sflag:s21] =	ssyncadd.s32 $0xFFFFFE70  }
0x208: {  	[tilespmem:s26], [sflag:$0x1] =	stream.indirect.gather [spmem:s4], $0x40, s7, s22, $0xb8;
	[tilespmem:$0x1E970] =	vst v63  }
0x209: {  	_ =	swait.ge [sflag:s25], $0x6400  }
.Ltmp10:
0x20a: {  	[sflag:s25] =	ssyncset.done $0x0;
	(pc) =	sbr.rel @p0 .LBB2_18-.Ltmp10, $4  }
0x20b: {  	[sflag:s25] =	ssyncadd.s32 $0xFFFF9C00  }
0x20c: {  	[spmem:s5] =	stream.indirect.scatter.add.f32 [tilespmem:s14], [sflag:$0x6], $0x40, s28, s22, $0xb8;
	[tilespmem:$0x1E970] =	vst v63  }
0x20d: {  	_ =	swait.ge [sflag:s31], $0x6400  }
0x20e: {  	s3 =	sadd.s32 s0, s24;
	[sflag:s31] =	ssyncset.done $0x0  }
0x20f: {  	s1 =	sadd.s32 $0x992, s3;
	s0 =	sadd.s32 s0, s23;
	[sflag:s31] =	ssyncadd.s32 $0xFFFF9C00  }
0x210: {  	[tilespmem:s28], [sflag:$0x4] =	stream.linear.gather [hbm4b:s1+s9], $0x190, $0x38;
	[tilespmem:$0x1E970] =	vst v63  }
0x211: {  	s13 =	sadd.s32 $0x992, s0  }
0x212: {  	[tilespmem:s29], [sflag:$0x5] =	stream.linear.gather [hbm4b:s13+s9], $0x190, $0x38;
	[tilespmem:$0x1E970] =	vst v63  }
0x213: {  	_ =	swait.ge [sflag:s20], $0x190  }
0x214: {  	[sflag:s20] =	ssyncset.done $0x0  }
0x215: {  	[sflag:s20] =	ssyncadd.s32 $0xFFFFFE70  }
0x216: {  	_ =	swait.ge [sflag:s21], $0x190  }
0x217: {  	[sflag:s21] =	ssyncset.done $0x0  }
0x218: {  	[sflag:s21] =	ssyncadd.s32 $0xFFFFFE70  }
0x219: {  	[tilespmem:s14], [sflag:$0x2] =	stream.indirect.gather [spmem:s4], $0x40, s29, s22, $0xb8;
	[tilespmem:$0x1E970] =	vst v63  }
0x21a: {  	_ =	swait.ge [sflag:s16], $0x6400  }
0x21b: {  	[sflag:s16] =	ssyncset.done $0x0  }
0x21c: {  	[sflag:s16] =	ssyncadd.s32 $0xFFFF9C00  }
0x21d: {  	[spmem:s5] =	stream.indirect.scatter.add.f32 [tilespmem:s26], [sflag:$0x6], $0x40, s2, s22, $0xb8;
	[tilespmem:$0x1E970] =	vst v63  }
0x21e: {  	_ =	swait.ge [sflag:s31], $0x6400  }
0x21f: {  	[sflag:s31] =	ssyncset.done $0x0  }
0x220: {  	s10 =	sadd.s32 $0x9C4, s3;
	[sflag:s31] =	ssyncadd.s32 $0xFFFF9C00  }
0x221: {  	[tilespmem:s2], [sflag:$0x4] =	stream.linear.gather [hbm4b:s10+s9], $0x190, $0x38;
	[tilespmem:$0x1E970] =	vst v63  }
0x222: {  	s0 =	sadd.s32 $0x9C4, s0  }
0x223: {  	[tilespmem:s7], [sflag:$0x5] =	stream.linear.gather [hbm4b:s0+s9], $0x190, $0x38;
	[tilespmem:$0x1E970] =	vst v63  }
0x224: {  	_ =	swait.ge [sflag:s20], $0x190  }
0x225: {  	[sflag:s20] =	ssyncset.done $0x0  }
0x226: {  	[sflag:s20] =	ssyncadd.s32 $0xFFFFFE70  }
0x227: {  	_ =	swait.ge [sflag:s21], $0x190  }
0x228: {  	[sflag:s21] =	ssyncset.done $0x0  }
0x229: {  	[sflag:s21] =	ssyncadd.s32 $0xFFFFFE70  }
0x22a: {  	[tilespmem:s26], [sflag:$0x1] =	stream.indirect.gather [spmem:s4], $0x40, s7, s22, $0xb8;
	[tilespmem:$0x1E970] =	vst v63  }
0x22b: {  	_ =	swait.ge [sflag:s25], $0x6400  }
0x22c: {  	[sflag:s25] =	ssyncset.done $0x0  }
0x22d: {  	[sflag:s25] =	ssyncadd.s32 $0xFFFF9C00  }
0x22e: {  	[spmem:s5] =	stream.indirect.scatter.add.f32 [tilespmem:s14], [sflag:$0x6], $0x40, s28, s22, $0xb8;
	[tilespmem:$0x1E970] =	vst v63  }
0x22f: {  	_ =	swait.ge [sflag:s31], $0x6400  }
0x230: {  	[sflag:s31] =	ssyncset.done $0x0  }
0x231: {  	s1 =	simm.s32 $0x0;
	s11 =	rddreg [dreg:$0x12];
	[sflag:s31] =	ssyncadd.s32 $0xFFFF9C00  }
0x232: {  	[tilespmem:s28], [sflag:$0x4] =	stream.linear.gather [hbm4b:s11+s1], $0x190, $0x38;
	[tilespmem:$0x1E970] =	vst v63  }
0x233: {  	s13 =	rddreg [dreg:$0x13]  }
0x234: {  	[tilespmem:s29], [sflag:$0x5] =	stream.linear.gather [hbm4b:s13+s1], $0x190, $0x38;
	[tilespmem:$0x1E970] =	vst v63  }
0x235: {  	_ =	swait.ge [sflag:s20], $0x190  }
0x236: {  	[sflag:s20] =	ssyncset.done $0x0  }
0x237: {  	[sflag:s20] =	ssyncadd.s32 $0xFFFFFE70  }
0x238: {  	_ =	swait.ge [sflag:s21], $0x190  }
0x239: {  	[sflag:s21] =	ssyncset.done $0x0  }
0x23a: {  	[sflag:s21] =	ssyncadd.s32 $0xFFFFFE70  }
0x23b: {  	[tilespmem:s14], [sflag:$0x2] =	stream.indirect.gather [spmem:s4], $0x40, s29, s22, $0xb8;
	[tilespmem:$0x1E970] =	vst v63  }
0x23c: {  	_ =	swait.ge [sflag:s16], $0x6400  }
0x23d: {  	[sflag:s16] =	ssyncset.done $0x0  }
0x23e: {  	[sflag:s16] =	ssyncadd.s32 $0xFFFF9C00  }
0x23f: {  	[spmem:s5] =	stream.indirect.scatter.add.f32 [tilespmem:s26], [sflag:$0x6], $0x40, s2, s22, $0xb8;
	[tilespmem:$0x1E970] =	vst v63  }
0x240: {  	_ =	swait.ge [sflag:s31], $0x6400  }
0x241: {  	[sflag:s31] =	ssyncset.done $0x0  }
0x242: {  	[sflag:s31] =	ssyncadd.s32 $0xFFFF9C00  }
0x243: {  	_ =	swait.ge [sflag:s25], $0x6400  }
0x244: {  	[sflag:s25] =	ssyncset.done $0x0  }
0x245: {  	[sflag:s25] =	ssyncadd.s32 $0xFFFF9C00  }
0x246: {  	[spmem:s5] =	stream.indirect.scatter.add.f32 [tilespmem:s14], [sflag:$0x6], $0x40, s28, s22, $0xb8;
	[tilespmem:$0x1E970] =	vst v63  }
0x247: {  	_ =	swait.ge [sflag:s31], $0x6400  }
0x248: {  	[sflag:s31] =	ssyncset.done $0x0  }
0x249: {  	[sflag:s31] =	ssyncadd.s32 $0xFFFF9C00  }
0x24a: {  	[bflag:$0x0] =	sbarrier.arrive $0xFFFF  }
.LBB2_20:
0x24b: {  	s0 =	sshll.u32 s1, $0x6  }
0x24c: {  	s3 =	sadd.s32 s19, s0  }
0x24d: {  	s0 =	sshll.u32 s3, $0x6  }
0x24e: {  	s0 =	sand.u32 $0x3FFFFFC0, s0  }
0x24f: {  	s0 =	sadd.s32 s0, s5  }
0x250: {  	[tilespmem:s18], [sflag:$0x6] =	stream.linear.gather [spmem:s0], $0x1000, $0x38;
	[tilespmem:$0x1E970] =	vst v63  }
0x251: {  	_ =	swait.ge [sflag:s31], $0x1000  }
0x252: {  	[sflag:s31] =	ssyncset.done $0x0  }
0x253: {  	s13 =	sadd.s32 s3, s8;
	[sflag:s31] =	ssyncadd.s32 $0xFFFFF000  }
0x254: {  	[tilespmem:s12], [sflag:$0x6] =	stream.linear.gather [spmem:s13], $0x40, $0x38;
	[tilespmem:$0x1E970] =	vst v63  }
0x255: {  	_ =	swait.ge [sflag:s31], $0x40  }
0x256: {  	[sflag:s31] =	ssyncset.done $0x0  }
0x257: {  	s10 =	simm.s32 $0x1D8B0;
	[sflag:s31] =	ssyncadd.s32 $0xFFFFFFC0  }
0x258: {  	v4 =	vld [tilespmem:s10+$0xFFFFFFF0]  }
0x259: {  	s11 =	simm.s32 $0x40;
	s0 =	simm.s32 $0x1D8B0;
	s13 =	simm.s32 $0x0;
	v3 =	vld [tilespmem:s10+$0x1B0]  }
.LBB2_21:
0x25a: {  	p0 =	sne.s32 s11, $0xC0;
	v5 =	vld [tilespmem:s13+$0x1E6B0]  }
0x25b: {  	v6 =	vld [tilespmem:s10+$0x130]  }
0x25c: {  	v7 =	vld [tilespmem:s10+$0x110]  }
0x25d: {  	v8 =	vld [tilespmem:s10+$0xD0]  }
0x25e: {  	v9 =	vld [tilespmem:s10+$0xB0]  }
0x25f: {  	v5 =	vmax.f32 v5, $1.000000000e+00;
	v10 =	vld [tilespmem:s10+$0x10]  }
0x260: {  	v11 =	vld [tilespmem:s10+$0xFFFFFF70];
	(erf) = vrcp.f32 v5  }
0x261: {  	v12 =	vld [tilespmem:s10+$0xFFFFFEF0]  }
0x262: {  	v13 =	vld [tilespmem:s10+$0xFFFFFED0]  }
0x263: {  	v14 =	vld [tilespmem:s10+$0xFFFFFE90]  }
0x264: {  	v15 =	vld [tilespmem:s10+$0xFFFFFE70]  }
0x265: {  	v16 =	vld [tilespmem:s10+$0xFFFFFE30]  }
0x266: {  	v17 =	vld [tilespmem:s10+$0xFFFFFE10]  }
0x267: {  	v18 =	vld [tilespmem:s10+$0xFFFFFE00]  }
0x268: {  	v19 =	vld [tilespmem:s10+$0xFFFFFE20]  }
0x269: {  	v20 =	vld [tilespmem:s10+$0xFFFFFE40];
	v5 =	vpop (erf)  }
0x26a: {  	v21 =	vbroadcast v5, $0x0;
	v22 =	vbroadcast v5, $0x1;
	v23 =	vld [tilespmem:s10+$0xFFFFFE50]  }
0x26b: {  	v25 =	vbroadcast v5, $0x2;
	v26 =	vbroadcast v5, $0x3;
	v24 =	vld [tilespmem:s10+$0xFFFFFE60]  }
0x26c: {  	v18 =	vmul.f32 v21, v18;
	v17 =	vmul.f32 v21, v17;
	v27 =	vld [tilespmem:s10+$0xFFFFFE80]  }
0x26d: {  	v16 =	vmul.f32 v16, v21;
	v19 =	vmul.f32 v19, v21;
	v21 =	vld [tilespmem:s10+$0xFFFFFEA0]  }
0x26e: {  	v18 =	vmax.f32 v18, $0.0e+00;
	v17 =	vmax.f32 v17, $0.0e+00;
	v20 =	vmul.f32 v20, v22;
	v28 =	vld [tilespmem:s10+$0xFFFFFEB0]  }
0x26f: {  	v16 =	vmax.f32 v16, $0.0e+00;
	[tilespmem:s10+$0xFFFFFE00] =	vst v18;
	v18 =	vmax.f32 v19, $0.0e+00;
	v19 =	vmul.f32 v23, v22;
	v23 =	vld [tilespmem:s10+$0xFFFFFEC0]  }
0x270: {  	v15 =	vmul.f32 v15, v22;
	[tilespmem:s10+$0xFFFFFE10] =	vst v17;
	v17 =	vmax.f32 v20, $0.0e+00;
	v20 =	vmul.f32 v24, v22;
	v22 =	vld [tilespmem:s10+$0xFFFFFEE0]  }
0x271: {  	v14 =	vmul.f32 v14, v25;
	[tilespmem:s10+$0xFFFFFE20] =	vst v18;
	v18 =	vmax.f32 v19, $0.0e+00;
	v19 =	vmul.f32 v27, v25;
	v24 =	vld [tilespmem:s10+$0xFFFFFF30]  }
0x272: {  	v15 =	vmax.f32 v15, $0.0e+00;
	[tilespmem:s10+$0xFFFFFE30] =	vst v16;
	v16 =	vmax.f32 v20, $0.0e+00;
	v20 =	vmul.f32 v21, v25;
	v21 =	vld [tilespmem:s10+$0xFFFFFF10]  }
0x273: {  	v14 =	vmax.f32 v14, $0.0e+00;
	[tilespmem:s10+$0xFFFFFE40] =	vst v17;
	v17 =	vmax.f32 v19, $0.0e+00;
	v19 =	vmul.f32 v28, v25;
	v25 =	vld [tilespmem:s10+$0xFFFFFF00]  }
0x274: {  	v13 =	vmul.f32 v13, v26;
	[tilespmem:s10+$0xFFFFFE50] =	vst v18;
	v18 =	vmax.f32 v20, $0.0e+00;
	v20 =	vmul.f32 v23, v26;
	v23 =	vld [tilespmem:s10+$0xFFFFFF20]  }
0x275: {  	v12 =	vmul.f32 v12, v26;
	[tilespmem:s10+$0xFFFFFE60] =	vst v16;
	v16 =	vmax.f32 v19, $0.0e+00;
	v19 =	vmul.f32 v22, v26;
	v22 =	vld [tilespmem:s10+$0xFFFFFF40]  }
0x276: {  	v13 =	vmax.f32 v13, $0.0e+00;
	[tilespmem:s10+$0xFFFFFE70] =	vst v15;
	v15 =	vmax.f32 v20, $0.0e+00;
	v20 =	vbroadcast v5, $0x4;
	v26 =	vld [tilespmem:s10+$0xFFFFFF50]  }
0x277: {  	v12 =	vmax.f32 v12, $0.0e+00;
	[tilespmem:s10+$0xFFFFFE80] =	vst v17;
	v17 =	vmax.f32 v19, $0.0e+00;
	v19 =	vbroadcast v5, $0x5;
	v27 =	vld [tilespmem:s10+$0xFFFFFF60]  }
0x278: {  	[tilespmem:s10+$0xFFFFFE90] =	vst v14;
	v14 =	vmul.f32 v25, v20;
	v21 =	vmul.f32 v21, v20;
	v25 =	vld [tilespmem:s10+$0xFFFFFFB0]  }
0x279: {  	[tilespmem:s10+$0xFFFFFEA0] =	vst v18;
	v18 =	vmul.f32 v23, v20;
	v20 =	vmul.f32 v24, v20;
	v23 =	vld [tilespmem:s10+$0xFFFFFF90]  }
0x27a: {  	[tilespmem:s10+$0xFFFFFEB0] =	vst v16;
	v14 =	vmax.f32 v14, $0.0e+00;
	v16 =	vmax.f32 v21, $0.0e+00;
	v21 =	vmul.f32 v22, v19;
	v22 =	vld [tilespmem:s10+$0xFFFFFF80]  }
0x27b: {  	[tilespmem:s10+$0xFFFFFEC0] =	vst v15;
	v15 =	vmax.f32 v18, $0.0e+00;
	v18 =	vmax.f32 v20, $0.0e+00;
	v20 =	vmul.f32 v26, v19;
	v24 =	vld [tilespmem:s10+$0xFFFFFFA0]  }
0x27c: {  	v11 =	vmul.f32 v11, v19;
	[tilespmem:s10+$0xFFFFFED0] =	vst v13;
	v13 =	vmax.f32 v21, $0.0e+00;
	v21 =	vmul.f32 v27, v19;
	v19 =	vld [tilespmem:s10+$0xFFFFFFC0]  }
0x27d: {  	v26 =	vbroadcast v5, $0x7;
	[tilespmem:s10+$0xFFFFFEE0] =	vst v17;
	v17 =	vmax.f32 v20, $0.0e+00;
	v20 =	vbroadcast v5, $0x6;
	v27 =	vld [tilespmem:s10+$0xFFFFFFD0]  }
0x27e: {  	v28 =	vbroadcast v5, $0x8;
	v11 =	vmax.f32 v11, $0.0e+00;
	[tilespmem:s10+$0xFFFFFEF0] =	vst v12;
	v12 =	vmax.f32 v21, $0.0e+00;
	v21 =	vld [tilespmem:s10+$0xFFFFFFE0]  }
0x27f: {  	[tilespmem:s10+$0xFFFFFF00] =	vst v14;
	v14 =	vmul.f32 v22, v20;
	v22 =	vmul.f32 v23, v20;
	v23 =	vld [tilespmem:s10+$0x0]  }
0x280: {  	[tilespmem:s10+$0xFFFFFF10] =	vst v16;
	v16 =	vmul.f32 v24, v20;
	v20 =	vmul.f32 v25, v20;
	v24 =	vld [tilespmem:s10+$0x20]  }
0x281: {  	[tilespmem:s10+$0xFFFFFF20] =	vst v15;
	v14 =	vmax.f32 v14, $0.0e+00;
	v15 =	vmax.f32 v22, $0.0e+00;
	v19 =	vmul.f32 v19, v26;
	v22 =	vld [tilespmem:s10+$0x30]  }
0x282: {  	[tilespmem:s10+$0xFFFFFF30] =	vst v18;
	v16 =	vmax.f32 v16, $0.0e+00;
	v18 =	vmax.f32 v20, $0.0e+00;
	v20 =	vmul.f32 v27, v26;
	v25 =	vld [tilespmem:s10+$0x70]  }
0x283: {  	v4 =	vmul.f32 v4, v26;
	[tilespmem:s10+$0xFFFFFF40] =	vst v13;
	v13 =	vmax.f32 v19, $0.0e+00;
	v19 =	vmul.f32 v21, v26;
	v21 =	vld [tilespmem:s10+$0x50]  }
0x284: {  	v10 =	vmul.f32 v10, v28;
	[tilespmem:s10+$0xFFFFFF50] =	vst v17;
	v17 =	vmax.f32 v20, $0.0e+00;
	v20 =	vmul.f32 v23, v28;
	v23 =	vld [tilespmem:s10+$0x40]  }
0x285: {  	v4 =	vmax.f32 v4, $0.0e+00;
	[tilespmem:s10+$0xFFFFFF60] =	vst v12;
	v12 =	vmax.f32 v19, $0.0e+00;
	v19 =	vmul.f32 v24, v28;
	v24 =	vld [tilespmem:s10+$0x60]  }
0x286: {  	v10 =	vmax.f32 v10, $0.0e+00;
	[tilespmem:s10+$0xFFFFFF70] =	vst v11;
	v11 =	vmax.f32 v20, $0.0e+00;
	v20 =	vmul.f32 v22, v28;
	v22 =	vld [tilespmem:s10+$0x80]  }
0x287: {  	v26 =	vbroadcast v5, $0xA;
	[tilespmem:s10+$0xFFFFFF80] =	vst v14;
	v14 =	vmax.f32 v19, $0.0e+00;
	v19 =	vbroadcast v5, $0x9;
	v27 =	vld [tilespmem:s10+$0x90]  }
0x288: {  	v29 =	vbroadcast v5, $0xC;
	v28 =	vbroadcast v5, $0xB;
	[tilespmem:s10+$0xFFFFFF90] =	vst v15;
	v15 =	vmax.f32 v20, $0.0e+00;
	v20 =	vld [tilespmem:s10+$0xA0]  }
0x289: {  	[tilespmem:s10+$0xFFFFFFA0] =	vst v16;
	v16 =	vmul.f32 v23, v19;
	v21 =	vmul.f32 v21, v19;
	v23 =	vld [tilespmem:s10+$0xC0]  }
0x28a: {  	[tilespmem:s10+$0xFFFFFFB0] =	vst v18;
	v18 =	vmul.f32 v24, v19;
	v19 =	vmul.f32 v25, v19;
	v24 =	vld [tilespmem:s10+$0xE0]  }
0x28b: {  	[tilespmem:s10+$0xFFFFFFC0] =	vst v13;
	v13 =	vmax.f32 v16, $0.0e+00;
	v16 =	vmax.f32 v21, $0.0e+00;
	v21 =	vmul.f32 v22, v26;
	v22 =	vld [tilespmem:s10+$0xF0]  }
0x28c: {  	[tilespmem:s10+$0xFFFFFFD0] =	vst v17;
	v17 =	vmax.f32 v18, $0.0e+00;
	v18 =	vmax.f32 v19, $0.0e+00;
	v19 =	vmul.f32 v27, v26;
	v25 =	vld [tilespmem:s10+$0x100]  }
0x28d: {  	v9 =	vmul.f32 v9, v26;
	[tilespmem:s10+$0xFFFFFFE0] =	vst v12;
	v12 =	vmax.f32 v21, $0.0e+00;
	v20 =	vmul.f32 v20, v26;
	v21 =	vld [tilespmem:s10+$0x120]  }
0x28e: {  	v8 =	vmul.f32 v8, v28;
	[tilespmem:s10+$0xFFFFFFF0] =	vst v4;
	v4 =	vmax.f32 v19, $0.0e+00;
	v19 =	vmul.f32 v23, v28;
	v23 =	vld [tilespmem:s10+$0x170]  }
0x28f: {  	v9 =	vmax.f32 v9, $0.0e+00;
	[tilespmem:s10+$0x0] =	vst v11;
	v11 =	vmax.f32 v20, $0.0e+00;
	v20 =	vmul.f32 v24, v28;
	v24 =	vld [tilespmem:s10+$0x150]  }
0x290: {  	v8 =	vmax.f32 v8, $0.0e+00;
	[tilespmem:s10+$0x10] =	vst v10;
	v10 =	vmax.f32 v19, $0.0e+00;
	v19 =	vmul.f32 v22, v28;
	v22 =	vld [tilespmem:s10+$0x140]  }
0x291: {  	v7 =	vmul.f32 v7, v29;
	[tilespmem:s10+$0x20] =	vst v14;
	v14 =	vmax.f32 v20, $0.0e+00;
	v20 =	vmul.f32 v25, v29;
	v25 =	vld [tilespmem:s10+$0x160]  }
0x292: {  	v6 =	vmul.f32 v6, v29;
	[tilespmem:s10+$0x30] =	vst v15;
	v15 =	vmax.f32 v19, $0.0e+00;
	v19 =	vmul.f32 v21, v29;
	v21 =	vld [tilespmem:s10+$0x180]  }
0x293: {  	v7 =	vmax.f32 v7, $0.0e+00;
	[tilespmem:s10+$0x40] =	vst v13;
	v13 =	vmax.f32 v20, $0.0e+00;
	v20 =	vbroadcast v5, $0xD;
	v26 =	vld [tilespmem:s10+$0x190]  }
0x294: {  	v6 =	vmax.f32 v6, $0.0e+00;
	[tilespmem:s10+$0x50] =	vst v16;
	v16 =	vmax.f32 v19, $0.0e+00;
	v19 =	vbroadcast v5, $0xE;
	v27 =	vld [tilespmem:s10+$0x1A0]  }
0x295: {  	[tilespmem:s10+$0x60] =	vst v17;
	v17 =	vmul.f32 v22, v20;
	v22 =	vmul.f32 v24, v20;
	v24 =	vld [tilespmem:s10+$0x1F0]  }
0x296: {  	[tilespmem:s10+$0x70] =	vst v18;
	v18 =	vmul.f32 v25, v20;
	v20 =	vmul.f32 v23, v20;
	v23 =	vld [tilespmem:s10+$0x1D0]  }
0x297: {  	[tilespmem:s10+$0x80] =	vst v12;
	v12 =	vmax.f32 v17, $0.0e+00;
	v17 =	vmax.f32 v22, $0.0e+00;
	v21 =	vmul.f32 v21, v19;
	v22 =	vld [tilespmem:s10+$0x1C0]  }
0x298: {  	[tilespmem:s10+$0x90] =	vst v4;
	v4 =	vmax.f32 v18, $0.0e+00;
	v18 =	vmax.f32 v20, $0.0e+00;
	v20 =	vmul.f32 v26, v19;
	v25 =	vld [tilespmem:s10+$0x1E0]  }
0x299: {  	v3 =	vmul.f32 v3, v19;
	[tilespmem:s10+$0xA0] =	vst v11;
	v11 =	vmax.f32 v21, $0.0e+00;
	v21 =	vmul.f32 v27, v19  }
0x29a: {  	v5 =	vbroadcast v5, $0xF;
	[tilespmem:s10+$0xB0] =	vst v9;
	v9 =	vmax.f32 v20, $0.0e+00  }
0x29b: {  	v3 =	vmax.f32 v3, $0.0e+00;
	[tilespmem:s10+$0xC0] =	vst v10;
	v10 =	vmax.f32 v21, $0.0e+00  }
0x29c: {  	v19 =	vmul.f32 v23, v5;
	[tilespmem:s10+$0xD0] =	vst v8;
	v8 =	vmul.f32 v22, v5  }
0x29d: {  	[tilespmem:s10+$0xE0] =	vst v14;
	v14 =	vmul.f32 v25, v5;
	v5 =	vmul.f32 v24, v5  }
0x29e: {  	[tilespmem:s10+$0xF0] =	vst v15;
	v8 =	vmax.f32 v8, $0.0e+00;
	v15 =	vmax.f32 v19, $0.0e+00  }
0x29f: {  	[tilespmem:s10+$0x100] =	vst v13;
	v13 =	vmax.f32 v14, $0.0e+00;
	v5 =	vmax.f32 v5, $0.0e+00  }
0x2a0: {  	[tilespmem:s10+$0x110] =	vst v7  }
0x2a1: {  	[tilespmem:s10+$0x120] =	vst v16  }
0x2a2: {  	[tilespmem:s10+$0x130] =	vst v6  }
0x2a3: {  	[tilespmem:s10+$0x140] =	vst v12  }
0x2a4: {  	[tilespmem:s10+$0x150] =	vst v17  }
0x2a5: {  	[tilespmem:s10+$0x160] =	vst v4  }
0x2a6: {  	[tilespmem:s10+$0x170] =	vst v18  }
0x2a7: {  	[tilespmem:s10+$0x180] =	vst v11  }
0x2a8: {  	[tilespmem:s10+$0x190] =	vst v9  }
0x2a9: {  	[tilespmem:s10+$0x1A0] =	vst v10  }
.Ltmp11:
0x2aa: {  	[tilespmem:s10+$0x1B0] =	vst v3;
	(pc) =	sbr.rel @p0 .LBB2_21-.Ltmp11, $4  }
0x2ab: {  	[tilespmem:s10+$0x1C0] =	vst v8  }
0x2ac: {  	s10 =	sadd.s32 $0x400, s10;
	[tilespmem:s0+$0x1D0] =	vst v15  }
0x2ad: {  	v4 =	vld [tilespmem:s10+$0xFFFFFFF0];
	[tilespmem:s0+$0x1E0] =	vst v13  }
0x2ae: {  	s13 =	sshra.s32 s11, $0x2;
	s11 =	sadd.s32 $0x40, s11;
	v3 =	vld [tilespmem:s10+$0x1B0];
	[tilespmem:s0+$0x1F0] =	vst v5;
	s0 =	smov.u32 s10  }
0x2af: {  	v5 =	vld [tilespmem:s13+$0x1E6B0];
	_ =	sdelay $0x4  }
0x2b0: {  	v5 =	vmax.f32 v5, $1.000000000e+00  }
0x2b1: {  	(erf) = vrcp.f32 v5;
	_ =	sdelay $0x6  }
0x2b2: {  	v6 =	vld [tilespmem:s10+$0xFFFFFE00]  }
0x2b3: {  	v7 =	vld [tilespmem:s10+$0xFFFFFE10]  }
0x2b4: {  	v8 =	vld [tilespmem:s10+$0xFFFFFE20];
	v5 =	vpop (erf)  }
0x2b5: {  	v9 =	vld [tilespmem:s10+$0xFFFFFE30];
	v10 =	vbroadcast v5, $0x0  }
0x2b6: {  	v11 =	vld [tilespmem:s10+$0xFFFFFE40]  }
0x2b7: {  	v12 =	vld [tilespmem:s10+$0xFFFFFE50];
	v6 =	vmul.f32 v10, v6  }
0x2b8: {  	v13 =	vld [tilespmem:s10+$0xFFFFFE60];
	v7 =	vmul.f32 v10, v7  }
0x2b9: {  	v14 =	vld [tilespmem:s10+$0xFFFFFE70];
	v15 =	vbroadcast v5, $0x1;
	v8 =	vmul.f32 v8, v10;
	v6 =	vmax.f32 v6, $0.0e+00  }
0x2ba: {  	v16 =	vld [tilespmem:s10+$0xFFFFFE80];
	v9 =	vmul.f32 v9, v10;
	v7 =	vmax.f32 v7, $0.0e+00;
	[tilespmem:s10+$0xFFFFFE00] =	vst v6  }
0x2bb: {  	v24 =	vld [tilespmem:s10+$0xFFFFFEF0];
	v59 =	vmul.f32 v11, v15;
	v8 =	vmax.f32 v8, $0.0e+00;
	[tilespmem:s10+$0xFFFFFE10] =	vst v7  }
0x2bc: {  	v26 =	vld [tilespmem:s10+$0xFFFFFF00];
	v61 =	vmul.f32 v12, v15;
	v9 =	vmax.f32 v9, $0.0e+00;
	[tilespmem:s10+$0xFFFFFE20] =	vst v8  }
0x2bd: {  	v58 =	vld [tilespmem:s10+$0xFFFFFE90];
	v62 =	vbroadcast v5, $0x2;
	v13 =	vmul.f32 v13, v15;
	v10 =	vmax.f32 v59, $0.0e+00;
	[tilespmem:s10+$0xFFFFFE30] =	vst v9  }
0x2be: {  	v56 =	vld [tilespmem:s10+$0x30];
	v25 =	vbroadcast v5, $0x3;
	v14 =	vmul.f32 v14, v15;
	v11 =	vmax.f32 v61, $0.0e+00;
	[tilespmem:s10+$0xFFFFFE40] =	vst v10  }
0x2bf: {  	v60 =	vld [tilespmem:s10+$0xFFFFFEA0];
	v31 =	vbroadcast v5, $0x4;
	v22 =	vmul.f32 v16, v62;
	v13 =	vmax.f32 v13, $0.0e+00;
	[tilespmem:s10+$0xFFFFFE50] =	vst v11  }
0x2c0: {  	v23 =	vld [tilespmem:s10+$0xFFFFFEE0];
	v51 =	vbroadcast v5, $0x7;
	v32 =	vmul.f32 v24, v25;
	v14 =	vmax.f32 v14, $0.0e+00;
	[tilespmem:s10+$0xFFFFFE60] =	vst v13  }
0x2c1: {  	v63 =	vld [tilespmem:s10+$0xFFFFFEB0];
	v55 =	vbroadcast v5, $0x8;
	v12 =	vmul.f32 v26, v31;
	v15 =	vmax.f32 v22, $0.0e+00;
	[tilespmem:s10+$0xFFFFFE70] =	vst v14  }
0x2c2: {  	v20 =	vld [tilespmem:s10+$0xFFFFFEC0];
	v4 =	vmul.f32 v4, v51;
	v35 =	vmax.f32 v32, $0.0e+00;
	[tilespmem:s10+$0xFFFFFE80] =	vst v15  }
0x2c3: {  	v19 =	vmul.f32 v56, v55;
	v12 =	vmax.f32 v12, $0.0e+00;
	[tilespmem:s10+$0xFFFFFEF0] =	vst v35  }
0x2c4: {  	v27 =	vld [tilespmem:s10+$0xFFFFFF10];
	v4 =	vmax.f32 v4, $0.0e+00;
	v6 =	vmul.f32 v58, v62;
	[tilespmem:s10+$0xFFFFFF00] =	vst v12  }
0x2c5: {  	v29 =	vld [tilespmem:s10+$0xFFFFFF20];
	v7 =	vmul.f32 v60, v62;
	v11 =	vmul.f32 v23, v25;
	[tilespmem:s10+$0xFFFFFFF0] =	vst v4;
	v23 =	vmax.f32 v19, $0.0e+00  }
0x2c6: {  	v33 =	vld [tilespmem:s10+$0xFFFFFF40];
	v8 =	vmul.f32 v63, v62;
	[tilespmem:s10+$0x30] =	vst v23;
	v6 =	vmax.f32 v6, $0.0e+00  }
0x2c7: {  	v42 =	vld [tilespmem:s10+$0xFFFFFF90];
	v9 =	vmul.f32 v20, v25;
	v7 =	vmax.f32 v7, $0.0e+00;
	[tilespmem:s10+$0xFFFFFE90] =	vst v6  }
0x2c8: {  	v53 =	vld [tilespmem:s10+$0x10];
	v8 =	vmax.f32 v8, $0.0e+00;
	[tilespmem:s10+$0xFFFFFEA0] =	vst v7  }
0x2c9: {  	v21 =	vld [tilespmem:s10+$0xFFFFFED0];
	v38 =	vbroadcast v5, $0x5;
	v14 =	vmul.f32 v27, v31;
	v9 =	vmax.f32 v9, $0.0e+00;
	[tilespmem:s10+$0xFFFFFEB0] =	vst v8  }
0x2ca: {  	v34 =	vld [tilespmem:s10+$0xFFFFFF50];
	v46 =	vbroadcast v5, $0x6;
	v10 =	vmul.f32 v29, v31;
	v11 =	vmax.f32 v11, $0.0e+00;
	[tilespmem:s10+$0xFFFFFEC0] =	vst v9  }
0x2cb: {  	v30 =	vld [tilespmem:s10+$0xFFFFFF30];
	v13 =	vmul.f32 v33, v38;
	v40 =	vmax.f32 v14, $0.0e+00;
	[tilespmem:s10+$0xFFFFFEE0] =	vst v11  }
0x2cc: {  	v41 =	vld [tilespmem:s10+$0xFFFFFF80];
	v12 =	vmul.f32 v42, v46;
	v10 =	vmax.f32 v10, $0.0e+00;
	[tilespmem:s10+$0xFFFFFF10] =	vst v40  }
0x2cd: {  	v36 =	vld [tilespmem:s10+$0xFFFFFF60];
	v60 =	vmul.f32 v53, v55;
	v13 =	vmax.f32 v13, $0.0e+00;
	[tilespmem:s10+$0xFFFFFF20] =	vst v10  }
0x2ce: {  	v37 =	vld [tilespmem:s10+$0xFFFFFF70];
	v28 =	vmul.f32 v21, v25;
	v12 =	vmax.f32 v12, $0.0e+00;
	[tilespmem:s10+$0xFFFFFF40] =	vst v13  }
0x2cf: {  	v44 =	vld [tilespmem:s10+$0xFFFFFFA0];
	v43 =	vmul.f32 v34, v38;
	v18 =	vmax.f32 v60, $0.0e+00;
	[tilespmem:s10+$0xFFFFFF90] =	vst v12  }
0x2d0: {  	v45 =	vld [tilespmem:s10+$0xFFFFFFB0];
	v39 =	vmul.f32 v30, v31;
	v6 =	vmax.f32 v28, $0.0e+00;
	[tilespmem:s10+$0x10] =	vst v18  }
0x2d1: {  	v48 =	vld [tilespmem:s10+$0xFFFFFFC0];
	v14 =	vmul.f32 v41, v46;
	v7 =	vmax.f32 v43, $0.0e+00;
	[tilespmem:s10+$0xFFFFFED0] =	vst v6  }
0x2d2: {  	v49 =	vld [tilespmem:s10+$0xFFFFFFD0];
	v8 =	vmul.f32 v36, v38;
	v6 =	vmax.f32 v39, $0.0e+00;
	[tilespmem:s10+$0xFFFFFF50] =	vst v7  }
0x2d3: {  	v54 =	vld [tilespmem:s10+$0x20];
	v47 =	vmul.f32 v37, v38;
	v14 =	vmax.f32 v14, $0.0e+00;
	[tilespmem:s10+$0xFFFFFF30] =	vst v6  }
0x2d4: {  	v50 =	vld [tilespmem:s10+$0xFFFFFFE0];
	v9 =	vmul.f32 v44, v46;
	v8 =	vmax.f32 v8, $0.0e+00;
	[tilespmem:s10+$0xFFFFFF80] =	vst v14  }
0x2d5: {  	v61 =	vld [tilespmem:s10+$0x60];
	v10 =	vmul.f32 v45, v46;
	v6 =	vmax.f32 v47, $0.0e+00;
	[tilespmem:s10+$0xFFFFFF60] =	vst v8  }
0x2d6: {  	v22 =	vld [tilespmem:s10+$0x90];
	v11 =	vmul.f32 v48, v51;
	v9 =	vmax.f32 v9, $0.0e+00;
	[tilespmem:s10+$0xFFFFFF70] =	vst v6  }
0x2d7: {  	v27 =	vld [tilespmem:s10+$0xC0];
	v13 =	vmul.f32 v49, v51;
	v10 =	vmax.f32 v10, $0.0e+00;
	[tilespmem:s10+$0xFFFFFFA0] =	vst v9  }
0x2d8: {  	v63 =	vbroadcast v5, $0x9;
	v12 =	vmul.f32 v54, v55;
	v11 =	vmax.f32 v11, $0.0e+00;
	[tilespmem:s10+$0xFFFFFFB0] =	vst v10  }
0x2d9: {  	v52 =	vld [tilespmem:s10+$0x0];
	v26 =	vbroadcast v5, $0xA;
	v7 =	vmul.f32 v50, v51;
	v57 =	vmax.f32 v13, $0.0e+00;
	[tilespmem:s10+$0xFFFFFFC0] =	vst v11  }
0x2da: {  	v30 =	vbroadcast v5, $0xB;
	v58 =	vld [tilespmem:s10+$0x40];
	v21 =	vmax.f32 v12, $0.0e+00;
	v13 =	vmul.f32 v61, v63;
	[tilespmem:s10+$0xFFFFFFD0] =	vst v57  }
0x2db: {  	v59 =	vld [tilespmem:s10+$0x50];
	v49 =	vbroadcast v5, $0xE;
	v12 =	vmul.f32 v22, v26;
	v7 =	vmax.f32 v7, $0.0e+00;
	[tilespmem:s10+$0x20] =	vst v21  }
0x2dc: {  	v20 =	vld [tilespmem:s10+$0x80];
	v4 =	vmul.f32 v27, v30;
	[tilespmem:s10+$0xFFFFFFE0] =	vst v7;
	v13 =	vmax.f32 v13, $0.0e+00  }
0x2dd: {  	v24 =	vld [tilespmem:s10+$0xA0];
	v3 =	vmul.f32 v3, v49;
	v12 =	vmax.f32 v12, $0.0e+00;
	[tilespmem:s10+$0x60] =	vst v13  }
0x2de: {  	v62 =	vld [tilespmem:s10+$0x70];
	v6 =	vmul.f32 v52, v55;
	v4 =	vmax.f32 v4, $0.0e+00;
	[tilespmem:s10+$0x90] =	vst v12  }
0x2df: {  	v34 =	vld [tilespmem:s10+$0x120];
	v10 =	vmul.f32 v58, v63;
	v3 =	vmax.f32 v3, $0.0e+00;
	[tilespmem:s10+$0xC0] =	vst v4  }
0x2e0: {  	v40 =	vld [tilespmem:s10+$0x150];
	v11 =	vmul.f32 v59, v63;
	v6 =	vmax.f32 v6, $0.0e+00;
	[tilespmem:s10+$0x1B0] =	vst v3  }
0x2e1: {  	v43 =	vld [tilespmem:s10+$0x170];
	v9 =	vmul.f32 v20, v26;
	v10 =	vmax.f32 v10, $0.0e+00;
	[tilespmem:s10+$0x0] =	vst v6  }
0x2e2: {  	v36 =	vbroadcast v5, $0xC;
	v46 =	vld [tilespmem:s10+$0x190];
	v8 =	vmul.f32 v24, v26;
	v11 =	vmax.f32 v11, $0.0e+00;
	[tilespmem:s10+$0x40] =	vst v10  }
0x2e3: {  	v25 =	vld [tilespmem:s10+$0xB0];
	v44 =	vbroadcast v5, $0xD;
	v7 =	vmul.f32 v62, v63;
	v9 =	vmax.f32 v9, $0.0e+00;
	[tilespmem:s10+$0x50] =	vst v11  }
0x2e4: {  	v28 =	vld [tilespmem:s10+$0xD0];
	v8 =	vmax.f32 v8, $0.0e+00;
	v12 =	vmul.f32 v34, v36;
	[tilespmem:s10+$0x80] =	vst v9  }
0x2e5: {  	v29 =	vld [tilespmem:s10+$0xE0];
	v4 =	vmul.f32 v40, v44;
	v7 =	vmax.f32 v7, $0.0e+00;
	[tilespmem:s10+$0xA0] =	vst v8  }
0x2e6: {  	v31 =	vld [tilespmem:s10+$0xF0];
	v50 =	vmul.f32 v43, v44;
	[tilespmem:s10+$0x70] =	vst v7;
	v12 =	vmax.f32 v12, $0.0e+00  }
0x2e7: {  	v35 =	vld [tilespmem:s10+$0x130];
	v54 =	vmul.f32 v46, v49;
	v4 =	vmax.f32 v4, $0.0e+00;
	[tilespmem:s10+$0x120] =	vst v12  }
0x2e8: {  	v39 =	vld [tilespmem:s10+$0x140];
	v6 =	vmul.f32 v25, v26;
	v53 =	vmax.f32 v50, $0.0e+00;
	[tilespmem:s10+$0x150] =	vst v4  }
0x2e9: {  	v42 =	vld [tilespmem:s10+$0x160];
	v10 =	vmul.f32 v28, v30;
	v57 =	vmax.f32 v54, $0.0e+00;
	[tilespmem:s10+$0x170] =	vst v53  }
0x2ea: {  	v51 =	vld [tilespmem:s10+$0x1C0];
	v11 =	vmul.f32 v29, v30;
	v6 =	vmax.f32 v6, $0.0e+00;
	[tilespmem:s10+$0x190] =	vst v57  }
0x2eb: {  	v32 =	vld [tilespmem:s10+$0x100];
	v38 =	vmul.f32 v31, v30;
	v37 =	vmax.f32 v10, $0.0e+00;
	[tilespmem:s10+$0xB0] =	vst v6  }
0x2ec: {  	v33 =	vld [tilespmem:s10+$0x110];
	v8 =	vmul.f32 v35, v36;
	v11 =	vmax.f32 v11, $0.0e+00;
	[tilespmem:s10+$0xD0] =	vst v37  }
0x2ed: {  	v56 =	vld [tilespmem:s10+$0x1F0];
	v5 =	vbroadcast v5, $0xF;
	v13 =	vmul.f32 v39, v44;
	v10 =	vmax.f32 v38, $0.0e+00;
	[tilespmem:s10+$0xE0] =	vst v11  }
0x2ee: {  	v48 =	vld [tilespmem:s10+$0x1A0];
	v9 =	vmul.f32 v42, v44;
	v47 =	vmax.f32 v8, $0.0e+00;
	[tilespmem:s10+$0xF0] =	vst v10  }
0x2ef: {  	v55 =	vld [tilespmem:s10+$0x1E0];
	v59 =	vmul.f32 v51, v5;
	v13 =	vmax.f32 v13, $0.0e+00;
	[tilespmem:s10+$0x130] =	vst v47  }
0x2f0: {  	v45 =	vld [tilespmem:s10+$0x180];
	v7 =	vmul.f32 v32, v36;
	v9 =	vmax.f32 v9, $0.0e+00;
	[tilespmem:s10+$0x140] =	vst v13  }
0x2f1: {  	v41 =	vmul.f32 v33, v36;
	v52 =	vld [tilespmem:s10+$0x1D0];
	v62 =	vmax.f32 v59, $0.0e+00;
	[tilespmem:s10+$0x160] =	vst v9  }
0x2f2: {  	v3 =	vmul.f32 v56, v5;
	v7 =	vmax.f32 v7, $0.0e+00;
	[tilespmem:s10+$0x1C0] =	vst v62  }
0x2f3: {  	v8 =	vmul.f32 v48, v49;
	v6 =	vmax.f32 v41, $0.0e+00;
	[tilespmem:s10+$0x100] =	vst v7  }
0x2f4: {  	v3 =	vmax.f32 v3, $0.0e+00;
	v61 =	vmul.f32 v55, v5;
	[tilespmem:s10+$0x110] =	vst v6  }
0x2f5: {  	v10 =	vmul.f32 v45, v49;
	v58 =	vmax.f32 v8, $0.0e+00;
	[tilespmem:s0+$0x1F0] =	vst v3  }
0x2f6: {  	s11 =	rddreg [dreg:$0x10];
	v60 =	vmul.f32 v52, v5;
	v63 =	vmax.f32 v61, $0.0e+00;
	[tilespmem:s10+$0x1A0] =	vst v58  }
0x2f7: {  	s1 =	sadd.s32 $0x1, s1;
	s3 =	sadd.s32 s11, s3;
	v10 =	vmax.f32 v10, $0.0e+00;
	[tilespmem:s0+$0x1E0] =	vst v63  }
0x2f8: {  	s13 =	rddreg [dreg:$0x9];
	p0 =	sne.s32 s1, $0xA;
	s3 =	sshll.u32 s3, $0x3;
	v4 =	vmax.f32 v60, $0.0e+00;
	[tilespmem:s10+$0x180] =	vst v10  }
.Ltmp12:
0x2f9: {  	[tilespmem:s0+$0x1D0] =	vst v4;
	s0 =	sadd.s32 s13, s3;
	(pc) =	sbr.rel @p0 .LBB2_20-.Ltmp12, $4  }
0x2fa: {  	[hbm4b:s0+s9] =	stream.linear.scatter [tilespmem:s18], [sflag:$0x6], $0x1000, $0x38;
	[tilespmem:$0x1E970] =	vst v63  }
0x2fb: {  	_ =	swait.ge [sflag:s31], $0x1000  }
0x2fc: {  	[sflag:s31] =	ssyncset.done $0x0  }
0x2fd: {  	[sflag:s31] =	ssyncadd.s32 $0xFFFFF000  }
0x2fe: {  	s1 =	sld [smem:$0x7FA];
	_ =	sdelay $0x2  }
0x2ff: {  	s0 =	rddreg [dreg:$0x11];
	s1 =	sadd.s32 $0x1, s1  }
0x300: {  	p0 =	sne.s32 s1, s0  }
.Ltmp13:
0x301: {  	_ = 	snop;
	(pc) =	sbr.rel @p0 .LBB2_1-.Ltmp13, $1  }
0x302: {  	_ =	sdelay $0x3  }
0x303: {  	_ =	sfence.sel $0x180000  }
0x304: {  	[bflag:$0x0] =	sbarrier.arrive $0xFFFF  }
0x305: {  	_ =	strace $0x90000047  }
0x306: {  	s0 =	stileid.u32;
	[bflag:$0x2] =	sbarrier.arrive $0xFFFF  }
0x307: {  	p0 =	sne.s32 s0, $0x0;
	s0 =	rddreg [dreg:$0x8]  }
0x308: {  	s0 =	sadd.s32 @!p0 $0x100000, s0  }
0x309: {  	[sflag:s0] =	ssyncadd.tile.s32 @!p0 $0x1;
	_ =	shalt  }
.Lfunc_end2:
_tile_overlayer_lowered:
.L_overlay_start_2:
0x30a: {  	(tag) =	ssettag $0x2  }
0x30b: {  	s0 =	rddreg [dreg:$0x0];
	s2 =	stileid.u32  }
0x30c: {  	s1 =	rddreg [dreg:$0x1];
	p0 =	sne.s32 s2, $0x0  }
0x30d: {  	s3 =	rddreg [dreg:$0x2];
	[bflag:$0x3] =	sbarrier.arrive $0xFFFF;
	s2 =	simm.s32 @!p0 $0x1C06  }
0x30e: {  	[timem:s3], [sflag:s2] =	dma.local @!p0 [hbm:s0], s1  }
0x30f: {  	s0 =	simm.s32 @!p0 $0x6  }
0x310: {  	_ =	swait.ge @!p0 [sflag:s0], s1  }
0x311: {  	s1 =	ssub.s32 @!p0 $0x0, s1;
	[sflag:s0] =	ssyncset.done @!p0 $0x0  }
0x312: {  	[sflag:s0] =	ssyncadd.s32 @!p0 s1  }
0x313: {  	[bflag:$0x3] =	sbarrier.arrive $0xFFFF  }
0x314: {  	_ =	shalt  }

</sc_bundles>
